<compile_context>
chip_gen: v7x
topology: tpu7x:2x2x1
jax: 0.10.2.dev20260603
libtpu: 0.0.44.dev20260713+nightly
codegen_flags: <defaults>
</compile_context>

<pallas_src>
import jax
import jax.numpy as jnp
from jax import lax
from jax.experimental import pallas as pl
from jax.experimental.pallas import tpu as pltpu
from jax.experimental.pallas import tpu_sc as plsc

_NC = 2
_NS = 16
_CH = 128
_DD = 32


def _sc_mesh():
    return plsc.VectorSubcoreMesh(
        core_axis_name="c", subcore_axis_name="s",
        num_cores=_NC, num_subcores=_NS)


def _tile_chunks(n_chunks):
    base = n_chunks // (_NC * _NS)
    extra = n_chunks - base * _NC * _NS

    def start_cnt(c, s):
        t = c * _NS + s
        start = base * t + jnp.minimum(t, extra)
        cnt = base + jnp.where(t < extra, 1, 0)
        return start, cnt

    return base, extra, start_cnt


def _make_deg_kernel(n_pad, n_chunks):
    rows = n_pad // _NS
    base, extra, start_cnt = _tile_chunks(n_chunks)
    kmax = base + (1 if extra else 0)

    def body(dst_hbm, ones_hbm, zeros_hbm, out_hbm, dst_v, ones_v, ssems, acc):
        c = lax.axis_index("c")
        s = lax.axis_index("s")
        start, cnt = start_cnt(c, s)
        r0 = s * rows
        pltpu.sync_copy(zeros_hbm.at[pl.ds(r0, rows)], acc.at[pl.ds(r0, rows)])

        @pl.when(cnt == kmax)
        def _():
            pltpu.sync_copy(dst_hbm.at[pl.ds(start, kmax)], dst_v)

        @pl.when(cnt == base)
        def _():
            pltpu.sync_copy(dst_hbm.at[pl.ds(start, base)],
                            dst_v.at[pl.ds(0, base)])

        pltpu.sync_copy(ones_hbm, ones_v)
        plsc.subcore_barrier()

        def step(j, carry):
            @pl.when(j >= 8)
            def _():
                jm = j - 8
                pltpu.make_async_copy(
                    ones_v, acc.at[dst_v.at[jm]], ssems.at[lax.rem(jm, 8)]
                ).wait()
            pltpu.async_copy(ones_v, acc.at[dst_v.at[j]],
                             ssems.at[lax.rem(j, 8)], add=True)
            return carry

        lax.fori_loop(0, cnt, step, 0)
        for dj in range(8):
            pltpu.make_async_copy(
                ones_v, acc.at[dst_v.at[cnt - 8 + dj]],
                ssems.at[lax.rem(cnt - 8 + dj, 8)]).wait()
        plsc.subcore_barrier()
        pltpu.sync_copy(acc.at[pl.ds(r0, rows)],
                        out_hbm.at[c, pl.ds(r0, rows)])

    return pl.kernel(
        body,
        out_type=jax.ShapeDtypeStruct((_NC, n_pad, _DD), jnp.float32),
        mesh=_sc_mesh(),
        compiler_params=pltpu.CompilerParams(use_tc_tiling_on_sc=False),
        scratch_types=[
            pltpu.VMEM((kmax, _CH), jnp.int32),
            pltpu.VMEM((_CH, _DD), jnp.float32),
            pltpu.SemaphoreType.DMA((8,)),
            pltpu.VMEM_SHARED((n_pad, _DD), jnp.float32),
        ],
    )


def _make_agg_kernel(n, n_pad, n_chunks, d_feat):
    rows = n_pad // _NS
    base, extra, start_cnt = _tile_chunks(n_chunks)
    kmax = base + (1 if extra else 0)

    def body(g_hbm, src_hbm, dst_hbm, zeros_hbm, out_hbm,
             src_v, dst_v, rows_v, gsems, ssems, acc):
        c = lax.axis_index("c")
        s = lax.axis_index("s")
        start, cnt = start_cnt(c, s)
        r0 = s * rows
        pltpu.sync_copy(zeros_hbm.at[pl.ds(r0, rows)], acc.at[pl.ds(r0, rows)])

        @pl.when(cnt == kmax)
        def _():
            pltpu.sync_copy(src_hbm.at[pl.ds(start, kmax)], src_v)
            pltpu.sync_copy(dst_hbm.at[pl.ds(start, kmax)], dst_v)

        @pl.when(cnt == base)
        def _():
            pltpu.sync_copy(src_hbm.at[pl.ds(start, base)],
                            src_v.at[pl.ds(0, base)])
            pltpu.sync_copy(dst_hbm.at[pl.ds(start, base)],
                            dst_v.at[pl.ds(0, base)])

        plsc.subcore_barrier()

        for p in range(8):
            pltpu.async_copy(g_hbm.at[src_v.at[p]], rows_v.at[p], gsems.at[p])

        def step(j, carry):
            b16 = lax.rem(j, 16)
            pltpu.make_async_copy(
                g_hbm.at[src_v.at[j]], rows_v.at[b16], gsems.at[b16]).wait()

            @pl.when(j >= 8)
            def _():
                jm = j - 8
                pltpu.make_async_copy(
                    rows_v.at[lax.rem(jm, 16)], acc.at[dst_v.at[jm]],
                    ssems.at[lax.rem(jm, 8)]).wait()

            @pl.when(j + 8 < cnt)
            def _():
                jp = j + 8
                bp = lax.rem(jp, 16)
                pltpu.async_copy(
                    g_hbm.at[src_v.at[jp]], rows_v.at[bp], gsems.at[bp])

            pltpu.async_copy(rows_v.at[b16], acc.at[dst_v.at[j]],
                             ssems.at[lax.rem(j, 8)], add=True)
            return carry

        lax.fori_loop(0, cnt, step, 0)
        for dj in range(8):
            pltpu.make_async_copy(
                rows_v.at[lax.rem(cnt - 8 + dj, 16)],
                acc.at[dst_v.at[cnt - 8 + dj]],
                ssems.at[lax.rem(cnt - 8 + dj, 8)]).wait()
        plsc.subcore_barrier()
        pltpu.sync_copy(acc.at[pl.ds(r0, rows)],
                        out_hbm.at[c, pl.ds(r0, rows)])

    return pl.kernel(
        body,
        out_type=jax.ShapeDtypeStruct((_NC, n_pad, d_feat), jnp.float32),
        mesh=_sc_mesh(),
        compiler_params=pltpu.CompilerParams(use_tc_tiling_on_sc=False),
        scratch_types=[
            pltpu.VMEM((kmax, _CH), jnp.int32),
            pltpu.VMEM((kmax, _CH), jnp.int32),
            pltpu.VMEM((16, _CH, d_feat), jnp.float32),
            pltpu.SemaphoreType.DMA((16,)),
            pltpu.SemaphoreType.DMA((8,)),
            pltpu.VMEM_SHARED((n_pad, d_feat), jnp.float32),
        ],
    )


def _make_edge_repack_body(n_chunks):
    def body(ei_ref, src_ref, dst_ref):
        src_ref[...] = jnp.reshape(ei_ref[0], (n_chunks, _CH))
        dst_ref[...] = jnp.reshape(ei_ref[1], (n_chunks, _CH))
    return body


def _tc_a1_body(xv_ref, w1bd_ref, h1_ref):
    h1_ref[...] = jnp.dot(xv_ref[...], w1bd_ref[...],
                          preferred_element_type=jnp.float32)


def _make_tc_a2_body(nr):
    def body(dp_ref, h1_ref, p16_ref, g1_ref, d32_ref, d16_ref):
        deg = dp_ref[0, :nr] + dp_ref[1, :nr] + 1.0
        d32 = lax.rsqrt(deg)
        d32_ref[...] = d32
        d16_ref[...] = jnp.dot(d32, p16_ref[...],
                               preferred_element_type=jnp.float32)
        g1_ref[...] = d32 * h1_ref[...]
    return body


def _make_tc_b_body(nr):
    def body(ap_ref, g1_ref, d32_ref, d16_ref, b1_ref, w2bd_ref, g2_ref):
        t = ap_ref[0, :nr] + ap_ref[1, :nr] + g1_ref[...]
        z1 = jnp.maximum(d32_ref[...] * t + b1_ref[...], 0.0)
        h2 = jnp.dot(z1, w2bd_ref[...], preferred_element_type=jnp.float32)
        g2_ref[...] = d16_ref[...] * h2
    return body


def _make_tc_c_body(nr, ncls):
    def body(ap_ref, g2_ref, d16_ref, b2_ref, wcbd_ref, bc_ref, gg_ref,
             out_ref):
        t = ap_ref[0, :nr] + ap_ref[1, :nr] + g2_ref[...]
        z2 = jnp.maximum(d16_ref[...] * t + b2_ref[...], 0.0)
        lp = jnp.dot(z2, wcbd_ref[...],
                     preferred_element_type=jnp.float32) + bc_ref[...]
        m = lp
        sh = 1
        while sh < 8 * ncls:
            m = jnp.maximum(m, pltpu.roll(m, sh, 1))
            sh *= 2
        ex = jnp.exp(lp - m)
        s = jnp.dot(ex, gg_ref[...], preferred_element_type=jnp.float32)
        out_ref[...] = lp - m - jnp.log(s)
    return body


def kernel(x, edge_index, W1, b1, W2, b2, Wc, bc):
    n, f = x.shape
    e = edge_index.shape[1]
    d1 = W1.shape[1]
    d2 = W2.shape[1]
    ncls = Wc.shape[1]

    n_chunks = e // _CH
    assert n_chunks * _CH == e
    n_pad = -(-n // (8 * _NS)) * (8 * _NS)

    ei = edge_index.astype(jnp.int32)
    src2d, dst2d = pl.pallas_call(
        _make_edge_repack_body(n_chunks),
        out_shape=[
            jax.ShapeDtypeStruct((n_chunks, _CH), jnp.int32),
            jax.ShapeDtypeStruct((n_chunks, _CH), jnp.int32),
        ],
    )(ei)

    ones_dd = jnp.ones((_CH * _DD,), jnp.float32).reshape(_CH, _DD)
    z_d1 = jnp.zeros((n_pad * d1,), jnp.float32).reshape(n_pad, d1)
    z_d2 = jnp.zeros((n_pad * d2,), jnp.float32).reshape(n_pad, d2)
    z_dd = z_d1 if _DD == d1 else jnp.zeros(
        (n_pad * _DD,), jnp.float32).reshape(n_pad, _DD)

    i1 = jnp.arange(8 * d1)
    i2 = jnp.arange(8 * d2)
    ic = jnp.arange(8 * ncls)
    p16 = (i1[:, None] == (i2[None, :] // d2) * d1).astype(jnp.float32)
    gg = ((ic[:, None] // ncls) == (ic[None, :] // ncls)).astype(jnp.float32)

    eye8 = jnp.eye(8, dtype=jnp.float32)
    w1bd = jnp.kron(eye8, W1)
    w2bd = jnp.kron(eye8, W2)
    wcbd = jnp.kron(eye8, Wc)
    b1t = jnp.tile(b1, 8).reshape(1, 8 * d1)
    bct = jnp.tile(bc, 8).reshape(1, 8 * ncls)
    b2t = jnp.tile(b2, 8).reshape(1, 8 * d2)

    nr = n // 8
    nrp1 = n_pad * d1 // (8 * d1)
    nrp2 = n_pad * d2 // (8 * d2)
    nrd = n_pad * _DD // 128

    xv = x.reshape(nr, 8 * f)

    h1 = pl.pallas_call(
        _tc_a1_body,
        out_shape=jax.ShapeDtypeStruct((nr, 8 * d1), jnp.float32),
    )(xv, w1bd)

    deg_p = _make_deg_kernel(n_pad, n_chunks)(dst2d, ones_dd, z_dd)
    deg_pk = deg_p.reshape(_NC, n_pad * _DD // (8 * d1), 8 * d1)

    g1, d32, d16 = pl.pallas_call(
        _make_tc_a2_body(nr),
        out_shape=[
            jax.ShapeDtypeStruct((nr, 8 * d1), jnp.float32),
            jax.ShapeDtypeStruct((nr, 8 * d1), jnp.float32),
            jax.ShapeDtypeStruct((nr, 8 * d2), jnp.float32),
        ],
    )(deg_pk, h1, p16)

    agg1 = _make_agg_kernel(n, n_pad, n_chunks, d1)(
        g1.reshape(n, d1), src2d, dst2d, z_d1)
    agg1_pk = agg1.reshape(_NC, nrp1, 8 * d1)

    g2 = pl.pallas_call(
        _make_tc_b_body(nr),
        out_shape=jax.ShapeDtypeStruct((nr, 8 * d2), jnp.float32),
    )(agg1_pk, g1, d32, d16, b1t, w2bd)

    agg2 = _make_agg_kernel(n, n_pad, n_chunks, d2)(
        g2.reshape(n, d2), src2d, dst2d, z_d2)
    agg2_pk = agg2.reshape(_NC, nrp2, 8 * d2)

    out_pk = pl.pallas_call(
        _make_tc_c_body(nr, ncls),
        out_shape=jax.ShapeDtypeStruct((nr, 8 * ncls), jnp.float32),
    )(agg2_pk, g2, d16, b2t, wcbd, bct, gg)

    return out_pk.reshape(n, ncls)

# --- scband reference (transcript-rebuilt; emitter-appended) ---
"""Pipeline reference for scband-handover-gcn-77163382440451 (READ-ONLY COPY).

The authoritative reference and input builder live on the scoring server;
editing this copy changes nothing except your own understanding.
"""

import jax, jax.numpy as jnp
import numpy as np

N_NODES = 10000
N_EDGES = 320000
D_FEAT = 128
NUM_CLASSES = 10


def setup_inputs(seed: int = 0) -> dict:
    key = jax.random.key(seed)
    ks = jax.random.split(key, 8)
    x = jax.random.normal(ks[0], (N_NODES, D_FEAT), dtype=jnp.float32)
    edge_index = jax.random.randint(ks[1], (2, N_EDGES), 0, N_NODES, dtype=jnp.int64)
    W1 = jax.random.normal(ks[2], (D_FEAT, 32), dtype=jnp.float32) * (1.0 / np.sqrt(D_FEAT))
    b1 = jnp.zeros((32,), dtype=jnp.float32)
    W2 = jax.random.normal(ks[3], (32, 16), dtype=jnp.float32) * (1.0 / np.sqrt(32))
    b2 = jnp.zeros((16,), dtype=jnp.float32)
    Wc = jax.random.normal(ks[4], (16, NUM_CLASSES), dtype=jnp.float32) * (1.0 / np.sqrt(16))
    bc = jnp.zeros((NUM_CLASSES,), dtype=jnp.float32)
    return {"x": x, "edge_index": edge_index, "W1": W1, "b1": b1, "W2": W2, "b2": b2, "Wc": Wc, "bc": bc}


def _gcn_conv(x, src, dst, norm, W, b, num_nodes):
    h = x @ W
    msgs = h[src] * norm[:, None]
    out = jnp.zeros((num_nodes, h.shape[1]), dtype=h.dtype).at[dst].add(msgs)
    return out + b


def _edges_with_self_loops(edge_index, num_nodes):
    loop = jnp.arange(num_nodes, dtype=edge_index.dtype)
    src = jnp.concatenate([edge_index[0], loop])
    dst = jnp.concatenate([edge_index[1], loop])
    deg = jnp.zeros((num_nodes,), dtype=jnp.float32).at[dst].add(1.0)
    deg_inv_sqrt = jnp.where(deg > 0, deg ** -0.5, 0.0)
    norm = deg_inv_sqrt[src] * deg_inv_sqrt[dst]
    return src, dst, norm


def reference(x, edge_index, W1, b1, W2, b2, Wc, bc):
    num_nodes = x.shape[0]
    src, dst, norm = _edges_with_self_loops(edge_index, num_nodes)
    h = _gcn_conv(x, src, dst, norm, W1, b1, num_nodes)
    h = jax.nn.relu(h)
    # dropout is identity in eval mode
    h = _gcn_conv(h, src, dst, norm, W2, b2, num_nodes)
    h = jax.nn.relu(h)
    logits = h @ Wc + bc
    return jax.nn.log_softmax(logits, axis=1)

if __name__ == "__main__":
    import jax
    _d = setup_inputs()
    print(jax.jit(kernel)(*tuple(_d.values())))

</pallas_src>

<mosaic_0001>
#map = affine_map<(d0, d1) -> (0, 0)>
#map1 = affine_map<(d0, d1) -> (0, 0, 0)>
module attributes {stable_mosaic.version = 14 : i64} {
  func.func @body(%arg0: i32, %arg1: i32, %arg2: memref<2500x128xi32, #tpu.memory_space<hbm>>, %arg3: memref<128x32xf32, #tpu.memory_space<hbm>>, %arg4: memref<10112x32xf32, #tpu.memory_space<hbm>>, %arg5: memref<2x10112x32xf32, #tpu.memory_space<hbm>>, %arg6: memref<79x128xi32, #tpu.memory_space<vmem>>, %arg7: memref<128x32xf32, #tpu.memory_space<vmem>>, %arg8: memref<8x!tpu.dma_semaphore, #tpu.memory_space<semaphore_mem>>, %arg9: memref<10112x32xf32, #tpu.memory_space<vmem_shared>>) attributes {dimension_semantics = [#tpu.dimension_semantics<core_parallel>, #tpu.dimension_semantics<subcore_parallel>], iteration_bounds = array<i64: 2, 16>, scalar_prefetch = 0 : i64, scratch_operands = 4 : i64, tpu.core_type = #tpu.core_type<sc_vector_subcore>, window_params = [{transform_indices = #map}, {transform_indices = #map}, {transform_indices = #map}, {transform_indices = #map1}]} {
    %mul3A = arith.constant 16 : i32
    %mul3A_0 = arith.muli %arg0, %mul3A : i32
    %add3A = arith.addi %mul3A_0, %arg1 : i32
    %mul3A_1 = arith.constant 78 : i32
    %mul3A_2 = arith.muli %mul3A_1, %add3A : i32
    %min3A = arith.constant 4 : i32
    %min3A_3 = arith.minsi %add3A, %min3A : i32
    %add3A_4 = arith.addi %mul3A_2, %min3A_3 : i32
    %lt3A = arith.constant 4 : i32
    %lt3A_5 = arith.cmpi slt, %add3A, %lt3A : i32
    %jit3A = arith.constant 1 : i32
    %jit3A_6 = arith.constant 0 : i32
    %select_n3A = arith.select %lt3A_5, %jit3A, %jit3A_6 : i32
    %add3A_7 = arith.constant 78 : i32
    %add3A_8 = arith.addi %add3A_7, %select_n3A : i32
    %mul3A_9 = arith.constant 632 : i32
    %mul3A_10 = arith.muli %arg1, %mul3A_9 : i32
    "tpu.region"() ({
      %run_scoped3A = tpu.sem_alloc : memref<!tpu.dma_semaphore, #tpu.memory_space<semaphore_mem>>
      %dma_start3A = arith.constant 0 : i32
      %dma_start3A_169 = tpu.memref_slice %arg9[%mul3A_10, %dma_start3A] : memref<10112x32xf32, #tpu.memory_space<vmem_shared>> -> memref<632x32xf32, #tpu.memory_space<vmem_shared>>
      %dma_start3A_170 = arith.constant 0 : i32
      %dma_start3A_171 = tpu.memref_slice %arg4[%mul3A_10, %dma_start3A_170] : memref<10112x32xf32, #tpu.memory_space<hbm>> -> memref<632x32xf32, #tpu.memory_space<hbm>>
      tpu.enqueue_dma source(%dma_start3A_171 : memref<632x32xf32, #tpu.memory_space<hbm>>) target(%dma_start3A_169 : memref<632x32xf32, #tpu.memory_space<vmem_shared>>) target_semaphore(%run_scoped3A : memref<!tpu.dma_semaphore, #tpu.memory_space<semaphore_mem>>)
      %dma_wait3A_172 = arith.constant 0 : i32
      %dma_wait3A_173 = tpu.memref_slice %arg9[%mul3A_10, %dma_wait3A_172] : memref<10112x32xf32, #tpu.memory_space<vmem_shared>> -> memref<632x32xf32, #tpu.memory_space<vmem_shared>>
      %dma_wait3A_174 = arith.constant 0 : i32
      %dma_wait3A_175 = tpu.memref_slice %arg4[%mul3A_10, %dma_wait3A_174] : memref<10112x32xf32, #tpu.memory_space<hbm>> -> memref<632x32xf32, #tpu.memory_space<hbm>>
      tpu.wait_dma2 semaphore(%run_scoped3A : memref<!tpu.dma_semaphore, #tpu.memory_space<semaphore_mem>>) src(%dma_wait3A_175 : memref<632x32xf32, #tpu.memory_space<hbm>>) dst(%dma_wait3A_173 : memref<632x32xf32, #tpu.memory_space<vmem_shared>>)
      tpu.yield
    }) : () -> ()
    %eq3A = arith.constant 79 : i32
    %eq3A_11 = arith.cmpi eq, %add3A_8, %eq3A : i32
    %convert_element_type3A = arith.extui %eq3A_11 : i1 to i32
    %cond3A = arith.constant 0 : i32
    %cond3A_12 = arith.cmpi ne, %convert_element_type3A, %cond3A : i32
    scf.if %cond3A_12 {
      "tpu.region"() ({
        %run_scoped3A = tpu.sem_alloc : memref<!tpu.dma_semaphore, #tpu.memory_space<semaphore_mem>>
        %dma_start3A = arith.constant 0 : i32
        %dma_start3A_169 = tpu.memref_slice %arg2[%add3A_4, %dma_start3A] : memref<2500x128xi32, #tpu.memory_space<hbm>> -> memref<79x128xi32, #tpu.memory_space<hbm>>
        %dma_start3A_170 = arith.constant 0 : i32
        %dma_start3A_171 = tpu.memref_slice %arg2[%add3A_4, %dma_start3A_170] : memref<2500x128xi32, #tpu.memory_space<hbm>> -> memref<79x128xi32, #tpu.memory_space<hbm>>
        tpu.enqueue_dma source(%dma_start3A_171 : memref<79x128xi32, #tpu.memory_space<hbm>>) target(%arg6 : memref<79x128xi32, #tpu.memory_space<vmem>>) target_semaphore(%run_scoped3A : memref<!tpu.dma_semaphore, #tpu.memory_space<semaphore_mem>>)
        %dma_wait3A_172 = arith.constant 0 : i32
        %dma_wait3A_173 = tpu.memref_slice %arg2[%add3A_4, %dma_wait3A_172] : memref<2500x128xi32, #tpu.memory_space<hbm>> -> memref<79x128xi32, #tpu.memory_space<hbm>>
        %dma_wait3A_174 = arith.constant 0 : i32
        %dma_wait3A_175 = tpu.memref_slice %arg2[%add3A_4, %dma_wait3A_174] : memref<2500x128xi32, #tpu.memory_space<hbm>> -> memref<79x128xi32, #tpu.memory_space<hbm>>
        tpu.wait_dma2 semaphore(%run_scoped3A : memref<!tpu.dma_semaphore, #tpu.memory_space<semaphore_mem>>) src(%dma_wait3A_175 : memref<79x128xi32, #tpu.memory_space<hbm>>) dst(%arg6 : memref<79x128xi32, #tpu.memory_space<vmem>>)
        tpu.yield
      }) : () -> ()
    } else {
    }
    %eq3A_13 = arith.constant 78 : i32
    %eq3A_14 = arith.cmpi eq, %add3A_8, %eq3A_13 : i32
    %convert_element_type3A_15 = arith.extui %eq3A_14 : i1 to i32
    %cond3A_16 = arith.constant 0 : i32
    %cond3A_17 = arith.cmpi ne, %convert_element_type3A_15, %cond3A_16 : i32
    scf.if %cond3A_17 {
      "tpu.region"() ({
        %run_scoped3A = tpu.sem_alloc : memref<!tpu.dma_semaphore, #tpu.memory_space<semaphore_mem>>
        %dma_start3A = arith.constant 0 : i32
        %dma_start3A_169 = arith.constant 0 : i32
        %dma_start3A_170 = tpu.memref_slice %arg6[%dma_start3A, %dma_start3A_169] : memref<79x128xi32, #tpu.memory_space<vmem>> -> memref<78x128xi32, #tpu.memory_space<vmem>>
        %dma_start3A_171 = arith.constant 0 : i32
        %dma_start3A_172 = tpu.memref_slice %arg2[%add3A_4, %dma_start3A_171] : memref<2500x128xi32, #tpu.memory_space<hbm>> -> memref<78x128xi32, #tpu.memory_space<hbm>>
        %dma_start3A_173 = arith.constant 0 : i32
        %dma_start3A_174 = arith.constant 0 : i32
        %dma_start3A_175 = tpu.memref_slice %arg6[%dma_start3A_173, %dma_start3A_174] : memref<79x128xi32, #tpu.memory_space<vmem>> -> memref<78x128xi32, #tpu.memory_space<vmem>>
        %dma_start3A_176 = arith.constant 0 : i32
        %dma_start3A_177 = tpu.memref_slice %arg2[%add3A_4, %dma_start3A_176] : memref<2500x128xi32, #tpu.memory_space<hbm>> -> memref<78x128xi32, #tpu.memory_space<hbm>>
        tpu.enqueue_dma source(%dma_start3A_177 : memref<78x128xi32, #tpu.memory_space<hbm>>) target(%dma_start3A_175 : memref<78x128xi32, #tpu.memory_space<vmem>>) target_semaphore(%run_scoped3A : memref<!tpu.dma_semaphore, #tpu.memory_space<semaphore_mem>>)
        %dma_wait3A_178 = arith.constant 0 : i32
        %dma_wait3A_179 = arith.constant 0 : i32
        %dma_wait3A_180 = tpu.memref_slice %arg6[%dma_wait3A_178, %dma_wait3A_179] : memref<79x128xi32, #tpu.memory_space<vmem>> -> memref<78x128xi32, #tpu.memory_space<vmem>>
        %dma_wait3A_181 = arith.constant 0 : i32
        %dma_wait3A_182 = tpu.memref_slice %arg2[%add3A_4, %dma_wait3A_181] : memref<2500x128xi32, #tpu.memory_space<hbm>> -> memref<78x128xi32, #tpu.memory_space<hbm>>
        %dma_wait3A_183 = arith.constant 0 : i32
        %dma_wait3A_184 = arith.constant 0 : i32
        %dma_wait3A_185 = tpu.memref_slice %arg6[%dma_wait3A_183, %dma_wait3A_184] : memref<79x128xi32, #tpu.memory_space<vmem>> -> memref<78x128xi32, #tpu.memory_space<vmem>>
        %dma_wait3A_186 = arith.constant 0 : i32
        %dma_wait3A_187 = tpu.memref_slice %arg2[%add3A_4, %dma_wait3A_186] : memref<2500x128xi32, #tpu.memory_space<hbm>> -> memref<78x128xi32, #tpu.memory_space<hbm>>
        tpu.wait_dma2 semaphore(%run_scoped3A : memref<!tpu.dma_semaphore, #tpu.memory_space<semaphore_mem>>) src(%dma_wait3A_187 : memref<78x128xi32, #tpu.memory_space<hbm>>) dst(%dma_wait3A_185 : memref<78x128xi32, #tpu.memory_space<vmem>>)
        tpu.yield
      }) : () -> ()
    } else {
    }
    "tpu.region"() ({
      %run_scoped3A = tpu.sem_alloc : memref<!tpu.dma_semaphore, #tpu.memory_space<semaphore_mem>>
      tpu.enqueue_dma source(%arg3 : memref<128x32xf32, #tpu.memory_space<hbm>>) target(%arg7 : memref<128x32xf32, #tpu.memory_space<vmem>>) target_semaphore(%run_scoped3A : memref<!tpu.dma_semaphore, #tpu.memory_space<semaphore_mem>>)
      tpu.wait_dma2 semaphore(%run_scoped3A : memref<!tpu.dma_semaphore, #tpu.memory_space<semaphore_mem>>) src(%arg3 : memref<128x32xf32, #tpu.memory_space<hbm>>) dst(%arg7 : memref<128x32xf32, #tpu.memory_space<vmem>>)
      tpu.yield
    }) : () -> ()
    %barrier3A = arith.constant 0 : index
    tpu.barrier barrier_id(%barrier3A)
    %while3A = arith.constant 0 : i32
    %while3A_18 = arith.constant 0 : i32
    %while3A_19 = arith.subi %add3A_8, %while3A_18 : i32
    %while3A_20 = arith.addi %while3A_18, %while3A_19 : i32
    %while3A_21 = arith.constant 1 : i32
    %while3A_22 = arith.divsi %while3A_19, %while3A_21 : i32
    %while3A_23 = arith.muli %while3A_22, %while3A_21 : i32
    %while3A_24 = arith.addi %while3A_18, %while3A_23 : i32
    %while3A_25 = arith.constant 1 : i32
    scf.for %while3A_169 = %while3A_18 to %while3A_24 step %while3A_25  : i32 {
      %ge3A = arith.constant 8 : i32
      %ge3A_170 = arith.cmpi sge, %while3A_169, %ge3A : i32
      %convert_element_type3A_171 = arith.extui %ge3A_170 : i1 to i32
      %cond3A_172 = arith.constant 0 : i32
      %cond3A_173 = arith.cmpi ne, %convert_element_type3A_171, %cond3A_172 : i32
      scf.if %cond3A_173 {
        %sub3A_183 = arith.constant 8 : i32
        %sub3A_184 = arith.subi %while3A_169, %sub3A_183 : i32
        %rem3A_185 = arith.constant 8 : i32
        %rem3A_186 = arith.remsi %sub3A_184, %rem3A_185 : i32
        %dma_wait3A_187 = arith.constant 0 : i32
        %dma_wait3A_188 = tpu.memref_slice %arg6[%sub3A_184, %dma_wait3A_187] : memref<79x128xi32, #tpu.memory_space<vmem>> -> memref<1x128xi32, #tpu.memory_space<vmem>>
        %dma_wait3A_189 = tpu.memref_squeeze %dma_wait3A_188 : memref<1x128xi32, #tpu.memory_space<vmem>> -> memref<128xi32, #tpu.memory_space<vmem>>
        %dma_wait3A_190 = arith.constant 0 : i32
        %dma_wait3A_191 = arith.constant 0 : i32
        %dma_wait3A_192 = tpu.memref_slice %arg9[%dma_wait3A_190, %dma_wait3A_191] : memref<10112x32xf32, #tpu.memory_space<vmem_shared>> -> memref<10112x32xf32, #tpu.memory_space<vmem_shared>>
        %dma_wait3A_193 = tpu.memref_slice %arg8[%rem3A_186] : memref<8x!tpu.dma_semaphore, #tpu.memory_space<semaphore_mem>> -> memref<1x!tpu.dma_semaphore, #tpu.memory_space<semaphore_mem>>
        %dma_wait3A_194 = tpu.memref_squeeze %dma_wait3A_193 : memref<1x!tpu.dma_semaphore, #tpu.memory_space<semaphore_mem>> -> memref<!tpu.dma_semaphore, #tpu.memory_space<semaphore_mem>>
        tpu.wait_indirect_dma semaphore(%dma_wait3A_194 : memref<!tpu.dma_semaphore, #tpu.memory_space<semaphore_mem>>) src(%arg7 : memref<128x32xf32, #tpu.memory_space<vmem>>) dst(%dma_wait3A_192 : memref<10112x32xf32, #tpu.memory_space<vmem_shared>>)
      } else {
      }
      %rem3A_174 = arith.constant 8 : i32
      %rem3A_175 = arith.remsi %while3A_169, %rem3A_174 : i32
      %dma_start3A = arith.constant 0 : i32
      %dma_start3A_176 = tpu.memref_slice %arg6[%while3A_169, %dma_start3A] : memref<79x128xi32, #tpu.memory_space<vmem>> -> memref<1x128xi32, #tpu.memory_space<vmem>>
      %dma_start3A_177 = tpu.memref_squeeze %dma_start3A_176 : memref<1x128xi32, #tpu.memory_space<vmem>> -> memref<128xi32, #tpu.memory_space<vmem>>
      %dma_start3A_178 = arith.constant 0 : i32
      %dma_start3A_179 = arith.constant 0 : i32
      %dma_start3A_180 = tpu.memref_slice %arg9[%dma_start3A_178, %dma_start3A_179] : memref<10112x32xf32, #tpu.memory_space<vmem_shared>> -> memref<10112x32xf32, #tpu.memory_space<vmem_shared>>
      %dma_start3A_181 = tpu.memref_slice %arg8[%rem3A_175] : memref<8x!tpu.dma_semaphore, #tpu.memory_space<semaphore_mem>> -> memref<1x!tpu.dma_semaphore, #tpu.memory_space<semaphore_mem>>
      %dma_start3A_182 = tpu.memref_squeeze %dma_start3A_181 : memref<1x!tpu.dma_semaphore, #tpu.memory_space<semaphore_mem>> -> memref<!tpu.dma_semaphore, #tpu.memory_space<semaphore_mem>>
      tpu.enqueue_indirect_dma source(%arg7 : memref<128x32xf32, #tpu.memory_space<vmem>>) target(%dma_start3A_180 : memref<10112x32xf32, #tpu.memory_space<vmem_shared>>) offsets(%dma_start3A_177 : memref<128xi32, #tpu.memory_space<vmem>>) semaphore(%dma_start3A_182 : memref<!tpu.dma_semaphore, #tpu.memory_space<semaphore_mem>>) {add = true}
    }
    %while3A_26 = arith.constant 1 : i32
    scf.for %while3A_169 = %while3A_24 to %while3A_20 step %while3A_26  : i32 {
      %ge3A = arith.constant 8 : i32
      %ge3A_170 = arith.cmpi sge, %while3A_169, %ge3A : i32
      %convert_element_type3A_171 = arith.extui %ge3A_170 : i1 to i32
      %cond3A_172 = arith.constant 0 : i32
      %cond3A_173 = arith.cmpi ne, %convert_element_type3A_171, %cond3A_172 : i32
      scf.if %cond3A_173 {
        %sub3A_183 = arith.constant 8 : i32
        %sub3A_184 = arith.subi %while3A_169, %sub3A_183 : i32
        %rem3A_185 = arith.constant 8 : i32
        %rem3A_186 = arith.remsi %sub3A_184, %rem3A_185 : i32
        %dma_wait3A_187 = arith.constant 0 : i32
        %dma_wait3A_188 = tpu.memref_slice %arg6[%sub3A_184, %dma_wait3A_187] : memref<79x128xi32, #tpu.memory_space<vmem>> -> memref<1x128xi32, #tpu.memory_space<vmem>>
        %dma_wait3A_189 = tpu.memref_squeeze %dma_wait3A_188 : memref<1x128xi32, #tpu.memory_space<vmem>> -> memref<128xi32, #tpu.memory_space<vmem>>
        %dma_wait3A_190 = arith.constant 0 : i32
        %dma_wait3A_191 = arith.constant 0 : i32
        %dma_wait3A_192 = tpu.memref_slice %arg9[%dma_wait3A_190, %dma_wait3A_191] : memref<10112x32xf32, #tpu.memory_space<vmem_shared>> -> memref<10112x32xf32, #tpu.memory_space<vmem_shared>>
        %dma_wait3A_193 = tpu.memref_slice %arg8[%rem3A_186] : memref<8x!tpu.dma_semaphore, #tpu.memory_space<semaphore_mem>> -> memref<1x!tpu.dma_semaphore, #tpu.memory_space<semaphore_mem>>
        %dma_wait3A_194 = tpu.memref_squeeze %dma_wait3A_193 : memref<1x!tpu.dma_semaphore, #tpu.memory_space<semaphore_mem>> -> memref<!tpu.dma_semaphore, #tpu.memory_space<semaphore_mem>>
        tpu.wait_indirect_dma semaphore(%dma_wait3A_194 : memref<!tpu.dma_semaphore, #tpu.memory_space<semaphore_mem>>) src(%arg7 : memref<128x32xf32, #tpu.memory_space<vmem>>) dst(%dma_wait3A_192 : memref<10112x32xf32, #tpu.memory_space<vmem_shared>>)
      } else {
      }
      %rem3A_174 = arith.constant 8 : i32
      %rem3A_175 = arith.remsi %while3A_169, %rem3A_174 : i32
      %dma_start3A = arith.constant 0 : i32
      %dma_start3A_176 = tpu.memref_slice %arg6[%while3A_169, %dma_start3A] : memref<79x128xi32, #tpu.memory_space<vmem>> -> memref<1x128xi32, #tpu.memory_space<vmem>>
      %dma_start3A_177 = tpu.memref_squeeze %dma_start3A_176 : memref<1x128xi32, #tpu.memory_space<vmem>> -> memref<128xi32, #tpu.memory_space<vmem>>
      %dma_start3A_178 = arith.constant 0 : i32
      %dma_start3A_179 = arith.constant 0 : i32
      %dma_start3A_180 = tpu.memref_slice %arg9[%dma_start3A_178, %dma_start3A_179] : memref<10112x32xf32, #tpu.memory_space<vmem_shared>> -> memref<10112x32xf32, #tpu.memory_space<vmem_shared>>
      %dma_start3A_181 = tpu.memref_slice %arg8[%rem3A_175] : memref<8x!tpu.dma_semaphore, #tpu.memory_space<semaphore_mem>> -> memref<1x!tpu.dma_semaphore, #tpu.memory_space<semaphore_mem>>
      %dma_start3A_182 = tpu.memref_squeeze %dma_start3A_181 : memref<1x!tpu.dma_semaphore, #tpu.memory_space<semaphore_mem>> -> memref<!tpu.dma_semaphore, #tpu.memory_space<semaphore_mem>>
      tpu.enqueue_indirect_dma source(%arg7 : memref<128x32xf32, #tpu.memory_space<vmem>>) target(%dma_start3A_180 : memref<10112x32xf32, #tpu.memory_space<vmem_shared>>) offsets(%dma_start3A_177 : memref<128xi32, #tpu.memory_space<vmem>>) semaphore(%dma_start3A_182 : memref<!tpu.dma_semaphore, #tpu.memory_space<semaphore_mem>>) {add = true}
    }
    %sub3A = arith.constant 8 : i32
    %sub3A_27 = arith.subi %add3A_8, %sub3A : i32
    %add3A_28 = arith.constant 0 : i32
    %add3A_29 = arith.addi %sub3A_27, %add3A_28 : i32
    %sub3A_30 = arith.constant 8 : i32
    %sub3A_31 = arith.subi %add3A_8, %sub3A_30 : i32
    %add3A_32 = arith.constant 0 : i32
    %add3A_33 = arith.addi %sub3A_31, %add3A_32 : i32
    %rem3A = arith.constant 8 : i32
    %rem3A_34 = arith.remsi %add3A_33, %rem3A : i32
    %dma_wait3A = arith.constant 0 : i32
    %dma_wait3A_35 = tpu.memref_slice %arg6[%add3A_29, %dma_wait3A] : memref<79x128xi32, #tpu.memory_space<vmem>> -> memref<1x128xi32, #tpu.memory_space<vmem>>
    %dma_wait3A_36 = tpu.memref_squeeze %dma_wait3A_35 : memref<1x128xi32, #tpu.memory_space<vmem>> -> memref<128xi32, #tpu.memory_space<vmem>>
    %dma_wait3A_37 = arith.constant 0 : i32
    %dma_wait3A_38 = arith.constant 0 : i32
    %dma_wait3A_39 = tpu.memref_slice %arg9[%dma_wait3A_37, %dma_wait3A_38] : memref<10112x32xf32, #tpu.memory_space<vmem_shared>> -> memref<10112x32xf32, #tpu.memory_space<vmem_shared>>
    %dma_wait3A_40 = tpu.memref_slice %arg8[%rem3A_34] : memref<8x!tpu.dma_semaphore, #tpu.memory_space<semaphore_mem>> -> memref<1x!tpu.dma_semaphore, #tpu.memory_space<semaphore_mem>>
    %dma_wait3A_41 = tpu.memref_squeeze %dma_wait3A_40 : memref<1x!tpu.dma_semaphore, #tpu.memory_space<semaphore_mem>> -> memref<!tpu.dma_semaphore, #tpu.memory_space<semaphore_mem>>
    tpu.wait_indirect_dma semaphore(%dma_wait3A_41 : memref<!tpu.dma_semaphore, #tpu.memory_space<semaphore_mem>>) src(%arg7 : memref<128x32xf32, #tpu.memory_space<vmem>>) dst(%dma_wait3A_39 : memref<10112x32xf32, #tpu.memory_space<vmem_shared>>)
    %sub3A_42 = arith.constant 8 : i32
    %sub3A_43 = arith.subi %add3A_8, %sub3A_42 : i32
    %add3A_44 = arith.constant 1 : i32
    %add3A_45 = arith.addi %sub3A_43, %add3A_44 : i32
    %sub3A_46 = arith.constant 8 : i32
    %sub3A_47 = arith.subi %add3A_8, %sub3A_46 : i32
    %add3A_48 = arith.constant 1 : i32
    %add3A_49 = arith.addi %sub3A_47, %add3A_48 : i32
    %rem3A_50 = arith.constant 8 : i32
    %rem3A_51 = arith.remsi %add3A_49, %rem3A_50 : i32
    %dma_wait3A_52 = arith.constant 0 : i32
    %dma_wait3A_53 = tpu.memref_slice %arg6[%add3A_45, %dma_wait3A_52] : memref<79x128xi32, #tpu.memory_space<vmem>> -> memref<1x128xi32, #tpu.memory_space<vmem>>
    %dma_wait3A_54 = tpu.memref_squeeze %dma_wait3A_53 : memref<1x128xi32, #tpu.memory_space<vmem>> -> memref<128xi32, #tpu.memory_space<vmem>>
    %dma_wait3A_55 = arith.constant 0 : i32
    %dma_wait3A_56 = arith.constant 0 : i32
    %dma_wait3A_57 = tpu.memref_slice %arg9[%dma_wait3A_55, %dma_wait3A_56] : memref<10112x32xf32, #tpu.memory_space<vmem_shared>> -> memref<10112x32xf32, #tpu.memory_space<vmem_shared>>
    %dma_wait3A_58 = tpu.memref_slice %arg8[%rem3A_51] : memref<8x!tpu.dma_semaphore, #tpu.memory_space<semaphore_mem>> -> memref<1x!tpu.dma_semaphore, #tpu.memory_space<semaphore_mem>>
    %dma_wait3A_59 = tpu.memref_squeeze %dma_wait3A_58 : memref<1x!tpu.dma_semaphore, #tpu.memory_space<semaphore_mem>> -> memref<!tpu.dma_semaphore, #tpu.memory_space<semaphore_mem>>
    tpu.wait_indirect_dma semaphore(%dma_wait3A_59 : memref<!tpu.dma_semaphore, #tpu.memory_space<semaphore_mem>>) src(%arg7 : memref<128x32xf32, #tpu.memory_space<vmem>>) dst(%dma_wait3A_57 : memref<10112x32xf32, #tpu.memory_space<vmem_shared>>)
    %sub3A_60 = arith.constant 8 : i32
    %sub3A_61 = arith.subi %add3A_8, %sub3A_60 : i32
    %add3A_62 = arith.constant 2 : i32
    %add3A_63 = arith.addi %sub3A_61, %add3A_62 : i32
    %sub3A_64 = arith.constant 8 : i32
    %sub3A_65 = arith.subi %add3A_8, %sub3A_64 : i32
    %add3A_66 = arith.constant 2 : i32
    %add3A_67 = arith.addi %sub3A_65, %add3A_66 : i32
    %rem3A_68 = arith.constant 8 : i32
    %rem3A_69 = arith.remsi %add3A_67, %rem3A_68 : i32
    %dma_wait3A_70 = arith.constant 0 : i32
    %dma_wait3A_71 = tpu.memref_slice %arg6[%add3A_63, %dma_wait3A_70] : memref<79x128xi32, #tpu.memory_space<vmem>> -> memref<1x128xi32, #tpu.memory_space<vmem>>
    %dma_wait3A_72 = tpu.memref_squeeze %dma_wait3A_71 : memref<1x128xi32, #tpu.memory_space<vmem>> -> memref<128xi32, #tpu.memory_space<vmem>>
    %dma_wait3A_73 = arith.constant 0 : i32
    %dma_wait3A_74 = arith.constant 0 : i32
    %dma_wait3A_75 = tpu.memref_slice %arg9[%dma_wait3A_73, %dma_wait3A_74] : memref<10112x32xf32, #tpu.memory_space<vmem_shared>> -> memref<10112x32xf32, #tpu.memory_space<vmem_shared>>
    %dma_wait3A_76 = tpu.memref_slice %arg8[%rem3A_69] : memref<8x!tpu.dma_semaphore, #tpu.memory_space<semaphore_mem>> -> memref<1x!tpu.dma_semaphore, #tpu.memory_space<semaphore_mem>>
    %dma_wait3A_77 = tpu.memref_squeeze %dma_wait3A_76 : memref<1x!tpu.dma_semaphore, #tpu.memory_space<semaphore_mem>> -> memref<!tpu.dma_semaphore, #tpu.memory_space<semaphore_mem>>
    tpu.wait_indirect_dma semaphore(%dma_wait3A_77 : memref<!tpu.dma_semaphore, #tpu.memory_space<semaphore_mem>>) src(%arg7 : memref<128x32xf32, #tpu.memory_space<vmem>>) dst(%dma_wait3A_75 : memref<10112x32xf32, #tpu.memory_space<vmem_shared>>)
    %sub3A_78 = arith.constant 8 : i32
    %sub3A_79 = arith.subi %add3A_8, %sub3A_78 : i32
    %add3A_80 = arith.constant 3 : i32
    %add3A_81 = arith.addi %sub3A_79, %add3A_80 : i32
    %sub3A_82 = arith.constant 8 : i32
    %sub3A_83 = arith.subi %add3A_8, %sub3A_82 : i32
    %add3A_84 = arith.constant 3 : i32
    %add3A_85 = arith.addi %sub3A_83, %add3A_84 : i32
    %rem3A_86 = arith.constant 8 : i32
    %rem3A_87 = arith.remsi %add3A_85, %rem3A_86 : i32
    %dma_wait3A_88 = arith.constant 0 : i32
    %dma_wait3A_89 = tpu.memref_slice %arg6[%add3A_81, %dma_wait3A_88] : memref<79x128xi32, #tpu.memory_space<vmem>> -> memref<1x128xi32, #tpu.memory_space<vmem>>
    %dma_wait3A_90 = tpu.memref_squeeze %dma_wait3A_89 : memref<1x128xi32, #tpu.memory_space<vmem>> -> memref<128xi32, #tpu.memory_space<vmem>>
    %dma_wait3A_91 = arith.constant 0 : i32
    %dma_wait3A_92 = arith.constant 0 : i32
    %dma_wait3A_93 = tpu.memref_slice %arg9[%dma_wait3A_91, %dma_wait3A_92] : memref<10112x32xf32, #tpu.memory_space<vmem_shared>> -> memref<10112x32xf32, #tpu.memory_space<vmem_shared>>
    %dma_wait3A_94 = tpu.memref_slice %arg8[%rem3A_87] : memref<8x!tpu.dma_semaphore, #tpu.memory_space<semaphore_mem>> -> memref<1x!tpu.dma_semaphore, #tpu.memory_space<semaphore_mem>>
    %dma_wait3A_95 = tpu.memref_squeeze %dma_wait3A_94 : memref<1x!tpu.dma_semaphore, #tpu.memory_space<semaphore_mem>> -> memref<!tpu.dma_semaphore, #tpu.memory_space<semaphore_mem>>
    tpu.wait_indirect_dma semaphore(%dma_wait3A_95 : memref<!tpu.dma_semaphore, #tpu.memory_space<semaphore_mem>>) src(%arg7 : memref<128x32xf32, #tpu.memory_space<vmem>>) dst(%dma_wait3A_93 : memref<10112x32xf32, #tpu.memory_space<vmem_shared>>)
    %sub3A_96 = arith.constant 8 : i32
    %sub3A_97 = arith.subi %add3A_8, %sub3A_96 : i32
    %add3A_98 = arith.constant 4 : i32
    %add3A_99 = arith.addi %sub3A_97, %add3A_98 : i32
    %sub3A_100 = arith.constant 8 : i32
    %sub3A_101 = arith.subi %add3A_8, %sub3A_100 : i32
    %add3A_102 = arith.constant 4 : i32
    %add3A_103 = arith.addi %sub3A_101, %add3A_102 : i32
    %rem3A_104 = arith.constant 8 : i32
    %rem3A_105 = arith.remsi %add3A_103, %rem3A_104 : i32
    %dma_wait3A_106 = arith.constant 0 : i32
    %dma_wait3A_107 = tpu.memref_slice %arg6[%add3A_99, %dma_wait3A_106] : memref<79x128xi32, #tpu.memory_space<vmem>> -> memref<1x128xi32, #tpu.memory_space<vmem>>
    %dma_wait3A_108 = tpu.memref_squeeze %dma_wait3A_107 : memref<1x128xi32, #tpu.memory_space<vmem>> -> memref<128xi32, #tpu.memory_space<vmem>>
    %dma_wait3A_109 = arith.constant 0 : i32
    %dma_wait3A_110 = arith.constant 0 : i32
    %dma_wait3A_111 = tpu.memref_slice %arg9[%dma_wait3A_109, %dma_wait3A_110] : memref<10112x32xf32, #tpu.memory_space<vmem_shared>> -> memref<10112x32xf32, #tpu.memory_space<vmem_shared>>
    %dma_wait3A_112 = tpu.memref_slice %arg8[%rem3A_105] : memref<8x!tpu.dma_semaphore, #tpu.memory_space<semaphore_mem>> -> memref<1x!tpu.dma_semaphore, #tpu.memory_space<semaphore_mem>>
    %dma_wait3A_113 = tpu.memref_squeeze %dma_wait3A_112 : memref<1x!tpu.dma_semaphore, #tpu.memory_space<semaphore_mem>> -> memref<!tpu.dma_semaphore, #tpu.memory_space<semaphore_mem>>
    tpu.wait_indirect_dma semaphore(%dma_wait3A_113 : memref<!tpu.dma_semaphore, #tpu.memory_space<semaphore_mem>>) src(%arg7 : memref<128x32xf32, #tpu.memory_space<vmem>>) dst(%dma_wait3A_111 : memref<10112x32xf32, #tpu.memory_space<vmem_shared>>)
    %sub3A_114 = arith.constant 8 : i32
    %sub3A_115 = arith.subi %add3A_8, %sub3A_114 : i32
    %add3A_116 = arith.constant 5 : i32
    %add3A_117 = arith.addi %sub3A_115, %add3A_116 : i32
    %sub3A_118 = arith.constant 8 : i32
    %sub3A_119 = arith.subi %add3A_8, %sub3A_118 : i32
    %add3A_120 = arith.constant 5 : i32
    %add3A_121 = arith.addi %sub3A_119, %add3A_120 : i32
    %rem3A_122 = arith.constant 8 : i32
    %rem3A_123 = arith.remsi %add3A_121, %rem3A_122 : i32
    %dma_wait3A_124 = arith.constant 0 : i32
    %dma_wait3A_125 = tpu.memref_slice %arg6[%add3A_117, %dma_wait3A_124] : memref<79x128xi32, #tpu.memory_space<vmem>> -> memref<1x128xi32, #tpu.memory_space<vmem>>
    %dma_wait3A_126 = tpu.memref_squeeze %dma_wait3A_125 : memref<1x128xi32, #tpu.memory_space<vmem>> -> memref<128xi32, #tpu.memory_space<vmem>>
    %dma_wait3A_127 = arith.constant 0 : i32
    %dma_wait3A_128 = arith.constant 0 : i32
    %dma_wait3A_129 = tpu.memref_slice %arg9[%dma_wait3A_127, %dma_wait3A_128] : memref<10112x32xf32, #tpu.memory_space<vmem_shared>> -> memref<10112x32xf32, #tpu.memory_space<vmem_shared>>
    %dma_wait3A_130 = tpu.memref_slice %arg8[%rem3A_123] : memref<8x!tpu.dma_semaphore, #tpu.memory_space<semaphore_mem>> -> memref<1x!tpu.dma_semaphore, #tpu.memory_space<semaphore_mem>>
    %dma_wait3A_131 = tpu.memref_squeeze %dma_wait3A_130 : memref<1x!tpu.dma_semaphore, #tpu.memory_space<semaphore_mem>> -> memref<!tpu.dma_semaphore, #tpu.memory_space<semaphore_mem>>
    tpu.wait_indirect_dma semaphore(%dma_wait3A_131 : memref<!tpu.dma_semaphore, #tpu.memory_space<semaphore_mem>>) src(%arg7 : memref<128x32xf32, #tpu.memory_space<vmem>>) dst(%dma_wait3A_129 : memref<10112x32xf32, #tpu.memory_space<vmem_shared>>)
    %sub3A_132 = arith.constant 8 : i32
    %sub3A_133 = arith.subi %add3A_8, %sub3A_132 : i32
    %add3A_134 = arith.constant 6 : i32
    %add3A_135 = arith.addi %sub3A_133, %add3A_134 : i32
    %sub3A_136 = arith.constant 8 : i32
    %sub3A_137 = arith.subi %add3A_8, %sub3A_136 : i32
    %add3A_138 = arith.constant 6 : i32
    %add3A_139 = arith.addi %sub3A_137, %add3A_138 : i32
    %rem3A_140 = arith.constant 8 : i32
    %rem3A_141 = arith.remsi %add3A_139, %rem3A_140 : i32
    %dma_wait3A_142 = arith.constant 0 : i32
    %dma_wait3A_143 = tpu.memref_slice %arg6[%add3A_135, %dma_wait3A_142] : memref<79x128xi32, #tpu.memory_space<vmem>> -> memref<1x128xi32, #tpu.memory_space<vmem>>
    %dma_wait3A_144 = tpu.memref_squeeze %dma_wait3A_143 : memref<1x128xi32, #tpu.memory_space<vmem>> -> memref<128xi32, #tpu.memory_space<vmem>>
    %dma_wait3A_145 = arith.constant 0 : i32
    %dma_wait3A_146 = arith.constant 0 : i32
    %dma_wait3A_147 = tpu.memref_slice %arg9[%dma_wait3A_145, %dma_wait3A_146] : memref<10112x32xf32, #tpu.memory_space<vmem_shared>> -> memref<10112x32xf32, #tpu.memory_space<vmem_shared>>
    %dma_wait3A_148 = tpu.memref_slice %arg8[%rem3A_141] : memref<8x!tpu.dma_semaphore, #tpu.memory_space<semaphore_mem>> -> memref<1x!tpu.dma_semaphore, #tpu.memory_space<semaphore_mem>>
    %dma_wait3A_149 = tpu.memref_squeeze %dma_wait3A_148 : memref<1x!tpu.dma_semaphore, #tpu.memory_space<semaphore_mem>> -> memref<!tpu.dma_semaphore, #tpu.memory_space<semaphore_mem>>
    tpu.wait_indirect_dma semaphore(%dma_wait3A_149 : memref<!tpu.dma_semaphore, #tpu.memory_space<semaphore_mem>>) src(%arg7 : memref<128x32xf32, #tpu.memory_space<vmem>>) dst(%dma_wait3A_147 : memref<10112x32xf32, #tpu.memory_space<vmem_shared>>)
    %sub3A_150 = arith.constant 8 : i32
    %sub3A_151 = arith.subi %add3A_8, %sub3A_150 : i32
    %add3A_152 = arith.constant 7 : i32
    %add3A_153 = arith.addi %sub3A_151, %add3A_152 : i32
    %sub3A_154 = arith.constant 8 : i32
    %sub3A_155 = arith.subi %add3A_8, %sub3A_154 : i32
    %add3A_156 = arith.constant 7 : i32
    %add3A_157 = arith.addi %sub3A_155, %add3A_156 : i32
    %rem3A_158 = arith.constant 8 : i32
    %rem3A_159 = arith.remsi %add3A_157, %rem3A_158 : i32
    %dma_wait3A_160 = arith.constant 0 : i32
    %dma_wait3A_161 = tpu.memref_slice %arg6[%add3A_153, %dma_wait3A_160] : memref<79x128xi32, #tpu.memory_space<vmem>> -> memref<1x128xi32, #tpu.memory_space<vmem>>
    %dma_wait3A_162 = tpu.memref_squeeze %dma_wait3A_161 : memref<1x128xi32, #tpu.memory_space<vmem>> -> memref<128xi32, #tpu.memory_space<vmem>>
    %dma_wait3A_163 = arith.constant 0 : i32
    %dma_wait3A_164 = arith.constant 0 : i32
    %dma_wait3A_165 = tpu.memref_slice %arg9[%dma_wait3A_163, %dma_wait3A_164] : memref<10112x32xf32, #tpu.memory_space<vmem_shared>> -> memref<10112x32xf32, #tpu.memory_space<vmem_shared>>
    %dma_wait3A_166 = tpu.memref_slice %arg8[%rem3A_159] : memref<8x!tpu.dma_semaphore, #tpu.memory_space<semaphore_mem>> -> memref<1x!tpu.dma_semaphore, #tpu.memory_space<semaphore_mem>>
    %dma_wait3A_167 = tpu.memref_squeeze %dma_wait3A_166 : memref<1x!tpu.dma_semaphore, #tpu.memory_space<semaphore_mem>> -> memref<!tpu.dma_semaphore, #tpu.memory_space<semaphore_mem>>
    tpu.wait_indirect_dma semaphore(%dma_wait3A_167 : memref<!tpu.dma_semaphore, #tpu.memory_space<semaphore_mem>>) src(%arg7 : memref<128x32xf32, #tpu.memory_space<vmem>>) dst(%dma_wait3A_165 : memref<10112x32xf32, #tpu.memory_space<vmem_shared>>)
    %barrier3A_168 = arith.constant 0 : index
    tpu.barrier barrier_id(%barrier3A_168)
    "tpu.region"() ({
      %run_scoped3A = tpu.sem_alloc : memref<!tpu.dma_semaphore, #tpu.memory_space<semaphore_mem>>
      %dma_start3A = arith.constant 0 : i32
      %dma_start3A_169 = tpu.memref_slice %arg5[%arg0, %mul3A_10, %dma_start3A] : memref<2x10112x32xf32, #tpu.memory_space<hbm>> -> memref<1x632x32xf32, #tpu.memory_space<hbm>>
      %dma_start3A_170 = tpu.memref_squeeze %dma_start3A_169 : memref<1x632x32xf32, #tpu.memory_space<hbm>> -> memref<632x32xf32, #tpu.memory_space<hbm>>
      %dma_start3A_171 = arith.constant 0 : i32
      %dma_start3A_172 = tpu.memref_slice %arg9[%mul3A_10, %dma_start3A_171] : memref<10112x32xf32, #tpu.memory_space<vmem_shared>> -> memref<632x32xf32, #tpu.memory_space<vmem_shared>>
      tpu.enqueue_dma source(%dma_start3A_172 : memref<632x32xf32, #tpu.memory_space<vmem_shared>>) target(%dma_start3A_170 : memref<632x32xf32, #tpu.memory_space<hbm>>) target_semaphore(%run_scoped3A : memref<!tpu.dma_semaphore, #tpu.memory_space<semaphore_mem>>)
      %dma_wait3A_173 = arith.constant 0 : i32
      %dma_wait3A_174 = tpu.memref_slice %arg5[%arg0, %mul3A_10, %dma_wait3A_173] : memref<2x10112x32xf32, #tpu.memory_space<hbm>> -> memref<1x632x32xf32, #tpu.memory_space<hbm>>
      %dma_wait3A_175 = tpu.memref_squeeze %dma_wait3A_174 : memref<1x632x32xf32, #tpu.memory_space<hbm>> -> memref<632x32xf32, #tpu.memory_space<hbm>>
      %dma_wait3A_176 = arith.constant 0 : i32
      %dma_wait3A_177 = tpu.memref_slice %arg9[%mul3A_10, %dma_wait3A_176] : memref<10112x32xf32, #tpu.memory_space<vmem_shared>> -> memref<632x32xf32, #tpu.memory_space<vmem_shared>>
      tpu.wait_dma2 semaphore(%run_scoped3A : memref<!tpu.dma_semaphore, #tpu.memory_space<semaphore_mem>>) src(%dma_wait3A_177 : memref<632x32xf32, #tpu.memory_space<vmem_shared>>) dst(%dma_wait3A_175 : memref<632x32xf32, #tpu.memory_space<hbm>>)
      tpu.yield
    }) : () -> ()
    return
  }
}

#map = affine_map<(d0, d1) -> (0, 0)>
#map1 = affine_map<(d0, d1) -> (0, 0, 0)>
module attributes {stable_mosaic.version = 14 : i64} {
  func.func @body(%arg0: i32, %arg1: i32, %arg2: memref<10000x32xf32, #tpu.memory_space<hbm>>, %arg3: memref<2500x128xi32, #tpu.memory_space<hbm>>, %arg4: memref<2500x128xi32, #tpu.memory_space<hbm>>, %arg5: memref<10112x32xf32, #tpu.memory_space<hbm>>, %arg6: memref<2x10112x32xf32, #tpu.memory_space<hbm>>, %arg7: memref<79x128xi32, #tpu.memory_space<vmem>>, %arg8: memref<79x128xi32, #tpu.memory_space<vmem>>, %arg9: memref<16x128x32xf32, #tpu.memory_space<vmem>>, %arg10: memref<16x!tpu.dma_semaphore, #tpu.memory_space<semaphore_mem>>, %arg11: memref<8x!tpu.dma_semaphore, #tpu.memory_space<semaphore_mem>>, %arg12: memref<10112x32xf32, #tpu.memory_space<vmem_shared>>) attributes {dimension_semantics = [#tpu.dimension_semantics<core_parallel>, #tpu.dimension_semantics<subcore_parallel>], iteration_bounds = array<i64: 2, 16>, scalar_prefetch = 0 : i64, scratch_operands = 6 : i64, tpu.core_type = #tpu.core_type<sc_vector_subcore>, window_params = [{transform_indices = #map}, {transform_indices = #map}, {transform_indices = #map}, {transform_indices = #map}, {transform_indices = #map1}]} {
    %mul3A = arith.constant 16 : i32
    %mul3A_0 = arith.muli %arg0, %mul3A : i32
    %add3A = arith.addi %mul3A_0, %arg1 : i32
    %mul3A_1 = arith.constant 78 : i32
    %mul3A_2 = arith.muli %mul3A_1, %add3A : i32
    %min3A = arith.constant 4 : i32
    %min3A_3 = arith.minsi %add3A, %min3A : i32
    %add3A_4 = arith.addi %mul3A_2, %min3A_3 : i32
    %lt3A = arith.constant 4 : i32
    %lt3A_5 = arith.cmpi slt, %add3A, %lt3A : i32
    %jit3A = arith.constant 1 : i32
    %jit3A_6 = arith.constant 0 : i32
    %select_n3A = arith.select %lt3A_5, %jit3A, %jit3A_6 : i32
    %add3A_7 = arith.constant 78 : i32
    %add3A_8 = arith.addi %add3A_7, %select_n3A : i32
    %mul3A_9 = arith.constant 632 : i32
    %mul3A_10 = arith.muli %arg1, %mul3A_9 : i32
    "tpu.region"() ({
      %run_scoped3A = tpu.sem_alloc : memref<!tpu.dma_semaphore, #tpu.memory_space<semaphore_mem>>
      %dma_start3A_368 = arith.constant 0 : i32
      %dma_start3A_369 = tpu.memref_slice %arg12[%mul3A_10, %dma_start3A_368] : memref<10112x32xf32, #tpu.memory_space<vmem_shared>> -> memref<632x32xf32, #tpu.memory_space<vmem_shared>>
      %dma_start3A_370 = arith.constant 0 : i32
      %dma_start3A_371 = tpu.memref_slice %arg5[%mul3A_10, %dma_start3A_370] : memref<10112x32xf32, #tpu.memory_space<hbm>> -> memref<632x32xf32, #tpu.memory_space<hbm>>
      tpu.enqueue_dma source(%dma_start3A_371 : memref<632x32xf32, #tpu.memory_space<hbm>>) target(%dma_start3A_369 : memref<632x32xf32, #tpu.memory_space<vmem_shared>>) target_semaphore(%run_scoped3A : memref<!tpu.dma_semaphore, #tpu.memory_space<semaphore_mem>>)
      %dma_wait3A_372 = arith.constant 0 : i32
      %dma_wait3A_373 = tpu.memref_slice %arg12[%mul3A_10, %dma_wait3A_372] : memref<10112x32xf32, #tpu.memory_space<vmem_shared>> -> memref<632x32xf32, #tpu.memory_space<vmem_shared>>
      %dma_wait3A_374 = arith.constant 0 : i32
      %dma_wait3A_375 = tpu.memref_slice %arg5[%mul3A_10, %dma_wait3A_374] : memref<10112x32xf32, #tpu.memory_space<hbm>> -> memref<632x32xf32, #tpu.memory_space<hbm>>
      tpu.wait_dma2 semaphore(%run_scoped3A : memref<!tpu.dma_semaphore, #tpu.memory_space<semaphore_mem>>) src(%dma_wait3A_375 : memref<632x32xf32, #tpu.memory_space<hbm>>) dst(%dma_wait3A_373 : memref<632x32xf32, #tpu.memory_space<vmem_shared>>)
      tpu.yield
    }) : () -> ()
    %eq3A = arith.constant 79 : i32
    %eq3A_11 = arith.cmpi eq, %add3A_8, %eq3A : i32
    %convert_element_type3A = arith.extui %eq3A_11 : i1 to i32
    %cond3A = arith.constant 0 : i32
    %cond3A_12 = arith.cmpi ne, %convert_element_type3A, %cond3A : i32
    scf.if %cond3A_12 {
      "tpu.region"() ({
        %run_scoped3A = tpu.sem_alloc : memref<!tpu.dma_semaphore, #tpu.memory_space<semaphore_mem>>
        %dma_start3A_368 = arith.constant 0 : i32
        %dma_start3A_369 = tpu.memref_slice %arg3[%add3A_4, %dma_start3A_368] : memref<2500x128xi32, #tpu.memory_space<hbm>> -> memref<79x128xi32, #tpu.memory_space<hbm>>
        %dma_start3A_370 = arith.constant 0 : i32
        %dma_start3A_371 = tpu.memref_slice %arg3[%add3A_4, %dma_start3A_370] : memref<2500x128xi32, #tpu.memory_space<hbm>> -> memref<79x128xi32, #tpu.memory_space<hbm>>
        tpu.enqueue_dma source(%dma_start3A_371 : memref<79x128xi32, #tpu.memory_space<hbm>>) target(%arg7 : memref<79x128xi32, #tpu.memory_space<vmem>>) target_semaphore(%run_scoped3A : memref<!tpu.dma_semaphore, #tpu.memory_space<semaphore_mem>>)
        %dma_wait3A_372 = arith.constant 0 : i32
        %dma_wait3A_373 = tpu.memref_slice %arg3[%add3A_4, %dma_wait3A_372] : memref<2500x128xi32, #tpu.memory_space<hbm>> -> memref<79x128xi32, #tpu.memory_space<hbm>>
        %dma_wait3A_374 = arith.constant 0 : i32
        %dma_wait3A_375 = tpu.memref_slice %arg3[%add3A_4, %dma_wait3A_374] : memref<2500x128xi32, #tpu.memory_space<hbm>> -> memref<79x128xi32, #tpu.memory_space<hbm>>
        tpu.wait_dma2 semaphore(%run_scoped3A : memref<!tpu.dma_semaphore, #tpu.memory_space<semaphore_mem>>) src(%dma_wait3A_375 : memref<79x128xi32, #tpu.memory_space<hbm>>) dst(%arg7 : memref<79x128xi32, #tpu.memory_space<vmem>>)
        tpu.yield
      }) : () -> ()
      "tpu.region"() ({
        %run_scoped3A = tpu.sem_alloc : memref<!tpu.dma_semaphore, #tpu.memory_space<semaphore_mem>>
        %dma_start3A_368 = arith.constant 0 : i32
        %dma_start3A_369 = tpu.memref_slice %arg4[%add3A_4, %dma_start3A_368] : memref<2500x128xi32, #tpu.memory_space<hbm>> -> memref<79x128xi32, #tpu.memory_space<hbm>>
        %dma_start3A_370 = arith.constant 0 : i32
        %dma_start3A_371 = tpu.memref_slice %arg4[%add3A_4, %dma_start3A_370] : memref<2500x128xi32, #tpu.memory_space<hbm>> -> memref<79x128xi32, #tpu.memory_space<hbm>>
        tpu.enqueue_dma source(%dma_start3A_371 : memref<79x128xi32, #tpu.memory_space<hbm>>) target(%arg8 : memref<79x128xi32, #tpu.memory_space<vmem>>) target_semaphore(%run_scoped3A : memref<!tpu.dma_semaphore, #tpu.memory_space<semaphore_mem>>)
        %dma_wait3A_372 = arith.constant 0 : i32
        %dma_wait3A_373 = tpu.memref_slice %arg4[%add3A_4, %dma_wait3A_372] : memref<2500x128xi32, #tpu.memory_space<hbm>> -> memref<79x128xi32, #tpu.memory_space<hbm>>
        %dma_wait3A_374 = arith.constant 0 : i32
        %dma_wait3A_375 = tpu.memref_slice %arg4[%add3A_4, %dma_wait3A_374] : memref<2500x128xi32, #tpu.memory_space<hbm>> -> memref<79x128xi32, #tpu.memory_space<hbm>>
        tpu.wait_dma2 semaphore(%run_scoped3A : memref<!tpu.dma_semaphore, #tpu.memory_space<semaphore_mem>>) src(%dma_wait3A_375 : memref<79x128xi32, #tpu.memory_space<hbm>>) dst(%arg8 : memref<79x128xi32, #tpu.memory_space<vmem>>)
        tpu.yield
      }) : () -> ()
    } else {
    }
    %eq3A_13 = arith.constant 78 : i32
    %eq3A_14 = arith.cmpi eq, %add3A_8, %eq3A_13 : i32
    %convert_element_type3A_15 = arith.extui %eq3A_14 : i1 to i32
    %cond3A_16 = arith.constant 0 : i32
    %cond3A_17 = arith.cmpi ne, %convert_element_type3A_15, %cond3A_16 : i32
    scf.if %cond3A_17 {
      "tpu.region"() ({
        %run_scoped3A = tpu.sem_alloc : memref<!tpu.dma_semaphore, #tpu.memory_space<semaphore_mem>>
        %dma_start3A_368 = arith.constant 0 : i32
        %dma_start3A_369 = arith.constant 0 : i32
        %dma_start3A_370 = tpu.memref_slice %arg7[%dma_start3A_368, %dma_start3A_369] : memref<79x128xi32, #tpu.memory_space<vmem>> -> memref<78x128xi32, #tpu.memory_space<vmem>>
        %dma_start3A_371 = arith.constant 0 : i32
        %dma_start3A_372 = tpu.memref_slice %arg3[%add3A_4, %dma_start3A_371] : memref<2500x128xi32, #tpu.memory_space<hbm>> -> memref<78x128xi32, #tpu.memory_space<hbm>>
        %dma_start3A_373 = arith.constant 0 : i32
        %dma_start3A_374 = arith.constant 0 : i32
        %dma_start3A_375 = tpu.memref_slice %arg7[%dma_start3A_373, %dma_start3A_374] : memref<79x128xi32, #tpu.memory_space<vmem>> -> memref<78x128xi32, #tpu.memory_space<vmem>>
        %dma_start3A_376 = arith.constant 0 : i32
        %dma_start3A_377 = tpu.memref_slice %arg3[%add3A_4, %dma_start3A_376] : memref<2500x128xi32, #tpu.memory_space<hbm>> -> memref<78x128xi32, #tpu.memory_space<hbm>>
        tpu.enqueue_dma source(%dma_start3A_377 : memref<78x128xi32, #tpu.memory_space<hbm>>) target(%dma_start3A_375 : memref<78x128xi32, #tpu.memory_space<vmem>>) target_semaphore(%run_scoped3A : memref<!tpu.dma_semaphore, #tpu.memory_space<semaphore_mem>>)
        %dma_wait3A_378 = arith.constant 0 : i32
        %dma_wait3A_379 = arith.constant 0 : i32
        %dma_wait3A_380 = tpu.memref_slice %arg7[%dma_wait3A_378, %dma_wait3A_379] : memref<79x128xi32, #tpu.memory_space<vmem>> -> memref<78x128xi32, #tpu.memory_space<vmem>>
        %dma_wait3A_381 = arith.constant 0 : i32
        %dma_wait3A_382 = tpu.memref_slice %arg3[%add3A_4, %dma_wait3A_381] : memref<2500x128xi32, #tpu.memory_space<hbm>> -> memref<78x128xi32, #tpu.memory_space<hbm>>
        %dma_wait3A_383 = arith.constant 0 : i32
        %dma_wait3A_384 = arith.constant 0 : i32
        %dma_wait3A_385 = tpu.memref_slice %arg7[%dma_wait3A_383, %dma_wait3A_384] : memref<79x128xi32, #tpu.memory_space<vmem>> -> memref<78x128xi32, #tpu.memory_space<vmem>>
        %dma_wait3A_386 = arith.constant 0 : i32
        %dma_wait3A_387 = tpu.memref_slice %arg3[%add3A_4, %dma_wait3A_386] : memref<2500x128xi32, #tpu.memory_space<hbm>> -> memref<78x128xi32, #tpu.memory_space<hbm>>
        tpu.wait_dma2 semaphore(%run_scoped3A : memref<!tpu.dma_semaphore, #tpu.memory_space<semaphore_mem>>) src(%dma_wait3A_387 : memref<78x128xi32, #tpu.memory_space<hbm>>) dst(%dma_wait3A_385 : memref<78x128xi32, #tpu.memory_space<vmem>>)
        tpu.yield
      }) : () -> ()
      "tpu.region"() ({
        %run_scoped3A = tpu.sem_alloc : memref<!tpu.dma_semaphore, #tpu.memory_space<semaphore_mem>>
        %dma_start3A_368 = arith.constant 0 : i32
        %dma_start3A_369 = arith.constant 0 : i32
        %dma_start3A_370 = tpu.memref_slice %arg8[%dma_start3A_368, %dma_start3A_369] : memref<79x128xi32, #tpu.memory_space<vmem>> -> memref<78x128xi32, #tpu.memory_space<vmem>>
        %dma_start3A_371 = arith.constant 0 : i32
        %dma_start3A_372 = tpu.memref_slice %arg4[%add3A_4, %dma_start3A_371] : memref<2500x128xi32, #tpu.memory_space<hbm>> -> memref<78x128xi32, #tpu.memory_space<hbm>>
        %dma_start3A_373 = arith.constant 0 : i32
        %dma_start3A_374 = arith.constant 0 : i32
        %dma_start3A_375 = tpu.memref_slice %arg8[%dma_start3A_373, %dma_start3A_374] : memref<79x128xi32, #tpu.memory_space<vmem>> -> memref<78x128xi32, #tpu.memory_space<vmem>>
        %dma_start3A_376 = arith.constant 0 : i32
        %dma_start3A_377 = tpu.memref_slice %arg4[%add3A_4, %dma_start3A_376] : memref<2500x128xi32, #tpu.memory_space<hbm>> -> memref<78x128xi32, #tpu.memory_space<hbm>>
        tpu.enqueue_dma source(%dma_start3A_377 : memref<78x128xi32, #tpu.memory_space<hbm>>) target(%dma_start3A_375 : memref<78x128xi32, #tpu.memory_space<vmem>>) target_semaphore(%run_scoped3A : memref<!tpu.dma_semaphore, #tpu.memory_space<semaphore_mem>>)
        %dma_wait3A_378 = arith.constant 0 : i32
        %dma_wait3A_379 = arith.constant 0 : i32
        %dma_wait3A_380 = tpu.memref_slice %arg8[%dma_wait3A_378, %dma_wait3A_379] : memref<79x128xi32, #tpu.memory_space<vmem>> -> memref<78x128xi32, #tpu.memory_space<vmem>>
        %dma_wait3A_381 = arith.constant 0 : i32
        %dma_wait3A_382 = tpu.memref_slice %arg4[%add3A_4, %dma_wait3A_381] : memref<2500x128xi32, #tpu.memory_space<hbm>> -> memref<78x128xi32, #tpu.memory_space<hbm>>
        %dma_wait3A_383 = arith.constant 0 : i32
        %dma_wait3A_384 = arith.constant 0 : i32
        %dma_wait3A_385 = tpu.memref_slice %arg8[%dma_wait3A_383, %dma_wait3A_384] : memref<79x128xi32, #tpu.memory_space<vmem>> -> memref<78x128xi32, #tpu.memory_space<vmem>>
        %dma_wait3A_386 = arith.constant 0 : i32
        %dma_wait3A_387 = tpu.memref_slice %arg4[%add3A_4, %dma_wait3A_386] : memref<2500x128xi32, #tpu.memory_space<hbm>> -> memref<78x128xi32, #tpu.memory_space<hbm>>
        tpu.wait_dma2 semaphore(%run_scoped3A : memref<!tpu.dma_semaphore, #tpu.memory_space<semaphore_mem>>) src(%dma_wait3A_387 : memref<78x128xi32, #tpu.memory_space<hbm>>) dst(%dma_wait3A_385 : memref<78x128xi32, #tpu.memory_space<vmem>>)
        tpu.yield
      }) : () -> ()
    } else {
    }
    %barrier3A = arith.constant 0 : index
    tpu.barrier barrier_id(%barrier3A)
    %dma_start3A = arith.constant 0 : i32
    %dma_start3A_18 = arith.constant 0 : i32
    %dma_start3A_19 = arith.constant 0 : i32
    %dma_start3A_20 = arith.constant 0 : i32
    %dma_start3A_21 = arith.constant 0 : i32
    %dma_start3A_22 = tpu.memref_slice %arg9[%dma_start3A_18, %dma_start3A_20, %dma_start3A_21] : memref<16x128x32xf32, #tpu.memory_space<vmem>> -> memref<1x128x32xf32, #tpu.memory_space<vmem>>
    %dma_start3A_23 = tpu.memref_squeeze %dma_start3A_22 : memref<1x128x32xf32, #tpu.memory_space<vmem>> -> memref<128x32xf32, #tpu.memory_space<vmem>>
    %dma_start3A_24 = arith.constant 0 : i32
    %dma_start3A_25 = tpu.memref_slice %arg7[%dma_start3A, %dma_start3A_24] : memref<79x128xi32, #tpu.memory_space<vmem>> -> memref<1x128xi32, #tpu.memory_space<vmem>>
    %dma_start3A_26 = tpu.memref_squeeze %dma_start3A_25 : memref<1x128xi32, #tpu.memory_space<vmem>> -> memref<128xi32, #tpu.memory_space<vmem>>
    %dma_start3A_27 = arith.constant 0 : i32
    %dma_start3A_28 = arith.constant 0 : i32
    %dma_start3A_29 = tpu.memref_slice %arg2[%dma_start3A_27, %dma_start3A_28] : memref<10000x32xf32, #tpu.memory_space<hbm>> -> memref<10000x32xf32, #tpu.memory_space<hbm>>
    %dma_start3A_30 = tpu.memref_slice %arg10[%dma_start3A_19] : memref<16x!tpu.dma_semaphore, #tpu.memory_space<semaphore_mem>> -> memref<1x!tpu.dma_semaphore, #tpu.memory_space<semaphore_mem>>
    %dma_start3A_31 = tpu.memref_squeeze %dma_start3A_30 : memref<1x!tpu.dma_semaphore, #tpu.memory_space<semaphore_mem>> -> memref<!tpu.dma_semaphore, #tpu.memory_space<semaphore_mem>>
    tpu.enqueue_indirect_dma source(%dma_start3A_29 : memref<10000x32xf32, #tpu.memory_space<hbm>>) target(%dma_start3A_23 : memref<128x32xf32, #tpu.memory_space<vmem>>) offsets(%dma_start3A_26 : memref<128xi32, #tpu.memory_space<vmem>>) semaphore(%dma_start3A_31 : memref<!tpu.dma_semaphore, #tpu.memory_space<semaphore_mem>>)
    %dma_start3A_32 = arith.constant 1 : i32
    %dma_start3A_33 = arith.constant 1 : i32
    %dma_start3A_34 = arith.constant 1 : i32
    %dma_start3A_35 = arith.constant 0 : i32
    %dma_start3A_36 = arith.constant 0 : i32
    %dma_start3A_37 = tpu.memref_slice %arg9[%dma_start3A_33, %dma_start3A_35, %dma_start3A_36] : memref<16x128x32xf32, #tpu.memory_space<vmem>> -> memref<1x128x32xf32, #tpu.memory_space<vmem>>
    %dma_start3A_38 = tpu.memref_squeeze %dma_start3A_37 : memref<1x128x32xf32, #tpu.memory_space<vmem>> -> memref<128x32xf32, #tpu.memory_space<vmem>>
    %dma_start3A_39 = arith.constant 0 : i32
    %dma_start3A_40 = tpu.memref_slice %arg7[%dma_start3A_32, %dma_start3A_39] : memref<79x128xi32, #tpu.memory_space<vmem>> -> memref<1x128xi32, #tpu.memory_space<vmem>>
    %dma_start3A_41 = tpu.memref_squeeze %dma_start3A_40 : memref<1x128xi32, #tpu.memory_space<vmem>> -> memref<128xi32, #tpu.memory_space<vmem>>
    %dma_start3A_42 = arith.constant 0 : i32
    %dma_start3A_43 = arith.constant 0 : i32
    %dma_start3A_44 = tpu.memref_slice %arg2[%dma_start3A_42, %dma_start3A_43] : memref<10000x32xf32, #tpu.memory_space<hbm>> -> memref<10000x32xf32, #tpu.memory_space<hbm>>
    %dma_start3A_45 = tpu.memref_slice %arg10[%dma_start3A_34] : memref<16x!tpu.dma_semaphore, #tpu.memory_space<semaphore_mem>> -> memref<1x!tpu.dma_semaphore, #tpu.memory_space<semaphore_mem>>
    %dma_start3A_46 = tpu.memref_squeeze %dma_start3A_45 : memref<1x!tpu.dma_semaphore, #tpu.memory_space<semaphore_mem>> -> memref<!tpu.dma_semaphore, #tpu.memory_space<semaphore_mem>>
    tpu.enqueue_indirect_dma source(%dma_start3A_44 : memref<10000x32xf32, #tpu.memory_space<hbm>>) target(%dma_start3A_38 : memref<128x32xf32, #tpu.memory_space<vmem>>) offsets(%dma_start3A_41 : memref<128xi32, #tpu.memory_space<vmem>>) semaphore(%dma_start3A_46 : memref<!tpu.dma_semaphore, #tpu.memory_space<semaphore_mem>>)
    %dma_start3A_47 = arith.constant 2 : i32
    %dma_start3A_48 = arith.constant 2 : i32
    %dma_start3A_49 = arith.constant 2 : i32
    %dma_start3A_50 = arith.constant 0 : i32
    %dma_start3A_51 = arith.constant 0 : i32
    %dma_start3A_52 = tpu.memref_slice %arg9[%dma_start3A_48, %dma_start3A_50, %dma_start3A_51] : memref<16x128x32xf32, #tpu.memory_space<vmem>> -> memref<1x128x32xf32, #tpu.memory_space<vmem>>
    %dma_start3A_53 = tpu.memref_squeeze %dma_start3A_52 : memref<1x128x32xf32, #tpu.memory_space<vmem>> -> memref<128x32xf32, #tpu.memory_space<vmem>>
    %dma_start3A_54 = arith.constant 0 : i32
    %dma_start3A_55 = tpu.memref_slice %arg7[%dma_start3A_47, %dma_start3A_54] : memref<79x128xi32, #tpu.memory_space<vmem>> -> memref<1x128xi32, #tpu.memory_space<vmem>>
    %dma_start3A_56 = tpu.memref_squeeze %dma_start3A_55 : memref<1x128xi32, #tpu.memory_space<vmem>> -> memref<128xi32, #tpu.memory_space<vmem>>
    %dma_start3A_57 = arith.constant 0 : i32
    %dma_start3A_58 = arith.constant 0 : i32
    %dma_start3A_59 = tpu.memref_slice %arg2[%dma_start3A_57, %dma_start3A_58] : memref<10000x32xf32, #tpu.memory_space<hbm>> -> memref<10000x32xf32, #tpu.memory_space<hbm>>
    %dma_start3A_60 = tpu.memref_slice %arg10[%dma_start3A_49] : memref<16x!tpu.dma_semaphore, #tpu.memory_space<semaphore_mem>> -> memref<1x!tpu.dma_semaphore, #tpu.memory_space<semaphore_mem>>
    %dma_start3A_61 = tpu.memref_squeeze %dma_start3A_60 : memref<1x!tpu.dma_semaphore, #tpu.memory_space<semaphore_mem>> -> memref<!tpu.dma_semaphore, #tpu.memory_space<semaphore_mem>>
    tpu.enqueue_indirect_dma source(%dma_start3A_59 : memref<10000x32xf32, #tpu.memory_space<hbm>>) target(%dma_start3A_53 : memref<128x32xf32, #tpu.memory_space<vmem>>) offsets(%dma_start3A_56 : memref<128xi32, #tpu.memory_space<vmem>>) semaphore(%dma_start3A_61 : memref<!tpu.dma_semaphore, #tpu.memory_space<semaphore_mem>>)
    %dma_start3A_62 = arith.constant 3 : i32
    %dma_start3A_63 = arith.constant 3 : i32
    %dma_start3A_64 = arith.constant 3 : i32
    %dma_start3A_65 = arith.constant 0 : i32
    %dma_start3A_66 = arith.constant 0 : i32
    %dma_start3A_67 = tpu.memref_slice %arg9[%dma_start3A_63, %dma_start3A_65, %dma_start3A_66] : memref<16x128x32xf32, #tpu.memory_space<vmem>> -> memref<1x128x32xf32, #tpu.memory_space<vmem>>
    %dma_start3A_68 = tpu.memref_squeeze %dma_start3A_67 : memref<1x128x32xf32, #tpu.memory_space<vmem>> -> memref<128x32xf32, #tpu.memory_space<vmem>>
    %dma_start3A_69 = arith.constant 0 : i32
    %dma_start3A_70 = tpu.memref_slice %arg7[%dma_start3A_62, %dma_start3A_69] : memref<79x128xi32, #tpu.memory_space<vmem>> -> memref<1x128xi32, #tpu.memory_space<vmem>>
    %dma_start3A_71 = tpu.memref_squeeze %dma_start3A_70 : memref<1x128xi32, #tpu.memory_space<vmem>> -> memref<128xi32, #tpu.memory_space<vmem>>
    %dma_start3A_72 = arith.constant 0 : i32
    %dma_start3A_73 = arith.constant 0 : i32
    %dma_start3A_74 = tpu.memref_slice %arg2[%dma_start3A_72, %dma_start3A_73] : memref<10000x32xf32, #tpu.memory_space<hbm>> -> memref<10000x32xf32, #tpu.memory_space<hbm>>
    %dma_start3A_75 = tpu.memref_slice %arg10[%dma_start3A_64] : memref<16x!tpu.dma_semaphore, #tpu.memory_space<semaphore_mem>> -> memref<1x!tpu.dma_semaphore, #tpu.memory_space<semaphore_mem>>
    %dma_start3A_76 = tpu.memref_squeeze %dma_start3A_75 : memref<1x!tpu.dma_semaphore, #tpu.memory_space<semaphore_mem>> -> memref<!tpu.dma_semaphore, #tpu.memory_space<semaphore_mem>>
    tpu.enqueue_indirect_dma source(%dma_start3A_74 : memref<10000x32xf32, #tpu.memory_space<hbm>>) target(%dma_start3A_68 : memref<128x32xf32, #tpu.memory_space<vmem>>) offsets(%dma_start3A_71 : memref<128xi32, #tpu.memory_space<vmem>>) semaphore(%dma_start3A_76 : memref<!tpu.dma_semaphore, #tpu.memory_space<semaphore_mem>>)
    %dma_start3A_77 = arith.constant 4 : i32
    %dma_start3A_78 = arith.constant 4 : i32
    %dma_start3A_79 = arith.constant 4 : i32
    %dma_start3A_80 = arith.constant 0 : i32
    %dma_start3A_81 = arith.constant 0 : i32
    %dma_start3A_82 = tpu.memref_slice %arg9[%dma_start3A_78, %dma_start3A_80, %dma_start3A_81] : memref<16x128x32xf32, #tpu.memory_space<vmem>> -> memref<1x128x32xf32, #tpu.memory_space<vmem>>
    %dma_start3A_83 = tpu.memref_squeeze %dma_start3A_82 : memref<1x128x32xf32, #tpu.memory_space<vmem>> -> memref<128x32xf32, #tpu.memory_space<vmem>>
    %dma_start3A_84 = arith.constant 0 : i32
    %dma_start3A_85 = tpu.memref_slice %arg7[%dma_start3A_77, %dma_start3A_84] : memref<79x128xi32, #tpu.memory_space<vmem>> -> memref<1x128xi32, #tpu.memory_space<vmem>>
    %dma_start3A_86 = tpu.memref_squeeze %dma_start3A_85 : memref<1x128xi32, #tpu.memory_space<vmem>> -> memref<128xi32, #tpu.memory_space<vmem>>
    %dma_start3A_87 = arith.constant 0 : i32
    %dma_start3A_88 = arith.constant 0 : i32
    %dma_start3A_89 = tpu.memref_slice %arg2[%dma_start3A_87, %dma_start3A_88] : memref<10000x32xf32, #tpu.memory_space<hbm>> -> memref<10000x32xf32, #tpu.memory_space<hbm>>
    %dma_start3A_90 = tpu.memref_slice %arg10[%dma_start3A_79] : memref<16x!tpu.dma_semaphore, #tpu.memory_space<semaphore_mem>> -> memref<1x!tpu.dma_semaphore, #tpu.memory_space<semaphore_mem>>
    %dma_start3A_91 = tpu.memref_squeeze %dma_start3A_90 : memref<1x!tpu.dma_semaphore, #tpu.memory_space<semaphore_mem>> -> memref<!tpu.dma_semaphore, #tpu.memory_space<semaphore_mem>>
    tpu.enqueue_indirect_dma source(%dma_start3A_89 : memref<10000x32xf32, #tpu.memory_space<hbm>>) target(%dma_start3A_83 : memref<128x32xf32, #tpu.memory_space<vmem>>) offsets(%dma_start3A_86 : memref<128xi32, #tpu.memory_space<vmem>>) semaphore(%dma_start3A_91 : memref<!tpu.dma_semaphore, #tpu.memory_space<semaphore_mem>>)
    %dma_start3A_92 = arith.constant 5 : i32
    %dma_start3A_93 = arith.constant 5 : i32
    %dma_start3A_94 = arith.constant 5 : i32
    %dma_start3A_95 = arith.constant 0 : i32
    %dma_start3A_96 = arith.constant 0 : i32
    %dma_start3A_97 = tpu.memref_slice %arg9[%dma_start3A_93, %dma_start3A_95, %dma_start3A_96] : memref<16x128x32xf32, #tpu.memory_space<vmem>> -> memref<1x128x32xf32, #tpu.memory_space<vmem>>
    %dma_start3A_98 = tpu.memref_squeeze %dma_start3A_97 : memref<1x128x32xf32, #tpu.memory_space<vmem>> -> memref<128x32xf32, #tpu.memory_space<vmem>>
    %dma_start3A_99 = arith.constant 0 : i32
    %dma_start3A_100 = tpu.memref_slice %arg7[%dma_start3A_92, %dma_start3A_99] : memref<79x128xi32, #tpu.memory_space<vmem>> -> memref<1x128xi32, #tpu.memory_space<vmem>>
    %dma_start3A_101 = tpu.memref_squeeze %dma_start3A_100 : memref<1x128xi32, #tpu.memory_space<vmem>> -> memref<128xi32, #tpu.memory_space<vmem>>
    %dma_start3A_102 = arith.constant 0 : i32
    %dma_start3A_103 = arith.constant 0 : i32
    %dma_start3A_104 = tpu.memref_slice %arg2[%dma_start3A_102, %dma_start3A_103] : memref<10000x32xf32, #tpu.memory_space<hbm>> -> memref<10000x32xf32, #tpu.memory_space<hbm>>
    %dma_start3A_105 = tpu.memref_slice %arg10[%dma_start3A_94] : memref<16x!tpu.dma_semaphore, #tpu.memory_space<semaphore_mem>> -> memref<1x!tpu.dma_semaphore, #tpu.memory_space<semaphore_mem>>
    %dma_start3A_106 = tpu.memref_squeeze %dma_start3A_105 : memref<1x!tpu.dma_semaphore, #tpu.memory_space<semaphore_mem>> -> memref<!tpu.dma_semaphore, #tpu.memory_space<semaphore_mem>>
    tpu.enqueue_indirect_dma source(%dma_start3A_104 : memref<10000x32xf32, #tpu.memory_space<hbm>>) target(%dma_start3A_98 : memref<128x32xf32, #tpu.memory_space<vmem>>) offsets(%dma_start3A_101 : memref<128xi32, #tpu.memory_space<vmem>>) semaphore(%dma_start3A_106 : memref<!tpu.dma_semaphore, #tpu.memory_space<semaphore_mem>>)
    %dma_start3A_107 = arith.constant 6 : i32
    %dma_start3A_108 = arith.constant 6 : i32
    %dma_start3A_109 = arith.constant 6 : i32
    %dma_start3A_110 = arith.constant 0 : i32
    %dma_start3A_111 = arith.constant 0 : i32
    %dma_start3A_112 = tpu.memref_slice %arg9[%dma_start3A_108, %dma_start3A_110, %dma_start3A_111] : memref<16x128x32xf32, #tpu.memory_space<vmem>> -> memref<1x128x32xf32, #tpu.memory_space<vmem>>
    %dma_start3A_113 = tpu.memref_squeeze %dma_start3A_112 : memref<1x128x32xf32, #tpu.memory_space<vmem>> -> memref<128x32xf32, #tpu.memory_space<vmem>>
    %dma_start3A_114 = arith.constant 0 : i32
    %dma_start3A_115 = tpu.memref_slice %arg7[%dma_start3A_107, %dma_start3A_114] : memref<79x128xi32, #tpu.memory_space<vmem>> -> memref<1x128xi32, #tpu.memory_space<vmem>>
    %dma_start3A_116 = tpu.memref_squeeze %dma_start3A_115 : memref<1x128xi32, #tpu.memory_space<vmem>> -> memref<128xi32, #tpu.memory_space<vmem>>
    %dma_start3A_117 = arith.constant 0 : i32
    %dma_start3A_118 = arith.constant 0 : i32
    %dma_start3A_119 = tpu.memref_slice %arg2[%dma_start3A_117, %dma_start3A_118] : memref<10000x32xf32, #tpu.memory_space<hbm>> -> memref<10000x32xf32, #tpu.memory_space<hbm>>
    %dma_start3A_120 = tpu.memref_slice %arg10[%dma_start3A_109] : memref<16x!tpu.dma_semaphore, #tpu.memory_space<semaphore_mem>> -> memref<1x!tpu.dma_semaphore, #tpu.memory_space<semaphore_mem>>
    %dma_start3A_121 = tpu.memref_squeeze %dma_start3A_120 : memref<1x!tpu.dma_semaphore, #tpu.memory_space<semaphore_mem>> -> memref<!tpu.dma_semaphore, #tpu.memory_space<semaphore_mem>>
    tpu.enqueue_indirect_dma source(%dma_start3A_119 : memref<10000x32xf32, #tpu.memory_space<hbm>>) target(%dma_start3A_113 : memref<128x32xf32, #tpu.memory_space<vmem>>) offsets(%dma_start3A_116 : memref<128xi32, #tpu.memory_space<vmem>>) semaphore(%dma_start3A_121 : memref<!tpu.dma_semaphore, #tpu.memory_space<semaphore_mem>>)
    %dma_start3A_122 = arith.constant 7 : i32
    %dma_start3A_123 = arith.constant 7 : i32
    %dma_start3A_124 = arith.constant 7 : i32
    %dma_start3A_125 = arith.constant 0 : i32
    %dma_start3A_126 = arith.constant 0 : i32
    %dma_start3A_127 = tpu.memref_slice %arg9[%dma_start3A_123, %dma_start3A_125, %dma_start3A_126] : memref<16x128x32xf32, #tpu.memory_space<vmem>> -> memref<1x128x32xf32, #tpu.memory_space<vmem>>
    %dma_start3A_128 = tpu.memref_squeeze %dma_start3A_127 : memref<1x128x32xf32, #tpu.memory_space<vmem>> -> memref<128x32xf32, #tpu.memory_space<vmem>>
    %dma_start3A_129 = arith.constant 0 : i32
    %dma_start3A_130 = tpu.memref_slice %arg7[%dma_start3A_122, %dma_start3A_129] : memref<79x128xi32, #tpu.memory_space<vmem>> -> memref<1x128xi32, #tpu.memory_space<vmem>>
    %dma_start3A_131 = tpu.memref_squeeze %dma_start3A_130 : memref<1x128xi32, #tpu.memory_space<vmem>> -> memref<128xi32, #tpu.memory_space<vmem>>
    %dma_start3A_132 = arith.constant 0 : i32
    %dma_start3A_133 = arith.constant 0 : i32
    %dma_start3A_134 = tpu.memref_slice %arg2[%dma_start3A_132, %dma_start3A_133] : memref<10000x32xf32, #tpu.memory_space<hbm>> -> memref<10000x32xf32, #tpu.memory_space<hbm>>
    %dma_start3A_135 = tpu.memref_slice %arg10[%dma_start3A_124] : memref<16x!tpu.dma_semaphore, #tpu.memory_space<semaphore_mem>> -> memref<1x!tpu.dma_semaphore, #tpu.memory_space<semaphore_mem>>
    %dma_start3A_136 = tpu.memref_squeeze %dma_start3A_135 : memref<1x!tpu.dma_semaphore, #tpu.memory_space<semaphore_mem>> -> memref<!tpu.dma_semaphore, #tpu.memory_space<semaphore_mem>>
    tpu.enqueue_indirect_dma source(%dma_start3A_134 : memref<10000x32xf32, #tpu.memory_space<hbm>>) target(%dma_start3A_128 : memref<128x32xf32, #tpu.memory_space<vmem>>) offsets(%dma_start3A_131 : memref<128xi32, #tpu.memory_space<vmem>>) semaphore(%dma_start3A_136 : memref<!tpu.dma_semaphore, #tpu.memory_space<semaphore_mem>>)
    %while3A = arith.constant 0 : i32
    %while3A_137 = arith.constant 0 : i32
    %while3A_138 = arith.subi %add3A_8, %while3A_137 : i32
    %while3A_139 = arith.addi %while3A_137, %while3A_138 : i32
    %while3A_140 = arith.constant 1 : i32
    %while3A_141 = arith.divsi %while3A_138, %while3A_140 : i32
    %while3A_142 = arith.muli %while3A_141, %while3A_140 : i32
    %while3A_143 = arith.addi %while3A_137, %while3A_142 : i32
    %while3A_144 = arith.constant 1 : i32
    scf.for %while3A_368 = %while3A_137 to %while3A_143 step %while3A_144  : i32 {
      %rem3A_369 = arith.constant 16 : i32
      %rem3A_370 = arith.remsi %while3A_368, %rem3A_369 : i32
      %dma_wait3A_371 = arith.constant 0 : i32
      %dma_wait3A_372 = arith.constant 0 : i32
      %dma_wait3A_373 = tpu.memref_slice %arg9[%rem3A_370, %dma_wait3A_371, %dma_wait3A_372] : memref<16x128x32xf32, #tpu.memory_space<vmem>> -> memref<1x128x32xf32, #tpu.memory_space<vmem>>
      %dma_wait3A_374 = tpu.memref_squeeze %dma_wait3A_373 : memref<1x128x32xf32, #tpu.memory_space<vmem>> -> memref<128x32xf32, #tpu.memory_space<vmem>>
      %dma_wait3A_375 = arith.constant 0 : i32
      %dma_wait3A_376 = tpu.memref_slice %arg7[%while3A_368, %dma_wait3A_375] : memref<79x128xi32, #tpu.memory_space<vmem>> -> memref<1x128xi32, #tpu.memory_space<vmem>>
      %dma_wait3A_377 = tpu.memref_squeeze %dma_wait3A_376 : memref<1x128xi32, #tpu.memory_space<vmem>> -> memref<128xi32, #tpu.memory_space<vmem>>
      %dma_wait3A_378 = arith.constant 0 : i32
      %dma_wait3A_379 = arith.constant 0 : i32
      %dma_wait3A_380 = tpu.memref_slice %arg2[%dma_wait3A_378, %dma_wait3A_379] : memref<10000x32xf32, #tpu.memory_space<hbm>> -> memref<10000x32xf32, #tpu.memory_space<hbm>>
      %dma_wait3A_381 = tpu.memref_slice %arg10[%rem3A_370] : memref<16x!tpu.dma_semaphore, #tpu.memory_space<semaphore_mem>> -> memref<1x!tpu.dma_semaphore, #tpu.memory_space<semaphore_mem>>
      %dma_wait3A_382 = tpu.memref_squeeze %dma_wait3A_381 : memref<1x!tpu.dma_semaphore, #tpu.memory_space<semaphore_mem>> -> memref<!tpu.dma_semaphore, #tpu.memory_space<semaphore_mem>>
      tpu.wait_indirect_dma semaphore(%dma_wait3A_382 : memref<!tpu.dma_semaphore, #tpu.memory_space<semaphore_mem>>) src(%dma_wait3A_380 : memref<10000x32xf32, #tpu.memory_space<hbm>>) dst(%dma_wait3A_374 : memref<128x32xf32, #tpu.memory_space<vmem>>)
      %ge3A = arith.constant 8 : i32
      %ge3A_383 = arith.cmpi sge, %while3A_368, %ge3A : i32
      %convert_element_type3A_384 = arith.extui %ge3A_383 : i1 to i32
      %cond3A_385 = arith.constant 0 : i32
      %cond3A_386 = arith.cmpi ne, %convert_element_type3A_384, %cond3A_385 : i32
      scf.if %cond3A_386 {
        %sub3A_407 = arith.constant 8 : i32
        %sub3A_408 = arith.subi %while3A_368, %sub3A_407 : i32
        %rem3A_409 = arith.constant 16 : i32
        %rem3A_410 = arith.remsi %sub3A_408, %rem3A_409 : i32
        %rem3A_411 = arith.constant 8 : i32
        %rem3A_412 = arith.remsi %sub3A_408, %rem3A_411 : i32
        %dma_wait3A_413 = arith.constant 0 : i32
        %dma_wait3A_414 = arith.constant 0 : i32
        %dma_wait3A_415 = tpu.memref_slice %arg9[%rem3A_410, %dma_wait3A_413, %dma_wait3A_414] : memref<16x128x32xf32, #tpu.memory_space<vmem>> -> memref<1x128x32xf32, #tpu.memory_space<vmem>>
        %dma_wait3A_416 = tpu.memref_squeeze %dma_wait3A_415 : memref<1x128x32xf32, #tpu.memory_space<vmem>> -> memref<128x32xf32, #tpu.memory_space<vmem>>
        %dma_wait3A_417 = arith.constant 0 : i32
        %dma_wait3A_418 = tpu.memref_slice %arg8[%sub3A_408, %dma_wait3A_417] : memref<79x128xi32, #tpu.memory_space<vmem>> -> memref<1x128xi32, #tpu.memory_space<vmem>>
        %dma_wait3A_419 = tpu.memref_squeeze %dma_wait3A_418 : memref<1x128xi32, #tpu.memory_space<vmem>> -> memref<128xi32, #tpu.memory_space<vmem>>
        %dma_wait3A_420 = arith.constant 0 : i32
        %dma_wait3A_421 = arith.constant 0 : i32
        %dma_wait3A_422 = tpu.memref_slice %arg12[%dma_wait3A_420, %dma_wait3A_421] : memref<10112x32xf32, #tpu.memory_space<vmem_shared>> -> memref<10112x32xf32, #tpu.memory_space<vmem_shared>>
        %dma_wait3A_423 = tpu.memref_slice %arg11[%rem3A_412] : memref<8x!tpu.dma_semaphore, #tpu.memory_space<semaphore_mem>> -> memref<1x!tpu.dma_semaphore, #tpu.memory_space<semaphore_mem>>
        %dma_wait3A_424 = tpu.memref_squeeze %dma_wait3A_423 : memref<1x!tpu.dma_semaphore, #tpu.memory_space<semaphore_mem>> -> memref<!tpu.dma_semaphore, #tpu.memory_space<semaphore_mem>>
        tpu.wait_indirect_dma semaphore(%dma_wait3A_424 : memref<!tpu.dma_semaphore, #tpu.memory_space<semaphore_mem>>) src(%dma_wait3A_416 : memref<128x32xf32, #tpu.memory_space<vmem>>) dst(%dma_wait3A_422 : memref<10112x32xf32, #tpu.memory_space<vmem_shared>>)
      } else {
      }
      %add3A_387 = arith.constant 8 : i32
      %add3A_388 = arith.addi %while3A_368, %add3A_387 : i32
      %lt3A_389 = arith.cmpi slt, %add3A_388, %add3A_8 : i32
      %convert_element_type3A_390 = arith.extui %lt3A_389 : i1 to i32
      %cond3A_391 = arith.constant 0 : i32
      %cond3A_392 = arith.cmpi ne, %convert_element_type3A_390, %cond3A_391 : i32
      scf.if %cond3A_392 {
        %add3A_407 = arith.constant 8 : i32
        %add3A_408 = arith.addi %while3A_368, %add3A_407 : i32
        %rem3A_409 = arith.constant 16 : i32
        %rem3A_410 = arith.remsi %add3A_408, %rem3A_409 : i32
        %dma_start3A_411 = arith.constant 0 : i32
        %dma_start3A_412 = arith.constant 0 : i32
        %dma_start3A_413 = tpu.memref_slice %arg9[%rem3A_410, %dma_start3A_411, %dma_start3A_412] : memref<16x128x32xf32, #tpu.memory_space<vmem>> -> memref<1x128x32xf32, #tpu.memory_space<vmem>>
        %dma_start3A_414 = tpu.memref_squeeze %dma_start3A_413 : memref<1x128x32xf32, #tpu.memory_space<vmem>> -> memref<128x32xf32, #tpu.memory_space<vmem>>
        %dma_start3A_415 = arith.constant 0 : i32
        %dma_start3A_416 = tpu.memref_slice %arg7[%add3A_408, %dma_start3A_415] : memref<79x128xi32, #tpu.memory_space<vmem>> -> memref<1x128xi32, #tpu.memory_space<vmem>>
        %dma_start3A_417 = tpu.memref_squeeze %dma_start3A_416 : memref<1x128xi32, #tpu.memory_space<vmem>> -> memref<128xi32, #tpu.memory_space<vmem>>
        %dma_start3A_418 = arith.constant 0 : i32
        %dma_start3A_419 = arith.constant 0 : i32
        %dma_start3A_420 = tpu.memref_slice %arg2[%dma_start3A_418, %dma_start3A_419] : memref<10000x32xf32, #tpu.memory_space<hbm>> -> memref<10000x32xf32, #tpu.memory_space<hbm>>
        %dma_start3A_421 = tpu.memref_slice %arg10[%rem3A_410] : memref<16x!tpu.dma_semaphore, #tpu.memory_space<semaphore_mem>> -> memref<1x!tpu.dma_semaphore, #tpu.memory_space<semaphore_mem>>
        %dma_start3A_422 = tpu.memref_squeeze %dma_start3A_421 : memref<1x!tpu.dma_semaphore, #tpu.memory_space<semaphore_mem>> -> memref<!tpu.dma_semaphore, #tpu.memory_space<semaphore_mem>>
        tpu.enqueue_indirect_dma source(%dma_start3A_420 : memref<10000x32xf32, #tpu.memory_space<hbm>>) target(%dma_start3A_414 : memref<128x32xf32, #tpu.memory_space<vmem>>) offsets(%dma_start3A_417 : memref<128xi32, #tpu.memory_space<vmem>>) semaphore(%dma_start3A_422 : memref<!tpu.dma_semaphore, #tpu.memory_space<semaphore_mem>>)
      } else {
      }
      %rem3A_393 = arith.constant 8 : i32
      %rem3A_394 = arith.remsi %while3A_368, %rem3A_393 : i32
      %dma_start3A_395 = arith.constant 0 : i32
      %dma_start3A_396 = arith.constant 0 : i32
      %dma_start3A_397 = tpu.memref_slice %arg9[%rem3A_370, %dma_start3A_395, %dma_start3A_396] : memref<16x128x32xf32, #tpu.memory_space<vmem>> -> memref<1x128x32xf32, #tpu.memory_space<vmem>>
      %dma_start3A_398 = tpu.memref_squeeze %dma_start3A_397 : memref<1x128x32xf32, #tpu.memory_space<vmem>> -> memref<128x32xf32, #tpu.memory_space<vmem>>
      %dma_start3A_399 = arith.constant 0 : i32
      %dma_start3A_400 = tpu.memref_slice %arg8[%while3A_368, %dma_start3A_399] : memref<79x128xi32, #tpu.memory_space<vmem>> -> memref<1x128xi32, #tpu.memory_space<vmem>>
      %dma_start3A_401 = tpu.memref_squeeze %dma_start3A_400 : memref<1x128xi32, #tpu.memory_space<vmem>> -> memref<128xi32, #tpu.memory_space<vmem>>
      %dma_start3A_402 = arith.constant 0 : i32
      %dma_start3A_403 = arith.constant 0 : i32
      %dma_start3A_404 = tpu.memref_slice %arg12[%dma_start3A_402, %dma_start3A_403] : memref<10112x32xf32, #tpu.memory_space<vmem_shared>> -> memref<10112x32xf32, #tpu.memory_space<vmem_shared>>
      %dma_start3A_405 = tpu.memref_slice %arg11[%rem3A_394] : memref<8x!tpu.dma_semaphore, #tpu.memory_space<semaphore_mem>> -> memref<1x!tpu.dma_semaphore, #tpu.memory_space<semaphore_mem>>
      %dma_start3A_406 = tpu.memref_squeeze %dma_start3A_405 : memref<1x!tpu.dma_semaphore, #tpu.memory_space<semaphore_mem>> -> memref<!tpu.dma_semaphore, #tpu.memory_space<semaphore_mem>>
      tpu.enqueue_indirect_dma source(%dma_start3A_398 : memref<128x32xf32, #tpu.memory_space<vmem>>) target(%dma_start3A_404 : memref<10112x32xf32, #tpu.memory_space<vmem_shared>>) offsets(%dma_start3A_401 : memref<128xi32, #tpu.memory_space<vmem>>) semaphore(%dma_start3A_406 : memref<!tpu.dma_semaphore, #tpu.memory_space<semaphore_mem>>) {add = true}
    }
    %while3A_145 = arith.constant 1 : i32
    scf.for %while3A_368 = %while3A_143 to %while3A_139 step %while3A_145  : i32 {
      %rem3A_369 = arith.constant 16 : i32
      %rem3A_370 = arith.remsi %while3A_368, %rem3A_369 : i32
      %dma_wait3A_371 = arith.constant 0 : i32
      %dma_wait3A_372 = arith.constant 0 : i32
      %dma_wait3A_373 = tpu.memref_slice %arg9[%rem3A_370, %dma_wait3A_371, %dma_wait3A_372] : memref<16x128x32xf32, #tpu.memory_space<vmem>> -> memref<1x128x32xf32, #tpu.memory_space<vmem>>
      %dma_wait3A_374 = tpu.memref_squeeze %dma_wait3A_373 : memref<1x128x32xf32, #tpu.memory_space<vmem>> -> memref<128x32xf32, #tpu.memory_space<vmem>>
      %dma_wait3A_375 = arith.constant 0 : i32
      %dma_wait3A_376 = tpu.memref_slice %arg7[%while3A_368, %dma_wait3A_375] : memref<79x128xi32, #tpu.memory_space<vmem>> -> memref<1x128xi32, #tpu.memory_space<vmem>>
      %dma_wait3A_377 = tpu.memref_squeeze %dma_wait3A_376 : memref<1x128xi32, #tpu.memory_space<vmem>> -> memref<128xi32, #tpu.memory_space<vmem>>
      %dma_wait3A_378 = arith.constant 0 : i32
      %dma_wait3A_379 = arith.constant 0 : i32
      %dma_wait3A_380 = tpu.memref_slice %arg2[%dma_wait3A_378, %dma_wait3A_379] : memref<10000x32xf32, #tpu.memory_space<hbm>> -> memref<10000x32xf32, #tpu.memory_space<hbm>>
      %dma_wait3A_381 = tpu.memref_slice %arg10[%rem3A_370] : memref<16x!tpu.dma_semaphore, #tpu.memory_space<semaphore_mem>> -> memref<1x!tpu.dma_semaphore, #tpu.memory_space<semaphore_mem>>
      %dma_wait3A_382 = tpu.memref_squeeze %dma_wait3A_381 : memref<1x!tpu.dma_semaphore, #tpu.memory_space<semaphore_mem>> -> memref<!tpu.dma_semaphore, #tpu.memory_space<semaphore_mem>>
      tpu.wait_indirect_dma semaphore(%dma_wait3A_382 : memref<!tpu.dma_semaphore, #tpu.memory_space<semaphore_mem>>) src(%dma_wait3A_380 : memref<10000x32xf32, #tpu.memory_space<hbm>>) dst(%dma_wait3A_374 : memref<128x32xf32, #tpu.memory_space<vmem>>)
      %ge3A = arith.constant 8 : i32
      %ge3A_383 = arith.cmpi sge, %while3A_368, %ge3A : i32
      %convert_element_type3A_384 = arith.extui %ge3A_383 : i1 to i32
      %cond3A_385 = arith.constant 0 : i32
      %cond3A_386 = arith.cmpi ne, %convert_element_type3A_384, %cond3A_385 : i32
      scf.if %cond3A_386 {
        %sub3A_407 = arith.constant 8 : i32
        %sub3A_408 = arith.subi %while3A_368, %sub3A_407 : i32
        %rem3A_409 = arith.constant 16 : i32
        %rem3A_410 = arith.remsi %sub3A_408, %rem3A_409 : i32
        %rem3A_411 = arith.constant 8 : i32
        %rem3A_412 = arith.remsi %sub3A_408, %rem3A_411 : i32
        %dma_wait3A_413 = arith.constant 0 : i32
        %dma_wait3A_414 = arith.constant 0 : i32
        %dma_wait3A_415 = tpu.memref_slice %arg9[%rem3A_410, %dma_wait3A_413, %dma_wait3A_414] : memref<16x128x32xf32, #tpu.memory_space<vmem>> -> memref<1x128x32xf32, #tpu.memory_space<vmem>>
        %dma_wait3A_416 = tpu.memref_squeeze %dma_wait3A_415 : memref<1x128x32xf32, #tpu.memory_space<vmem>> -> memref<128x32xf32, #tpu.memory_space<vmem>>
        %dma_wait3A_417 = arith.constant 0 : i32
        %dma_wait3A_418 = tpu.memref_slice %arg8[%sub3A_408, %dma_wait3A_417] : memref<79x128xi32, #tpu.memory_space<vmem>> -> memref<1x128xi32, #tpu.memory_space<vmem>>
        %dma_wait3A_419 = tpu.memref_squeeze %dma_wait3A_418 : memref<1x128xi32, #tpu.memory_space<vmem>> -> memref<128xi32, #tpu.memory_space<vmem>>
        %dma_wait3A_420 = arith.constant 0 : i32
        %dma_wait3A_421 = arith.constant 0 : i32
        %dma_wait3A_422 = tpu.memref_slice %arg12[%dma_wait3A_420, %dma_wait3A_421] : memref<10112x32xf32, #tpu.memory_space<vmem_shared>> -> memref<10112x32xf32, #tpu.memory_space<vmem_shared>>
        %dma_wait3A_423 = tpu.memref_slice %arg11[%rem3A_412] : memref<8x!tpu.dma_semaphore, #tpu.memory_space<semaphore_mem>> -> memref<1x!tpu.dma_semaphore, #tpu.memory_space<semaphore_mem>>
        %dma_wait3A_424 = tpu.memref_squeeze %dma_wait3A_423 : memref<1x!tpu.dma_semaphore, #tpu.memory_space<semaphore_mem>> -> memref<!tpu.dma_semaphore, #tpu.memory_space<semaphore_mem>>
        tpu.wait_indirect_dma semaphore(%dma_wait3A_424 : memref<!tpu.dma_semaphore, #tpu.memory_space<semaphore_mem>>) src(%dma_wait3A_416 : memref<128x32xf32, #tpu.memory_space<vmem>>) dst(%dma_wait3A_422 : memref<10112x32xf32, #tpu.memory_space<vmem_shared>>)
      } else {
      }
      %add3A_387 = arith.constant 8 : i32
      %add3A_388 = arith.addi %while3A_368, %add3A_387 : i32
      %lt3A_389 = arith.cmpi slt, %add3A_388, %add3A_8 : i32
      %convert_element_type3A_390 = arith.extui %lt3A_389 : i1 to i32
      %cond3A_391 = arith.constant 0 : i32
      %cond3A_392 = arith.cmpi ne, %convert_element_type3A_390, %cond3A_391 : i32
      scf.if %cond3A_392 {
        %add3A_407 = arith.constant 8 : i32
        %add3A_408 = arith.addi %while3A_368, %add3A_407 : i32
        %rem3A_409 = arith.constant 16 : i32
        %rem3A_410 = arith.remsi %add3A_408, %rem3A_409 : i32
        %dma_start3A_411 = arith.constant 0 : i32
        %dma_start3A_412 = arith.constant 0 : i32
        %dma_start3A_413 = tpu.memref_slice %arg9[%rem3A_410, %dma_start3A_411, %dma_start3A_412] : memref<16x128x32xf32, #tpu.memory_space<vmem>> -> memref<1x128x32xf32, #tpu.memory_space<vmem>>
        %dma_start3A_414 = tpu.memref_squeeze %dma_start3A_413 : memref<1x128x32xf32, #tpu.memory_space<vmem>> -> memref<128x32xf32, #tpu.memory_space<vmem>>
        %dma_start3A_415 = arith.constant 0 : i32
        %dma_start3A_416 = tpu.memref_slice %arg7[%add3A_408, %dma_start3A_415] : memref<79x128xi32, #tpu.memory_space<vmem>> -> memref<1x128xi32, #tpu.memory_space<vmem>>
        %dma_start3A_417 = tpu.memref_squeeze %dma_start3A_416 : memref<1x128xi32, #tpu.memory_space<vmem>> -> memref<128xi32, #tpu.memory_space<vmem>>
        %dma_start3A_418 = arith.constant 0 : i32
        %dma_start3A_419 = arith.constant 0 : i32
        %dma_start3A_420 = tpu.memref_slice %arg2[%dma_start3A_418, %dma_start3A_419] : memref<10000x32xf32, #tpu.memory_space<hbm>> -> memref<10000x32xf32, #tpu.memory_space<hbm>>
        %dma_start3A_421 = tpu.memref_slice %arg10[%rem3A_410] : memref<16x!tpu.dma_semaphore, #tpu.memory_space<semaphore_mem>> -> memref<1x!tpu.dma_semaphore, #tpu.memory_space<semaphore_mem>>
        %dma_start3A_422 = tpu.memref_squeeze %dma_start3A_421 : memref<1x!tpu.dma_semaphore, #tpu.memory_space<semaphore_mem>> -> memref<!tpu.dma_semaphore, #tpu.memory_space<semaphore_mem>>
        tpu.enqueue_indirect_dma source(%dma_start3A_420 : memref<10000x32xf32, #tpu.memory_space<hbm>>) target(%dma_start3A_414 : memref<128x32xf32, #tpu.memory_space<vmem>>) offsets(%dma_start3A_417 : memref<128xi32, #tpu.memory_space<vmem>>) semaphore(%dma_start3A_422 : memref<!tpu.dma_semaphore, #tpu.memory_space<semaphore_mem>>)
      } else {
      }
      %rem3A_393 = arith.constant 8 : i32
      %rem3A_394 = arith.remsi %while3A_368, %rem3A_393 : i32
      %dma_start3A_395 = arith.constant 0 : i32
      %dma_start3A_396 = arith.constant 0 : i32
      %dma_start3A_397 = tpu.memref_slice %arg9[%rem3A_370, %dma_start3A_395, %dma_start3A_396] : memref<16x128x32xf32, #tpu.memory_space<vmem>> -> memref<1x128x32xf32, #tpu.memory_space<vmem>>
      %dma_start3A_398 = tpu.memref_squeeze %dma_start3A_397 : memref<1x128x32xf32, #tpu.memory_space<vmem>> -> memref<128x32xf32, #tpu.memory_space<vmem>>
      %dma_start3A_399 = arith.constant 0 : i32
      %dma_start3A_400 = tpu.memref_slice %arg8[%while3A_368, %dma_start3A_399] : memref<79x128xi32, #tpu.memory_space<vmem>> -> memref<1x128xi32, #tpu.memory_space<vmem>>
      %dma_start3A_401 = tpu.memref_squeeze %dma_start3A_400 : memref<1x128xi32, #tpu.memory_space<vmem>> -> memref<128xi32, #tpu.memory_space<vmem>>
      %dma_start3A_402 = arith.constant 0 : i32
      %dma_start3A_403 = arith.constant 0 : i32
      %dma_start3A_404 = tpu.memref_slice %arg12[%dma_start3A_402, %dma_start3A_403] : memref<10112x32xf32, #tpu.memory_space<vmem_shared>> -> memref<10112x32xf32, #tpu.memory_space<vmem_shared>>
      %dma_start3A_405 = tpu.memref_slice %arg11[%rem3A_394] : memref<8x!tpu.dma_semaphore, #tpu.memory_space<semaphore_mem>> -> memref<1x!tpu.dma_semaphore, #tpu.memory_space<semaphore_mem>>
      %dma_start3A_406 = tpu.memref_squeeze %dma_start3A_405 : memref<1x!tpu.dma_semaphore, #tpu.memory_space<semaphore_mem>> -> memref<!tpu.dma_semaphore, #tpu.memory_space<semaphore_mem>>
      tpu.enqueue_indirect_dma source(%dma_start3A_398 : memref<128x32xf32, #tpu.memory_space<vmem>>) target(%dma_start3A_404 : memref<10112x32xf32, #tpu.memory_space<vmem_shared>>) offsets(%dma_start3A_401 : memref<128xi32, #tpu.memory_space<vmem>>) semaphore(%dma_start3A_406 : memref<!tpu.dma_semaphore, #tpu.memory_space<semaphore_mem>>) {add = true}
    }
    %sub3A = arith.constant 8 : i32
    %sub3A_146 = arith.subi %add3A_8, %sub3A : i32
    %add3A_147 = arith.constant 0 : i32
    %add3A_148 = arith.addi %sub3A_146, %add3A_147 : i32
    %rem3A = arith.constant 16 : i32
    %rem3A_149 = arith.remsi %add3A_148, %rem3A : i32
    %sub3A_150 = arith.constant 8 : i32
    %sub3A_151 = arith.subi %add3A_8, %sub3A_150 : i32
    %add3A_152 = arith.constant 0 : i32
    %add3A_153 = arith.addi %sub3A_151, %add3A_152 : i32
    %sub3A_154 = arith.constant 8 : i32
    %sub3A_155 = arith.subi %add3A_8, %sub3A_154 : i32
    %add3A_156 = arith.constant 0 : i32
    %add3A_157 = arith.addi %sub3A_155, %add3A_156 : i32
    %rem3A_158 = arith.constant 8 : i32
    %rem3A_159 = arith.remsi %add3A_157, %rem3A_158 : i32
    %dma_wait3A = arith.constant 0 : i32
    %dma_wait3A_160 = arith.constant 0 : i32
    %dma_wait3A_161 = tpu.memref_slice %arg9[%rem3A_149, %dma_wait3A, %dma_wait3A_160] : memref<16x128x32xf32, #tpu.memory_space<vmem>> -> memref<1x128x32xf32, #tpu.memory_space<vmem>>
    %dma_wait3A_162 = tpu.memref_squeeze %dma_wait3A_161 : memref<1x128x32xf32, #tpu.memory_space<vmem>> -> memref<128x32xf32, #tpu.memory_space<vmem>>
    %dma_wait3A_163 = arith.constant 0 : i32
    %dma_wait3A_164 = tpu.memref_slice %arg8[%add3A_153, %dma_wait3A_163] : memref<79x128xi32, #tpu.memory_space<vmem>> -> memref<1x128xi32, #tpu.memory_space<vmem>>
    %dma_wait3A_165 = tpu.memref_squeeze %dma_wait3A_164 : memref<1x128xi32, #tpu.memory_space<vmem>> -> memref<128xi32, #tpu.memory_space<vmem>>
    %dma_wait3A_166 = arith.constant 0 : i32
    %dma_wait3A_167 = arith.constant 0 : i32
    %dma_wait3A_168 = tpu.memref_slice %arg12[%dma_wait3A_166, %dma_wait3A_167] : memref<10112x32xf32, #tpu.memory_space<vmem_shared>> -> memref<10112x32xf32, #tpu.memory_space<vmem_shared>>
    %dma_wait3A_169 = tpu.memref_slice %arg11[%rem3A_159] : memref<8x!tpu.dma_semaphore, #tpu.memory_space<semaphore_mem>> -> memref<1x!tpu.dma_semaphore, #tpu.memory_space<semaphore_mem>>
    %dma_wait3A_170 = tpu.memref_squeeze %dma_wait3A_169 : memref<1x!tpu.dma_semaphore, #tpu.memory_space<semaphore_mem>> -> memref<!tpu.dma_semaphore, #tpu.memory_space<semaphore_mem>>
    tpu.wait_indirect_dma semaphore(%dma_wait3A_170 : memref<!tpu.dma_semaphore, #tpu.memory_space<semaphore_mem>>) src(%dma_wait3A_162 : memref<128x32xf32, #tpu.memory_space<vmem>>) dst(%dma_wait3A_168 : memref<10112x32xf32, #tpu.memory_space<vmem_shared>>)
    %sub3A_171 = arith.constant 8 : i32
    %sub3A_172 = arith.subi %add3A_8, %sub3A_171 : i32
    %add3A_173 = arith.constant 1 : i32
    %add3A_174 = arith.addi %sub3A_172, %add3A_173 : i32
    %rem3A_175 = arith.constant 16 : i32
    %rem3A_176 = arith.remsi %add3A_174, %rem3A_175 : i32
    %sub3A_177 = arith.constant 8 : i32
    %sub3A_178 = arith.subi %add3A_8, %sub3A_177 : i32
    %add3A_179 = arith.constant 1 : i32
    %add3A_180 = arith.addi %sub3A_178, %add3A_179 : i32
    %sub3A_181 = arith.constant 8 : i32
    %sub3A_182 = arith.subi %add3A_8, %sub3A_181 : i32
    %add3A_183 = arith.constant 1 : i32
    %add3A_184 = arith.addi %sub3A_182, %add3A_183 : i32
    %rem3A_185 = arith.constant 8 : i32
    %rem3A_186 = arith.remsi %add3A_184, %rem3A_185 : i32
    %dma_wait3A_187 = arith.constant 0 : i32
    %dma_wait3A_188 = arith.constant 0 : i32
    %dma_wait3A_189 = tpu.memref_slice %arg9[%rem3A_176, %dma_wait3A_187, %dma_wait3A_188] : memref<16x128x32xf32, #tpu.memory_space<vmem>> -> memref<1x128x32xf32, #tpu.memory_space<vmem>>
    %dma_wait3A_190 = tpu.memref_squeeze %dma_wait3A_189 : memref<1x128x32xf32, #tpu.memory_space<vmem>> -> memref<128x32xf32, #tpu.memory_space<vmem>>
    %dma_wait3A_191 = arith.constant 0 : i32
    %dma_wait3A_192 = tpu.memref_slice %arg8[%add3A_180, %dma_wait3A_191] : memref<79x128xi32, #tpu.memory_space<vmem>> -> memref<1x128xi32, #tpu.memory_space<vmem>>
    %dma_wait3A_193 = tpu.memref_squeeze %dma_wait3A_192 : memref<1x128xi32, #tpu.memory_space<vmem>> -> memref<128xi32, #tpu.memory_space<vmem>>
    %dma_wait3A_194 = arith.constant 0 : i32
    %dma_wait3A_195 = arith.constant 0 : i32
    %dma_wait3A_196 = tpu.memref_slice %arg12[%dma_wait3A_194, %dma_wait3A_195] : memref<10112x32xf32, #tpu.memory_space<vmem_shared>> -> memref<10112x32xf32, #tpu.memory_space<vmem_shared>>
    %dma_wait3A_197 = tpu.memref_slice %arg11[%rem3A_186] : memref<8x!tpu.dma_semaphore, #tpu.memory_space<semaphore_mem>> -> memref<1x!tpu.dma_semaphore, #tpu.memory_space<semaphore_mem>>
    %dma_wait3A_198 = tpu.memref_squeeze %dma_wait3A_197 : memref<1x!tpu.dma_semaphore, #tpu.memory_space<semaphore_mem>> -> memref<!tpu.dma_semaphore, #tpu.memory_space<semaphore_mem>>
    tpu.wait_indirect_dma semaphore(%dma_wait3A_198 : memref<!tpu.dma_semaphore, #tpu.memory_space<semaphore_mem>>) src(%dma_wait3A_190 : memref<128x32xf32, #tpu.memory_space<vmem>>) dst(%dma_wait3A_196 : memref<10112x32xf32, #tpu.memory_space<vmem_shared>>)
    %sub3A_199 = arith.constant 8 : i32
    %sub3A_200 = arith.subi %add3A_8, %sub3A_199 : i32
    %add3A_201 = arith.constant 2 : i32
    %add3A_202 = arith.addi %sub3A_200, %add3A_201 : i32
    %rem3A_203 = arith.constant 16 : i32
    %rem3A_204 = arith.remsi %add3A_202, %rem3A_203 : i32
    %sub3A_205 = arith.constant 8 : i32
    %sub3A_206 = arith.subi %add3A_8, %sub3A_205 : i32
    %add3A_207 = arith.constant 2 : i32
    %add3A_208 = arith.addi %sub3A_206, %add3A_207 : i32
    %sub3A_209 = arith.constant 8 : i32
    %sub3A_210 = arith.subi %add3A_8, %sub3A_209 : i32
    %add3A_211 = arith.constant 2 : i32
    %add3A_212 = arith.addi %sub3A_210, %add3A_211 : i32
    %rem3A_213 = arith.constant 8 : i32
    %rem3A_214 = arith.remsi %add3A_212, %rem3A_213 : i32
    %dma_wait3A_215 = arith.constant 0 : i32
    %dma_wait3A_216 = arith.constant 0 : i32
    %dma_wait3A_217 = tpu.memref_slice %arg9[%rem3A_204, %dma_wait3A_215, %dma_wait3A_216] : memref<16x128x32xf32, #tpu.memory_space<vmem>> -> memref<1x128x32xf32, #tpu.memory_space<vmem>>
    %dma_wait3A_218 = tpu.memref_squeeze %dma_wait3A_217 : memref<1x128x32xf32, #tpu.memory_space<vmem>> -> memref<128x32xf32, #tpu.memory_space<vmem>>
    %dma_wait3A_219 = arith.constant 0 : i32
    %dma_wait3A_220 = tpu.memref_slice %arg8[%add3A_208, %dma_wait3A_219] : memref<79x128xi32, #tpu.memory_space<vmem>> -> memref<1x128xi32, #tpu.memory_space<vmem>>
    %dma_wait3A_221 = tpu.memref_squeeze %dma_wait3A_220 : memref<1x128xi32, #tpu.memory_space<vmem>> -> memref<128xi32, #tpu.memory_space<vmem>>
    %dma_wait3A_222 = arith.constant 0 : i32
    %dma_wait3A_223 = arith.constant 0 : i32
    %dma_wait3A_224 = tpu.memref_slice %arg12[%dma_wait3A_222, %dma_wait3A_223] : memref<10112x32xf32, #tpu.memory_space<vmem_shared>> -> memref<10112x32xf32, #tpu.memory_space<vmem_shared>>
    %dma_wait3A_225 = tpu.memref_slice %arg11[%rem3A_214] : memref<8x!tpu.dma_semaphore, #tpu.memory_space<semaphore_mem>> -> memref<1x!tpu.dma_semaphore, #tpu.memory_space<semaphore_mem>>
    %dma_wait3A_226 = tpu.memref_squeeze %dma_wait3A_225 : memref<1x!tpu.dma_semaphore, #tpu.memory_space<semaphore_mem>> -> memref<!tpu.dma_semaphore, #tpu.memory_space<semaphore_mem>>
    tpu.wait_indirect_dma semaphore(%dma_wait3A_226 : memref<!tpu.dma_semaphore, #tpu.memory_space<semaphore_mem>>) src(%dma_wait3A_218 : memref<128x32xf32, #tpu.memory_space<vmem>>) dst(%dma_wait3A_224 : memref<10112x32xf32, #tpu.memory_space<vmem_shared>>)
    %sub3A_227 = arith.constant 8 : i32
    %sub3A_228 = arith.subi %add3A_8, %sub3A_227 : i32
    %add3A_229 = arith.constant 3 : i32
    %add3A_230 = arith.addi %sub3A_228, %add3A_229 : i32
    %rem3A_231 = arith.constant 16 : i32
    %rem3A_232 = arith.remsi %add3A_230, %rem3A_231 : i32
    %sub3A_233 = arith.constant 8 : i32
    %sub3A_234 = arith.subi %add3A_8, %sub3A_233 : i32
    %add3A_235 = arith.constant 3 : i32
    %add3A_236 = arith.addi %sub3A_234, %add3A_235 : i32
    %sub3A_237 = arith.constant 8 : i32
    %sub3A_238 = arith.subi %add3A_8, %sub3A_237 : i32
    %add3A_239 = arith.constant 3 : i32
    %add3A_240 = arith.addi %sub3A_238, %add3A_239 : i32
    %rem3A_241 = arith.constant 8 : i32
    %rem3A_242 = arith.remsi %add3A_240, %rem3A_241 : i32
    %dma_wait3A_243 = arith.constant 0 : i32
    %dma_wait3A_244 = arith.constant 0 : i32
    %dma_wait3A_245 = tpu.memref_slice %arg9[%rem3A_232, %dma_wait3A_243, %dma_wait3A_244] : memref<16x128x32xf32, #tpu.memory_space<vmem>> -> memref<1x128x32xf32, #tpu.memory_space<vmem>>
    %dma_wait3A_246 = tpu.memref_squeeze %dma_wait3A_245 : memref<1x128x32xf32, #tpu.memory_space<vmem>> -> memref<128x32xf32, #tpu.memory_space<vmem>>
    %dma_wait3A_247 = arith.constant 0 : i32
    %dma_wait3A_248 = tpu.memref_slice %arg8[%add3A_236, %dma_wait3A_247] : memref<79x128xi32, #tpu.memory_space<vmem>> -> memref<1x128xi32, #tpu.memory_space<vmem>>
    %dma_wait3A_249 = tpu.memref_squeeze %dma_wait3A_248 : memref<1x128xi32, #tpu.memory_space<vmem>> -> memref<128xi32, #tpu.memory_space<vmem>>
    %dma_wait3A_250 = arith.constant 0 : i32
    %dma_wait3A_251 = arith.constant 0 : i32
    %dma_wait3A_252 = tpu.memref_slice %arg12[%dma_wait3A_250, %dma_wait3A_251] : memref<10112x32xf32, #tpu.memory_space<vmem_shared>> -> memref<10112x32xf32, #tpu.memory_space<vmem_shared>>
    %dma_wait3A_253 = tpu.memref_slice %arg11[%rem3A_242] : memref<8x!tpu.dma_semaphore, #tpu.memory_space<semaphore_mem>> -> memref<1x!tpu.dma_semaphore, #tpu.memory_space<semaphore_mem>>
    %dma_wait3A_254 = tpu.memref_squeeze %dma_wait3A_253 : memref<1x!tpu.dma_semaphore, #tpu.memory_space<semaphore_mem>> -> memref<!tpu.dma_semaphore, #tpu.memory_space<semaphore_mem>>
    tpu.wait_indirect_dma semaphore(%dma_wait3A_254 : memref<!tpu.dma_semaphore, #tpu.memory_space<semaphore_mem>>) src(%dma_wait3A_246 : memref<128x32xf32, #tpu.memory_space<vmem>>) dst(%dma_wait3A_252 : memref<10112x32xf32, #tpu.memory_space<vmem_shared>>)
    %sub3A_255 = arith.constant 8 : i32
    %sub3A_256 = arith.subi %add3A_8, %sub3A_255 : i32
    %add3A_257 = arith.constant 4 : i32
    %add3A_258 = arith.addi %sub3A_256, %add3A_257 : i32
    %rem3A_259 = arith.constant 16 : i32
    %rem3A_260 = arith.remsi %add3A_258, %rem3A_259 : i32
    %sub3A_261 = arith.constant 8 : i32
    %sub3A_262 = arith.subi %add3A_8, %sub3A_261 : i32
    %add3A_263 = arith.constant 4 : i32
    %add3A_264 = arith.addi %sub3A_262, %add3A_263 : i32
    %sub3A_265 = arith.constant 8 : i32
    %sub3A_266 = arith.subi %add3A_8, %sub3A_265 : i32
    %add3A_267 = arith.constant 4 : i32
    %add3A_268 = arith.addi %sub3A_266, %add3A_267 : i32
    %rem3A_269 = arith.constant 8 : i32
    %rem3A_270 = arith.remsi %add3A_268, %rem3A_269 : i32
    %dma_wait3A_271 = arith.constant 0 : i32
    %dma_wait3A_272 = arith.constant 0 : i32
    %dma_wait3A_273 = tpu.memref_slice %arg9[%rem3A_260, %dma_wait3A_271, %dma_wait3A_272] : memref<16x128x32xf32, #tpu.memory_space<vmem>> -> memref<1x128x32xf32, #tpu.memory_space<vmem>>
    %dma_wait3A_274 = tpu.memref_squeeze %dma_wait3A_273 : memref<1x128x32xf32, #tpu.memory_space<vmem>> -> memref<128x32xf32, #tpu.memory_space<vmem>>
    %dma_wait3A_275 = arith.constant 0 : i32
    %dma_wait3A_276 = tpu.memref_slice %arg8[%add3A_264, %dma_wait3A_275] : memref<79x128xi32, #tpu.memory_space<vmem>> -> memref<1x128xi32, #tpu.memory_space<vmem>>
    %dma_wait3A_277 = tpu.memref_squeeze %dma_wait3A_276 : memref<1x128xi32, #tpu.memory_space<vmem>> -> memref<128xi32, #tpu.memory_space<vmem>>
    %dma_wait3A_278 = arith.constant 0 : i32
    %dma_wait3A_279 = arith.constant 0 : i32
    %dma_wait3A_280 = tpu.memref_slice %arg12[%dma_wait3A_278, %dma_wait3A_279] : memref<10112x32xf32, #tpu.memory_space<vmem_shared>> -> memref<10112x32xf32, #tpu.memory_space<vmem_shared>>
    %dma_wait3A_281 = tpu.memref_slice %arg11[%rem3A_270] : memref<8x!tpu.dma_semaphore, #tpu.memory_space<semaphore_mem>> -> memref<1x!tpu.dma_semaphore, #tpu.memory_space<semaphore_mem>>
    %dma_wait3A_282 = tpu.memref_squeeze %dma_wait3A_281 : memref<1x!tpu.dma_semaphore, #tpu.memory_space<semaphore_mem>> -> memref<!tpu.dma_semaphore, #tpu.memory_space<semaphore_mem>>
    tpu.wait_indirect_dma semaphore(%dma_wait3A_282 : memref<!tpu.dma_semaphore, #tpu.memory_space<semaphore_mem>>) src(%dma_wait3A_274 : memref<128x32xf32, #tpu.memory_space<vmem>>) dst(%dma_wait3A_280 : memref<10112x32xf32, #tpu.memory_space<vmem_shared>>)
    %sub3A_283 = arith.constant 8 : i32
    %sub3A_284 = arith.subi %add3A_8, %sub3A_283 : i32
    %add3A_285 = arith.constant 5 : i32
    %add3A_286 = arith.addi %sub3A_284, %add3A_285 : i32
    %rem3A_287 = arith.constant 16 : i32
    %rem3A_288 = arith.remsi %add3A_286, %rem3A_287 : i32
    %sub3A_289 = arith.constant 8 : i32
    %sub3A_290 = arith.subi %add3A_8, %sub3A_289 : i32
    %add3A_291 = arith.constant 5 : i32
    %add3A_292 = arith.addi %sub3A_290, %add3A_291 : i32
    %sub3A_293 = arith.constant 8 : i32
    %sub3A_294 = arith.subi %add3A_8, %sub3A_293 : i32
    %add3A_295 = arith.constant 5 : i32
    %add3A_296 = arith.addi %sub3A_294, %add3A_295 : i32
    %rem3A_297 = arith.constant 8 : i32
    %rem3A_298 = arith.remsi %add3A_296, %rem3A_297 : i32
    %dma_wait3A_299 = arith.constant 0 : i32
    %dma_wait3A_300 = arith.constant 0 : i32
    %dma_wait3A_301 = tpu.memref_slice %arg9[%rem3A_288, %dma_wait3A_299, %dma_wait3A_300] : memref<16x128x32xf32, #tpu.memory_space<vmem>> -> memref<1x128x32xf32, #tpu.memory_space<vmem>>
    %dma_wait3A_302 = tpu.memref_squeeze %dma_wait3A_301 : memref<1x128x32xf32, #tpu.memory_space<vmem>> -> memref<128x32xf32, #tpu.memory_space<vmem>>
    %dma_wait3A_303 = arith.constant 0 : i32
    %dma_wait3A_304 = tpu.memref_slice %arg8[%add3A_292, %dma_wait3A_303] : memref<79x128xi32, #tpu.memory_space<vmem>> -> memref<1x128xi32, #tpu.memory_space<vmem>>
    %dma_wait3A_305 = tpu.memref_squeeze %dma_wait3A_304 : memref<1x128xi32, #tpu.memory_space<vmem>> -> memref<128xi32, #tpu.memory_space<vmem>>
    %dma_wait3A_306 = arith.constant 0 : i32
    %dma_wait3A_307 = arith.constant 0 : i32
    %dma_wait3A_308 = tpu.memref_slice %arg12[%dma_wait3A_306, %dma_wait3A_307] : memref<10112x32xf32, #tpu.memory_space<vmem_shared>> -> memref<10112x32xf32, #tpu.memory_space<vmem_shared>>
    %dma_wait3A_309 = tpu.memref_slice %arg11[%rem3A_298] : memref<8x!tpu.dma_semaphore, #tpu.memory_space<semaphore_mem>> -> memref<1x!tpu.dma_semaphore, #tpu.memory_space<semaphore_mem>>
    %dma_wait3A_310 = tpu.memref_squeeze %dma_wait3A_309 : memref<1x!tpu.dma_semaphore, #tpu.memory_space<semaphore_mem>> -> memref<!tpu.dma_semaphore, #tpu.memory_space<semaphore_mem>>
    tpu.wait_indirect_dma semaphore(%dma_wait3A_310 : memref<!tpu.dma_semaphore, #tpu.memory_space<semaphore_mem>>) src(%dma_wait3A_302 : memref<128x32xf32, #tpu.memory_space<vmem>>) dst(%dma_wait3A_308 : memref<10112x32xf32, #tpu.memory_space<vmem_shared>>)
    %sub3A_311 = arith.constant 8 : i32
    %sub3A_312 = arith.subi %add3A_8, %sub3A_311 : i32
    %add3A_313 = arith.constant 6 : i32
    %add3A_314 = arith.addi %sub3A_312, %add3A_313 : i32
    %rem3A_315 = arith.constant 16 : i32
    %rem3A_316 = arith.remsi %add3A_314, %rem3A_315 : i32
    %sub3A_317 = arith.constant 8 : i32
    %sub3A_318 = arith.subi %add3A_8, %sub3A_317 : i32
    %add3A_319 = arith.constant 6 : i32
    %add3A_320 = arith.addi %sub3A_318, %add3A_319 : i32
    %sub3A_321 = arith.constant 8 : i32
    %sub3A_322 = arith.subi %add3A_8, %sub3A_321 : i32
    %add3A_323 = arith.constant 6 : i32
    %add3A_324 = arith.addi %sub3A_322, %add3A_323 : i32
    %rem3A_325 = arith.constant 8 : i32
    %rem3A_326 = arith.remsi %add3A_324, %rem3A_325 : i32
    %dma_wait3A_327 = arith.constant 0 : i32
    %dma_wait3A_328 = arith.constant 0 : i32
    %dma_wait3A_329 = tpu.memref_slice %arg9[%rem3A_316, %dma_wait3A_327, %dma_wait3A_328] : memref<16x128x32xf32, #tpu.memory_space<vmem>> -> memref<1x128x32xf32, #tpu.memory_space<vmem>>
    %dma_wait3A_330 = tpu.memref_squeeze %dma_wait3A_329 : memref<1x128x32xf32, #tpu.memory_space<vmem>> -> memref<128x32xf32, #tpu.memory_space<vmem>>
    %dma_wait3A_331 = arith.constant 0 : i32
    %dma_wait3A_332 = tpu.memref_slice %arg8[%add3A_320, %dma_wait3A_331] : memref<79x128xi32, #tpu.memory_space<vmem>> -> memref<1x128xi32, #tpu.memory_space<vmem>>
    %dma_wait3A_333 = tpu.memref_squeeze %dma_wait3A_332 : memref<1x128xi32, #tpu.memory_space<vmem>> -> memref<128xi32, #tpu.memory_space<vmem>>
    %dma_wait3A_334 = arith.constant 0 : i32
    %dma_wait3A_335 = arith.constant 0 : i32
    %dma_wait3A_336 = tpu.memref_slice %arg12[%dma_wait3A_334, %dma_wait3A_335] : memref<10112x32xf32, #tpu.memory_space<vmem_shared>> -> memref<10112x32xf32, #tpu.memory_space<vmem_shared>>
    %dma_wait3A_337 = tpu.memref_slice %arg11[%rem3A_326] : memref<8x!tpu.dma_semaphore, #tpu.memory_space<semaphore_mem>> -> memref<1x!tpu.dma_semaphore, #tpu.memory_space<semaphore_mem>>
    %dma_wait3A_338 = tpu.memref_squeeze %dma_wait3A_337 : memref<1x!tpu.dma_semaphore, #tpu.memory_space<semaphore_mem>> -> memref<!tpu.dma_semaphore, #tpu.memory_space<semaphore_mem>>
    tpu.wait_indirect_dma semaphore(%dma_wait3A_338 : memref<!tpu.dma_semaphore, #tpu.memory_space<semaphore_mem>>) src(%dma_wait3A_330 : memref<128x32xf32, #tpu.memory_space<vmem>>) dst(%dma_wait3A_336 : memref<10112x32xf32, #tpu.memory_space<vmem_shared>>)
    %sub3A_339 = arith.constant 8 : i32
    %sub3A_340 = arith.subi %add3A_8, %sub3A_339 : i32
    %add3A_341 = arith.constant 7 : i32
    %add3A_342 = arith.addi %sub3A_340, %add3A_341 : i32
    %rem3A_343 = arith.constant 16 : i32
    %rem3A_344 = arith.remsi %add3A_342, %rem3A_343 : i32
    %sub3A_345 = arith.constant 8 : i32
    %sub3A_346 = arith.subi %add3A_8, %sub3A_345 : i32
    %add3A_347 = arith.constant 7 : i32
    %add3A_348 = arith.addi %sub3A_346, %add3A_347 : i32
    %sub3A_349 = arith.constant 8 : i32
    %sub3A_350 = arith.subi %add3A_8, %sub3A_349 : i32
    %add3A_351 = arith.constant 7 : i32
    %add3A_352 = arith.addi %sub3A_350, %add3A_351 : i32
    %rem3A_353 = arith.constant 8 : i32
    %rem3A_354 = arith.remsi %add3A_352, %rem3A_353 : i32
    %dma_wait3A_355 = arith.constant 0 : i32
    %dma_wait3A_356 = arith.constant 0 : i32
    %dma_wait3A_357 = tpu.memref_slice %arg9[%rem3A_344, %dma_wait3A_355, %dma_wait3A_356] : memref<16x128x32xf32, #tpu.memory_space<vmem>> -> memref<1x128x32xf32, #tpu.memory_space<vmem>>
    %dma_wait3A_358 = tpu.memref_squeeze %dma_wait3A_357 : memref<1x128x32xf32, #tpu.memory_space<vmem>> -> memref<128x32xf32, #tpu.memory_space<vmem>>
    %dma_wait3A_359 = arith.constant 0 : i32
    %dma_wait3A_360 = tpu.memref_slice %arg8[%add3A_348, %dma_wait3A_359] : memref<79x128xi32, #tpu.memory_space<vmem>> -> memref<1x128xi32, #tpu.memory_space<vmem>>
    %dma_wait3A_361 = tpu.memref_squeeze %dma_wait3A_360 : memref<1x128xi32, #tpu.memory_space<vmem>> -> memref<128xi32, #tpu.memory_space<vmem>>
    %dma_wait3A_362 = arith.constant 0 : i32
    %dma_wait3A_363 = arith.constant 0 : i32
    %dma_wait3A_364 = tpu.memref_slice %arg12[%dma_wait3A_362, %dma_wait3A_363] : memref<10112x32xf32, #tpu.memory_space<vmem_shared>> -> memref<10112x32xf32, #tpu.memory_space<vmem_shared>>
    %dma_wait3A_365 = tpu.memref_slice %arg11[%rem3A_354] : memref<8x!tpu.dma_semaphore, #tpu.memory_space<semaphore_mem>> -> memref<1x!tpu.dma_semaphore, #tpu.memory_space<semaphore_mem>>
    %dma_wait3A_366 = tpu.memref_squeeze %dma_wait3A_365 : memref<1x!tpu.dma_semaphore, #tpu.memory_space<semaphore_mem>> -> memref<!tpu.dma_semaphore, #tpu.memory_space<semaphore_mem>>
    tpu.wait_indirect_dma semaphore(%dma_wait3A_366 : memref<!tpu.dma_semaphore, #tpu.memory_space<semaphore_mem>>) src(%dma_wait3A_358 : memref<128x32xf32, #tpu.memory_space<vmem>>) dst(%dma_wait3A_364 : memref<10112x32xf32, #tpu.memory_space<vmem_shared>>)
    %barrier3A_367 = arith.constant 0 : index
    tpu.barrier barrier_id(%barrier3A_367)
    "tpu.region"() ({
      %run_scoped3A = tpu.sem_alloc : memref<!tpu.dma_semaphore, #tpu.memory_space<semaphore_mem>>
      %dma_start3A_368 = arith.constant 0 : i32
      %dma_start3A_369 = tpu.memref_slice %arg6[%arg0, %mul3A_10, %dma_start3A_368] : memref<2x10112x32xf32, #tpu.memory_space<hbm>> -> memref<1x632x32xf32, #tpu.memory_space<hbm>>
      %dma_start3A_370 = tpu.memref_squeeze %dma_start3A_369 : memref<1x632x32xf32, #tpu.memory_space<hbm>> -> memref<632x32xf32, #tpu.memory_space<hbm>>
      %dma_start3A_371 = arith.constant 0 : i32
      %dma_start3A_372 = tpu.memref_slice %arg12[%mul3A_10, %dma_start3A_371] : memref<10112x32xf32, #tpu.memory_space<vmem_shared>> -> memref<632x32xf32, #tpu.memory_space<vmem_shared>>
      tpu.enqueue_dma source(%dma_start3A_372 : memref<632x32xf32, #tpu.memory_space<vmem_shared>>) target(%dma_start3A_370 : memref<632x32xf32, #tpu.memory_space<hbm>>) target_semaphore(%run_scoped3A : memref<!tpu.dma_semaphore, #tpu.memory_space<semaphore_mem>>)
      %dma_wait3A_373 = arith.constant 0 : i32
      %dma_wait3A_374 = tpu.memref_slice %arg6[%arg0, %mul3A_10, %dma_wait3A_373] : memref<2x10112x32xf32, #tpu.memory_space<hbm>> -> memref<1x632x32xf32, #tpu.memory_space<hbm>>
      %dma_wait3A_375 = tpu.memref_squeeze %dma_wait3A_374 : memref<1x632x32xf32, #tpu.memory_space<hbm>> -> memref<632x32xf32, #tpu.memory_space<hbm>>
      %dma_wait3A_376 = arith.constant 0 : i32
      %dma_wait3A_377 = tpu.memref_slice %arg12[%mul3A_10, %dma_wait3A_376] : memref<10112x32xf32, #tpu.memory_space<vmem_shared>> -> memref<632x32xf32, #tpu.memory_space<vmem_shared>>
      tpu.wait_dma2 semaphore(%run_scoped3A : memref<!tpu.dma_semaphore, #tpu.memory_space<semaphore_mem>>) src(%dma_wait3A_377 : memref<632x32xf32, #tpu.memory_space<vmem_shared>>) dst(%dma_wait3A_375 : memref<632x32xf32, #tpu.memory_space<hbm>>)
      tpu.yield
    }) : () -> ()
    return
  }
}

#map = affine_map<(d0, d1) -> (0, 0)>
#map1 = affine_map<(d0, d1) -> (0, 0, 0)>
module attributes {stable_mosaic.version = 14 : i64} {
  func.func @body(%arg0: i32, %arg1: i32, %arg2: memref<10000x16xf32, #tpu.memory_space<hbm>>, %arg3: memref<2500x128xi32, #tpu.memory_space<hbm>>, %arg4: memref<2500x128xi32, #tpu.memory_space<hbm>>, %arg5: memref<10112x16xf32, #tpu.memory_space<hbm>>, %arg6: memref<2x10112x16xf32, #tpu.memory_space<hbm>>, %arg7: memref<79x128xi32, #tpu.memory_space<vmem>>, %arg8: memref<79x128xi32, #tpu.memory_space<vmem>>, %arg9: memref<16x128x16xf32, #tpu.memory_space<vmem>>, %arg10: memref<16x!tpu.dma_semaphore, #tpu.memory_space<semaphore_mem>>, %arg11: memref<8x!tpu.dma_semaphore, #tpu.memory_space<semaphore_mem>>, %arg12: memref<10112x16xf32, #tpu.memory_space<vmem_shared>>) attributes {dimension_semantics = [#tpu.dimension_semantics<core_parallel>, #tpu.dimension_semantics<subcore_parallel>], iteration_bounds = array<i64: 2, 16>, scalar_prefetch = 0 : i64, scratch_operands = 6 : i64, tpu.core_type = #tpu.core_type<sc_vector_subcore>, window_params = [{transform_indices = #map}, {transform_indices = #map}, {transform_indices = #map}, {transform_indices = #map}, {transform_indices = #map1}]} {
    %mul3A = arith.constant 16 : i32
    %mul3A_0 = arith.muli %arg0, %mul3A : i32
    %add3A = arith.addi %mul3A_0, %arg1 : i32
    %mul3A_1 = arith.constant 78 : i32
    %mul3A_2 = arith.muli %mul3A_1, %add3A : i32
    %min3A = arith.constant 4 : i32
    %min3A_3 = arith.minsi %add3A, %min3A : i32
    %add3A_4 = arith.addi %mul3A_2, %min3A_3 : i32
    %lt3A = arith.constant 4 : i32
    %lt3A_5 = arith.cmpi slt, %add3A, %lt3A : i32
    %jit3A = arith.constant 1 : i32
    %jit3A_6 = arith.constant 0 : i32
    %select_n3A = arith.select %lt3A_5, %jit3A, %jit3A_6 : i32
    %add3A_7 = arith.constant 78 : i32
    %add3A_8 = arith.addi %add3A_7, %select_n3A : i32
    %mul3A_9 = arith.constant 632 : i32
    %mul3A_10 = arith.muli %arg1, %mul3A_9 : i32
    "tpu.region"() ({
      %run_scoped3A = tpu.sem_alloc : memref<!tpu.dma_semaphore, #tpu.memory_space<semaphore_mem>>
      %dma_start3A_368 = arith.constant 0 : i32
      %dma_start3A_369 = tpu.memref_slice %arg12[%mul3A_10, %dma_start3A_368] : memref<10112x16xf32, #tpu.memory_space<vmem_shared>> -> memref<632x16xf32, #tpu.memory_space<vmem_shared>>
      %dma_start3A_370 = arith.constant 0 : i32
      %dma_start3A_371 = tpu.memref_slice %arg5[%mul3A_10, %dma_start3A_370] : memref<10112x16xf32, #tpu.memory_space<hbm>> -> memref<632x16xf32, #tpu.memory_space<hbm>>
      tpu.enqueue_dma source(%dma_start3A_371 : memref<632x16xf32, #tpu.memory_space<hbm>>) target(%dma_start3A_369 : memref<632x16xf32, #tpu.memory_space<vmem_shared>>) target_semaphore(%run_scoped3A : memref<!tpu.dma_semaphore, #tpu.memory_space<semaphore_mem>>)
      %dma_wait3A_372 = arith.constant 0 : i32
      %dma_wait3A_373 = tpu.memref_slice %arg12[%mul3A_10, %dma_wait3A_372] : memref<10112x16xf32, #tpu.memory_space<vmem_shared>> -> memref<632x16xf32, #tpu.memory_space<vmem_shared>>
      %dma_wait3A_374 = arith.constant 0 : i32
      %dma_wait3A_375 = tpu.memref_slice %arg5[%mul3A_10, %dma_wait3A_374] : memref<10112x16xf32, #tpu.memory_space<hbm>> -> memref<632x16xf32, #tpu.memory_space<hbm>>
      tpu.wait_dma2 semaphore(%run_scoped3A : memref<!tpu.dma_semaphore, #tpu.memory_space<semaphore_mem>>) src(%dma_wait3A_375 : memref<632x16xf32, #tpu.memory_space<hbm>>) dst(%dma_wait3A_373 : memref<632x16xf32, #tpu.memory_space<vmem_shared>>)
      tpu.yield
    }) : () -> ()
    %eq3A = arith.constant 79 : i32
    %eq3A_11 = arith.cmpi eq, %add3A_8, %eq3A : i32
    %convert_element_type3A = arith.extui %eq3A_11 : i1 to i32
    %cond3A = arith.constant 0 : i32
    %cond3A_12 = arith.cmpi ne, %convert_element_type3A, %cond3A : i32
    scf.if %cond3A_12 {
      "tpu.region"() ({
        %run_scoped3A = tpu.sem_alloc : memref<!tpu.dma_semaphore, #tpu.memory_space<semaphore_mem>>
        %dma_start3A_368 = arith.constant 0 : i32
        %dma_start3A_369 = tpu.memref_slice %arg3[%add3A_4, %dma_start3A_368] : memref<2500x128xi32, #tpu.memory_space<hbm>> -> memref<79x128xi32, #tpu.memory_space<hbm>>
        %dma_start3A_370 = arith.constant 0 : i32
        %dma_start3A_371 = tpu.memref_slice %arg3[%add3A_4, %dma_start3A_370] : memref<2500x128xi32, #tpu.memory_space<hbm>> -> memref<79x128xi32, #tpu.memory_space<hbm>>
        tpu.enqueue_dma source(%dma_start3A_371 : memref<79x128xi32, #tpu.memory_space<hbm>>) target(%arg7 : memref<79x128xi32, #tpu.memory_space<vmem>>) target_semaphore(%run_scoped3A : memref<!tpu.dma_semaphore, #tpu.memory_space<semaphore_mem>>)
        %dma_wait3A_372 = arith.constant 0 : i32
        %dma_wait3A_373 = tpu.memref_slice %arg3[%add3A_4, %dma_wait3A_372] : memref<2500x128xi32, #tpu.memory_space<hbm>> -> memref<79x128xi32, #tpu.memory_space<hbm>>
        %dma_wait3A_374 = arith.constant 0 : i32
        %dma_wait3A_375 = tpu.memref_slice %arg3[%add3A_4, %dma_wait3A_374] : memref<2500x128xi32, #tpu.memory_space<hbm>> -> memref<79x128xi32, #tpu.memory_space<hbm>>
        tpu.wait_dma2 semaphore(%run_scoped3A : memref<!tpu.dma_semaphore, #tpu.memory_space<semaphore_mem>>) src(%dma_wait3A_375 : memref<79x128xi32, #tpu.memory_space<hbm>>) dst(%arg7 : memref<79x128xi32, #tpu.memory_space<vmem>>)
        tpu.yield
      }) : () -> ()
      "tpu.region"() ({
        %run_scoped3A = tpu.sem_alloc : memref<!tpu.dma_semaphore, #tpu.memory_space<semaphore_mem>>
        %dma_start3A_368 = arith.constant 0 : i32
        %dma_start3A_369 = tpu.memref_slice %arg4[%add3A_4, %dma_start3A_368] : memref<2500x128xi32, #tpu.memory_space<hbm>> -> memref<79x128xi32, #tpu.memory_space<hbm>>
        %dma_start3A_370 = arith.constant 0 : i32
        %dma_start3A_371 = tpu.memref_slice %arg4[%add3A_4, %dma_start3A_370] : memref<2500x128xi32, #tpu.memory_space<hbm>> -> memref<79x128xi32, #tpu.memory_space<hbm>>
        tpu.enqueue_dma source(%dma_start3A_371 : memref<79x128xi32, #tpu.memory_space<hbm>>) target(%arg8 : memref<79x128xi32, #tpu.memory_space<vmem>>) target_semaphore(%run_scoped3A : memref<!tpu.dma_semaphore, #tpu.memory_space<semaphore_mem>>)
        %dma_wait3A_372 = arith.constant 0 : i32
        %dma_wait3A_373 = tpu.memref_slice %arg4[%add3A_4, %dma_wait3A_372] : memref<2500x128xi32, #tpu.memory_space<hbm>> -> memref<79x128xi32, #tpu.memory_space<hbm>>
        %dma_wait3A_374 = arith.constant 0 : i32
        %dma_wait3A_375 = tpu.memref_slice %arg4[%add3A_4, %dma_wait3A_374] : memref<2500x128xi32, #tpu.memory_space<hbm>> -> memref<79x128xi32, #tpu.memory_space<hbm>>
        tpu.wait_dma2 semaphore(%run_scoped3A : memref<!tpu.dma_semaphore, #tpu.memory_space<semaphore_mem>>) src(%dma_wait3A_375 : memref<79x128xi32, #tpu.memory_space<hbm>>) dst(%arg8 : memref<79x128xi32, #tpu.memory_space<vmem>>)
        tpu.yield
      }) : () -> ()
    } else {
    }
    %eq3A_13 = arith.constant 78 : i32
    %eq3A_14 = arith.cmpi eq, %add3A_8, %eq3A_13 : i32
    %convert_element_type3A_15 = arith.extui %eq3A_14 : i1 to i32
    %cond3A_16 = arith.constant 0 : i32
    %cond3A_17 = arith.cmpi ne, %convert_element_type3A_15, %cond3A_16 : i32
    scf.if %cond3A_17 {
      "tpu.region"() ({
        %run_scoped3A = tpu.sem_alloc : memref<!tpu.dma_semaphore, #tpu.memory_space<semaphore_mem>>
        %dma_start3A_368 = arith.constant 0 : i32
        %dma_start3A_369 = arith.constant 0 : i32
        %dma_start3A_370 = tpu.memref_slice %arg7[%dma_start3A_368, %dma_start3A_369] : memref<79x128xi32, #tpu.memory_space<vmem>> -> memref<78x128xi32, #tpu.memory_space<vmem>>
        %dma_start3A_371 = arith.constant 0 : i32
        %dma_start3A_372 = tpu.memref_slice %arg3[%add3A_4, %dma_start3A_371] : memref<2500x128xi32, #tpu.memory_space<hbm>> -> memref<78x128xi32, #tpu.memory_space<hbm>>
        %dma_start3A_373 = arith.constant 0 : i32
        %dma_start3A_374 = arith.constant 0 : i32
        %dma_start3A_375 = tpu.memref_slice %arg7[%dma_start3A_373, %dma_start3A_374] : memref<79x128xi32, #tpu.memory_space<vmem>> -> memref<78x128xi32, #tpu.memory_space<vmem>>
        %dma_start3A_376 = arith.constant 0 : i32
        %dma_start3A_377 = tpu.memref_slice %arg3[%add3A_4, %dma_start3A_376] : memref<2500x128xi32, #tpu.memory_space<hbm>> -> memref<78x128xi32, #tpu.memory_space<hbm>>
        tpu.enqueue_dma source(%dma_start3A_377 : memref<78x128xi32, #tpu.memory_space<hbm>>) target(%dma_start3A_375 : memref<78x128xi32, #tpu.memory_space<vmem>>) target_semaphore(%run_scoped3A : memref<!tpu.dma_semaphore, #tpu.memory_space<semaphore_mem>>)
        %dma_wait3A_378 = arith.constant 0 : i32
        %dma_wait3A_379 = arith.constant 0 : i32
        %dma_wait3A_380 = tpu.memref_slice %arg7[%dma_wait3A_378, %dma_wait3A_379] : memref<79x128xi32, #tpu.memory_space<vmem>> -> memref<78x128xi32, #tpu.memory_space<vmem>>
        %dma_wait3A_381 = arith.constant 0 : i32
        %dma_wait3A_382 = tpu.memref_slice %arg3[%add3A_4, %dma_wait3A_381] : memref<2500x128xi32, #tpu.memory_space<hbm>> -> memref<78x128xi32, #tpu.memory_space<hbm>>
        %dma_wait3A_383 = arith.constant 0 : i32
        %dma_wait3A_384 = arith.constant 0 : i32
        %dma_wait3A_385 = tpu.memref_slice %arg7[%dma_wait3A_383, %dma_wait3A_384] : memref<79x128xi32, #tpu.memory_space<vmem>> -> memref<78x128xi32, #tpu.memory_space<vmem>>
        %dma_wait3A_386 = arith.constant 0 : i32
        %dma_wait3A_387 = tpu.memref_slice %arg3[%add3A_4, %dma_wait3A_386] : memref<2500x128xi32, #tpu.memory_space<hbm>> -> memref<78x128xi32, #tpu.memory_space<hbm>>
        tpu.wait_dma2 semaphore(%run_scoped3A : memref<!tpu.dma_semaphore, #tpu.memory_space<semaphore_mem>>) src(%dma_wait3A_387 : memref<78x128xi32, #tpu.memory_space<hbm>>) dst(%dma_wait3A_385 : memref<78x128xi32, #tpu.memory_space<vmem>>)
        tpu.yield
      }) : () -> ()
      "tpu.region"() ({
        %run_scoped3A = tpu.sem_alloc : memref<!tpu.dma_semaphore, #tpu.memory_space<semaphore_mem>>
        %dma_start3A_368 = arith.constant 0 : i32
        %dma_start3A_369 = arith.constant 0 : i32
        %dma_start3A_370 = tpu.memref_slice %arg8[%dma_start3A_368, %dma_start3A_369] : memref<79x128xi32, #tpu.memory_space<vmem>> -> memref<78x128xi32, #tpu.memory_space<vmem>>
        %dma_start3A_371 = arith.constant 0 : i32
        %dma_start3A_372 = tpu.memref_slice %arg4[%add3A_4, %dma_start3A_371] : memref<2500x128xi32, #tpu.memory_space<hbm>> -> memref<78x128xi32, #tpu.memory_space<hbm>>
        %dma_start3A_373 = arith.constant 0 : i32
        %dma_start3A_374 = arith.constant 0 : i32
        %dma_start3A_375 = tpu.memref_slice %arg8[%dma_start3A_373, %dma_start3A_374] : memref<79x128xi32, #tpu.memory_space<vmem>> -> memref<78x128xi32, #tpu.memory_space<vmem>>
        %dma_start3A_376 = arith.constant 0 : i32
        %dma_start3A_377 = tpu.memref_slice %arg4[%add3A_4, %dma_start3A_376] : memref<2500x128xi32, #tpu.memory_space<hbm>> -> memref<78x128xi32, #tpu.memory_space<hbm>>
        tpu.enqueue_dma source(%dma_start3A_377 : memref<78x128xi32, #tpu.memory_space<hbm>>) target(%dma_start3A_375 : memref<78x128xi32, #tpu.memory_space<vmem>>) target_semaphore(%run_scoped3A : memref<!tpu.dma_semaphore, #tpu.memory_space<semaphore_mem>>)
        %dma_wait3A_378 = arith.constant 0 : i32
        %dma_wait3A_379 = arith.constant 0 : i32
        %dma_wait3A_380 = tpu.memref_slice %arg8[%dma_wait3A_378, %dma_wait3A_379] : memref<79x128xi32, #tpu.memory_space<vmem>> -> memref<78x128xi32, #tpu.memory_space<vmem>>
        %dma_wait3A_381 = arith.constant 0 : i32
        %dma_wait3A_382 = tpu.memref_slice %arg4[%add3A_4, %dma_wait3A_381] : memref<2500x128xi32, #tpu.memory_space<hbm>> -> memref<78x128xi32, #tpu.memory_space<hbm>>
        %dma_wait3A_383 = arith.constant 0 : i32
        %dma_wait3A_384 = arith.constant 0 : i32
        %dma_wait3A_385 = tpu.memref_slice %arg8[%dma_wait3A_383, %dma_wait3A_384] : memref<79x128xi32, #tpu.memory_space<vmem>> -> memref<78x128xi32, #tpu.memory_space<vmem>>
        %dma_wait3A_386 = arith.constant 0 : i32
        %dma_wait3A_387 = tpu.memref_slice %arg4[%add3A_4, %dma_wait3A_386] : memref<2500x128xi32, #tpu.memory_space<hbm>> -> memref<78x128xi32, #tpu.memory_space<hbm>>
        tpu.wait_dma2 semaphore(%run_scoped3A : memref<!tpu.dma_semaphore, #tpu.memory_space<semaphore_mem>>) src(%dma_wait3A_387 : memref<78x128xi32, #tpu.memory_space<hbm>>) dst(%dma_wait3A_385 : memref<78x128xi32, #tpu.memory_space<vmem>>)
        tpu.yield
      }) : () -> ()
    } else {
    }
    %barrier3A = arith.constant 0 : index
    tpu.barrier barrier_id(%barrier3A)
    %dma_start3A = arith.constant 0 : i32
    %dma_start3A_18 = arith.constant 0 : i32
    %dma_start3A_19 = arith.constant 0 : i32
    %dma_start3A_20 = arith.constant 0 : i32
    %dma_start3A_21 = arith.constant 0 : i32
    %dma_start3A_22 = tpu.memref_slice %arg9[%dma_start3A_18, %dma_start3A_20, %dma_start3A_21] : memref<16x128x16xf32, #tpu.memory_space<vmem>> -> memref<1x128x16xf32, #tpu.memory_space<vmem>>
    %dma_start3A_23 = tpu.memref_squeeze %dma_start3A_22 : memref<1x128x16xf32, #tpu.memory_space<vmem>> -> memref<128x16xf32, #tpu.memory_space<vmem>>
    %dma_start3A_24 = arith.constant 0 : i32
    %dma_start3A_25 = tpu.memref_slice %arg7[%dma_start3A, %dma_start3A_24] : memref<79x128xi32, #tpu.memory_space<vmem>> -> memref<1x128xi32, #tpu.memory_space<vmem>>
    %dma_start3A_26 = tpu.memref_squeeze %dma_start3A_25 : memref<1x128xi32, #tpu.memory_space<vmem>> -> memref<128xi32, #tpu.memory_space<vmem>>
    %dma_start3A_27 = arith.constant 0 : i32
    %dma_start3A_28 = arith.constant 0 : i32
    %dma_start3A_29 = tpu.memref_slice %arg2[%dma_start3A_27, %dma_start3A_28] : memref<10000x16xf32, #tpu.memory_space<hbm>> -> memref<10000x16xf32, #tpu.memory_space<hbm>>
    %dma_start3A_30 = tpu.memref_slice %arg10[%dma_start3A_19] : memref<16x!tpu.dma_semaphore, #tpu.memory_space<semaphore_mem>> -> memref<1x!tpu.dma_semaphore, #tpu.memory_space<semaphore_mem>>
    %dma_start3A_31 = tpu.memref_squeeze %dma_start3A_30 : memref<1x!tpu.dma_semaphore, #tpu.memory_space<semaphore_mem>> -> memref<!tpu.dma_semaphore, #tpu.memory_space<semaphore_mem>>
    tpu.enqueue_indirect_dma source(%dma_start3A_29 : memref<10000x16xf32, #tpu.memory_space<hbm>>) target(%dma_start3A_23 : memref<128x16xf32, #tpu.memory_space<vmem>>) offsets(%dma_start3A_26 : memref<128xi32, #tpu.memory_space<vmem>>) semaphore(%dma_start3A_31 : memref<!tpu.dma_semaphore, #tpu.memory_space<semaphore_mem>>)
    %dma_start3A_32 = arith.constant 1 : i32
    %dma_start3A_33 = arith.constant 1 : i32
    %dma_start3A_34 = arith.constant 1 : i32
    %dma_start3A_35 = arith.constant 0 : i32
    %dma_start3A_36 = arith.constant 0 : i32
    %dma_start3A_37 = tpu.memref_slice %arg9[%dma_start3A_33, %dma_start3A_35, %dma_start3A_36] : memref<16x128x16xf32, #tpu.memory_space<vmem>> -> memref<1x128x16xf32, #tpu.memory_space<vmem>>
    %dma_start3A_38 = tpu.memref_squeeze %dma_start3A_37 : memref<1x128x16xf32, #tpu.memory_space<vmem>> -> memref<128x16xf32, #tpu.memory_space<vmem>>
    %dma_start3A_39 = arith.constant 0 : i32
    %dma_start3A_40 = tpu.memref_slice %arg7[%dma_start3A_32, %dma_start3A_39] : memref<79x128xi32, #tpu.memory_space<vmem>> -> memref<1x128xi32, #tpu.memory_space<vmem>>
    %dma_start3A_41 = tpu.memref_squeeze %dma_start3A_40 : memref<1x128xi32, #tpu.memory_space<vmem>> -> memref<128xi32, #tpu.memory_space<vmem>>
    %dma_start3A_42 = arith.constant 0 : i32
    %dma_start3A_43 = arith.constant 0 : i32
    %dma_start3A_44 = tpu.memref_slice %arg2[%dma_start3A_42, %dma_start3A_43] : memref<10000x16xf32, #tpu.memory_space<hbm>> -> memref<10000x16xf32, #tpu.memory_space<hbm>>
    %dma_start3A_45 = tpu.memref_slice %arg10[%dma_start3A_34] : memref<16x!tpu.dma_semaphore, #tpu.memory_space<semaphore_mem>> -> memref<1x!tpu.dma_semaphore, #tpu.memory_space<semaphore_mem>>
    %dma_start3A_46 = tpu.memref_squeeze %dma_start3A_45 : memref<1x!tpu.dma_semaphore, #tpu.memory_space<semaphore_mem>> -> memref<!tpu.dma_semaphore, #tpu.memory_space<semaphore_mem>>
    tpu.enqueue_indirect_dma source(%dma_start3A_44 : memref<10000x16xf32, #tpu.memory_space<hbm>>) target(%dma_start3A_38 : memref<128x16xf32, #tpu.memory_space<vmem>>) offsets(%dma_start3A_41 : memref<128xi32, #tpu.memory_space<vmem>>) semaphore(%dma_start3A_46 : memref<!tpu.dma_semaphore, #tpu.memory_space<semaphore_mem>>)
    %dma_start3A_47 = arith.constant 2 : i32
    %dma_start3A_48 = arith.constant 2 : i32
    %dma_start3A_49 = arith.constant 2 : i32
    %dma_start3A_50 = arith.constant 0 : i32
    %dma_start3A_51 = arith.constant 0 : i32
    %dma_start3A_52 = tpu.memref_slice %arg9[%dma_start3A_48, %dma_start3A_50, %dma_start3A_51] : memref<16x128x16xf32, #tpu.memory_space<vmem>> -> memref<1x128x16xf32, #tpu.memory_space<vmem>>
    %dma_start3A_53 = tpu.memref_squeeze %dma_start3A_52 : memref<1x128x16xf32, #tpu.memory_space<vmem>> -> memref<128x16xf32, #tpu.memory_space<vmem>>
    %dma_start3A_54 = arith.constant 0 : i32
    %dma_start3A_55 = tpu.memref_slice %arg7[%dma_start3A_47, %dma_start3A_54] : memref<79x128xi32, #tpu.memory_space<vmem>> -> memref<1x128xi32, #tpu.memory_space<vmem>>
    %dma_start3A_56 = tpu.memref_squeeze %dma_start3A_55 : memref<1x128xi32, #tpu.memory_space<vmem>> -> memref<128xi32, #tpu.memory_space<vmem>>
    %dma_start3A_57 = arith.constant 0 : i32
    %dma_start3A_58 = arith.constant 0 : i32
    %dma_start3A_59 = tpu.memref_slice %arg2[%dma_start3A_57, %dma_start3A_58] : memref<10000x16xf32, #tpu.memory_space<hbm>> -> memref<10000x16xf32, #tpu.memory_space<hbm>>
    %dma_start3A_60 = tpu.memref_slice %arg10[%dma_start3A_49] : memref<16x!tpu.dma_semaphore, #tpu.memory_space<semaphore_mem>> -> memref<1x!tpu.dma_semaphore, #tpu.memory_space<semaphore_mem>>
    %dma_start3A_61 = tpu.memref_squeeze %dma_start3A_60 : memref<1x!tpu.dma_semaphore, #tpu.memory_space<semaphore_mem>> -> memref<!tpu.dma_semaphore, #tpu.memory_space<semaphore_mem>>
    tpu.enqueue_indirect_dma source(%dma_start3A_59 : memref<10000x16xf32, #tpu.memory_space<hbm>>) target(%dma_start3A_53 : memref<128x16xf32, #tpu.memory_space<vmem>>) offsets(%dma_start3A_56 : memref<128xi32, #tpu.memory_space<vmem>>) semaphore(%dma_start3A_61 : memref<!tpu.dma_semaphore, #tpu.memory_space<semaphore_mem>>)
    %dma_start3A_62 = arith.constant 3 : i32
    %dma_start3A_63 = arith.constant 3 : i32
    %dma_start3A_64 = arith.constant 3 : i32
    %dma_start3A_65 = arith.constant 0 : i32
    %dma_start3A_66 = arith.constant 0 : i32
    %dma_start3A_67 = tpu.memref_slice %arg9[%dma_start3A_63, %dma_start3A_65, %dma_start3A_66] : memref<16x128x16xf32, #tpu.memory_space<vmem>> -> memref<1x128x16xf32, #tpu.memory_space<vmem>>
    %dma_start3A_68 = tpu.memref_squeeze %dma_start3A_67 : memref<1x128x16xf32, #tpu.memory_space<vmem>> -> memref<128x16xf32, #tpu.memory_space<vmem>>
    %dma_start3A_69 = arith.constant 0 : i32
    %dma_start3A_70 = tpu.memref_slice %arg7[%dma_start3A_62, %dma_start3A_69] : memref<79x128xi32, #tpu.memory_space<vmem>> -> memref<1x128xi32, #tpu.memory_space<vmem>>
    %dma_start3A_71 = tpu.memref_squeeze %dma_start3A_70 : memref<1x128xi32, #tpu.memory_space<vmem>> -> memref<128xi32, #tpu.memory_space<vmem>>
    %dma_start3A_72 = arith.constant 0 : i32
    %dma_start3A_73 = arith.constant 0 : i32
    %dma_start3A_74 = tpu.memref_slice %arg2[%dma_start3A_72, %dma_start3A_73] : memref<10000x16xf32, #tpu.memory_space<hbm>> -> memref<10000x16xf32, #tpu.memory_space<hbm>>
    %dma_start3A_75 = tpu.memref_slice %arg10[%dma_start3A_64] : memref<16x!tpu.dma_semaphore, #tpu.memory_space<semaphore_mem>> -> memref<1x!tpu.dma_semaphore, #tpu.memory_space<semaphore_mem>>
    %dma_start3A_76 = tpu.memref_squeeze %dma_start3A_75 : memref<1x!tpu.dma_semaphore, #tpu.memory_space<semaphore_mem>> -> memref<!tpu.dma_semaphore, #tpu.memory_space<semaphore_mem>>
    tpu.enqueue_indirect_dma source(%dma_start3A_74 : memref<10000x16xf32, #tpu.memory_space<hbm>>) target(%dma_start3A_68 : memref<128x16xf32, #tpu.memory_space<vmem>>) offsets(%dma_start3A_71 : memref<128xi32, #tpu.memory_space<vmem>>) semaphore(%dma_start3A_76 : memref<!tpu.dma_semaphore, #tpu.memory_space<semaphore_mem>>)
    %dma_start3A_77 = arith.constant 4 : i32
    %dma_start3A_78 = arith.constant 4 : i32
    %dma_start3A_79 = arith.constant 4 : i32
    %dma_start3A_80 = arith.constant 0 : i32
    %dma_start3A_81 = arith.constant 0 : i32
    %dma_start3A_82 = tpu.memref_slice %arg9[%dma_start3A_78, %dma_start3A_80, %dma_start3A_81] : memref<16x128x16xf32, #tpu.memory_space<vmem>> -> memref<1x128x16xf32, #tpu.memory_space<vmem>>
    %dma_start3A_83 = tpu.memref_squeeze %dma_start3A_82 : memref<1x128x16xf32, #tpu.memory_space<vmem>> -> memref<128x16xf32, #tpu.memory_space<vmem>>
    %dma_start3A_84 = arith.constant 0 : i32
    %dma_start3A_85 = tpu.memref_slice %arg7[%dma_start3A_77, %dma_start3A_84] : memref<79x128xi32, #tpu.memory_space<vmem>> -> memref<1x128xi32, #tpu.memory_space<vmem>>
    %dma_start3A_86 = tpu.memref_squeeze %dma_start3A_85 : memref<1x128xi32, #tpu.memory_space<vmem>> -> memref<128xi32, #tpu.memory_space<vmem>>
    %dma_start3A_87 = arith.constant 0 : i32
    %dma_start3A_88 = arith.constant 0 : i32
    %dma_start3A_89 = tpu.memref_slice %arg2[%dma_start3A_87, %dma_start3A_88] : memref<10000x16xf32, #tpu.memory_space<hbm>> -> memref<10000x16xf32, #tpu.memory_space<hbm>>
    %dma_start3A_90 = tpu.memref_slice %arg10[%dma_start3A_79] : memref<16x!tpu.dma_semaphore, #tpu.memory_space<semaphore_mem>> -> memref<1x!tpu.dma_semaphore, #tpu.memory_space<semaphore_mem>>
    %dma_start3A_91 = tpu.memref_squeeze %dma_start3A_90 : memref<1x!tpu.dma_semaphore, #tpu.memory_space<semaphore_mem>> -> memref<!tpu.dma_semaphore, #tpu.memory_space<semaphore_mem>>
    tpu.enqueue_indirect_dma source(%dma_start3A_89 : memref<10000x16xf32, #tpu.memory_space<hbm>>) target(%dma_start3A_83 : memref<128x16xf32, #tpu.memory_space<vmem>>) offsets(%dma_start3A_86 : memref<128xi32, #tpu.memory_space<vmem>>) semaphore(%dma_start3A_91 : memref<!tpu.dma_semaphore, #tpu.memory_space<semaphore_mem>>)
    %dma_start3A_92 = arith.constant 5 : i32
    %dma_start3A_93 = arith.constant 5 : i32
    %dma_start3A_94 = arith.constant 5 : i32
    %dma_start3A_95 = arith.constant 0 : i32
    %dma_start3A_96 = arith.constant 0 : i32
    %dma_start3A_97 = tpu.memref_slice %arg9[%dma_start3A_93, %dma_start3A_95, %dma_start3A_96] : memref<16x128x16xf32, #tpu.memory_space<vmem>> -> memref<1x128x16xf32, #tpu.memory_space<vmem>>
    %dma_start3A_98 = tpu.memref_squeeze %dma_start3A_97 : memref<1x128x16xf32, #tpu.memory_space<vmem>> -> memref<128x16xf32, #tpu.memory_space<vmem>>
    %dma_start3A_99 = arith.constant 0 : i32
    %dma_start3A_100 = tpu.memref_slice %arg7[%dma_start3A_92, %dma_start3A_99] : memref<79x128xi32, #tpu.memory_space<vmem>> -> memref<1x128xi32, #tpu.memory_space<vmem>>
    %dma_start3A_101 = tpu.memref_squeeze %dma_start3A_100 : memref<1x128xi32, #tpu.memory_space<vmem>> -> memref<128xi32, #tpu.memory_space<vmem>>
    %dma_start3A_102 = arith.constant 0 : i32
    %dma_start3A_103 = arith.constant 0 : i32
    %dma_start3A_104 = tpu.memref_slice %arg2[%dma_start3A_102, %dma_start3A_103] : memref<10000x16xf32, #tpu.memory_space<hbm>> -> memref<10000x16xf32, #tpu.memory_space<hbm>>
    %dma_start3A_105 = tpu.memref_slice %arg10[%dma_start3A_94] : memref<16x!tpu.dma_semaphore, #tpu.memory_space<semaphore_mem>> -> memref<1x!tpu.dma_semaphore, #tpu.memory_space<semaphore_mem>>
    %dma_start3A_106 = tpu.memref_squeeze %dma_start3A_105 : memref<1x!tpu.dma_semaphore, #tpu.memory_space<semaphore_mem>> -> memref<!tpu.dma_semaphore, #tpu.memory_space<semaphore_mem>>
    tpu.enqueue_indirect_dma source(%dma_start3A_104 : memref<10000x16xf32, #tpu.memory_space<hbm>>) target(%dma_start3A_98 : memref<128x16xf32, #tpu.memory_space<vmem>>) offsets(%dma_start3A_101 : memref<128xi32, #tpu.memory_space<vmem>>) semaphore(%dma_start3A_106 : memref<!tpu.dma_semaphore, #tpu.memory_space<semaphore_mem>>)
    %dma_start3A_107 = arith.constant 6 : i32
    %dma_start3A_108 = arith.constant 6 : i32
    %dma_start3A_109 = arith.constant 6 : i32
    %dma_start3A_110 = arith.constant 0 : i32
    %dma_start3A_111 = arith.constant 0 : i32
    %dma_start3A_112 = tpu.memref_slice %arg9[%dma_start3A_108, %dma_start3A_110, %dma_start3A_111] : memref<16x128x16xf32, #tpu.memory_space<vmem>> -> memref<1x128x16xf32, #tpu.memory_space<vmem>>
    %dma_start3A_113 = tpu.memref_squeeze %dma_start3A_112 : memref<1x128x16xf32, #tpu.memory_space<vmem>> -> memref<128x16xf32, #tpu.memory_space<vmem>>
    %dma_start3A_114 = arith.constant 0 : i32
    %dma_start3A_115 = tpu.memref_slice %arg7[%dma_start3A_107, %dma_start3A_114] : memref<79x128xi32, #tpu.memory_space<vmem>> -> memref<1x128xi32, #tpu.memory_space<vmem>>
    %dma_start3A_116 = tpu.memref_squeeze %dma_start3A_115 : memref<1x128xi32, #tpu.memory_space<vmem>> -> memref<128xi32, #tpu.memory_space<vmem>>
    %dma_start3A_117 = arith.constant 0 : i32
    %dma_start3A_118 = arith.constant 0 : i32
    %dma_start3A_119 = tpu.memref_slice %arg2[%dma_start3A_117, %dma_start3A_118] : memref<10000x16xf32, #tpu.memory_space<hbm>> -> memref<10000x16xf32, #tpu.memory_space<hbm>>
    %dma_start3A_120 = tpu.memref_slice %arg10[%dma_start3A_109] : memref<16x!tpu.dma_semaphore, #tpu.memory_space<semaphore_mem>> -> memref<1x!tpu.dma_semaphore, #tpu.memory_space<semaphore_mem>>
    %dma_start3A_121 = tpu.memref_squeeze %dma_start3A_120 : memref<1x!tpu.dma_semaphore, #tpu.memory_space<semaphore_mem>> -> memref<!tpu.dma_semaphore, #tpu.memory_space<semaphore_mem>>
    tpu.enqueue_indirect_dma source(%dma_start3A_119 : memref<10000x16xf32, #tpu.memory_space<hbm>>) target(%dma_start3A_113 : memref<128x16xf32, #tpu.memory_space<vmem>>) offsets(%dma_start3A_116 : memref<128xi32, #tpu.memory_space<vmem>>) semaphore(%dma_start3A_121 : memref<!tpu.dma_semaphore, #tpu.memory_space<semaphore_mem>>)
    %dma_start3A_122 = arith.constant 7 : i32
    %dma_start3A_123 = arith.constant 7 : i32
    %dma_start3A_124 = arith.constant 7 : i32
    %dma_start3A_125 = arith.constant 0 : i32
    %dma_start3A_126 = arith.constant 0 : i32
    %dma_start3A_127 = tpu.memref_slice %arg9[%dma_start3A_123, %dma_start3A_125, %dma_start3A_126] : memref<16x128x16xf32, #tpu.memory_space<vmem>> -> memref<1x128x16xf32, #tpu.memory_space<vmem>>
    %dma_start3A_128 = tpu.memref_squeeze %dma_start3A_127 : memref<1x128x16xf32, #tpu.memory_space<vmem>> -> memref<128x16xf32, #tpu.memory_space<vmem>>
    %dma_start3A_129 = arith.constant 0 : i32
    %dma_start3A_130 = tpu.memref_slice %arg7[%dma_start3A_122, %dma_start3A_129] : memref<79x128xi32, #tpu.memory_space<vmem>> -> memref<1x128xi32, #tpu.memory_space<vmem>>
    %dma_start3A_131 = tpu.memref_squeeze %dma_start3A_130 : memref<1x128xi32, #tpu.memory_space<vmem>> -> memref<128xi32, #tpu.memory_space<vmem>>
    %dma_start3A_132 = arith.constant 0 : i32
    %dma_start3A_133 = arith.constant 0 : i32
    %dma_start3A_134 = tpu.memref_slice %arg2[%dma_start3A_132, %dma_start3A_133] : memref<10000x16xf32, #tpu.memory_space<hbm>> -> memref<10000x16xf32, #tpu.memory_space<hbm>>
    %dma_start3A_135 = tpu.memref_slice %arg10[%dma_start3A_124] : memref<16x!tpu.dma_semaphore, #tpu.memory_space<semaphore_mem>> -> memref<1x!tpu.dma_semaphore, #tpu.memory_space<semaphore_mem>>
    %dma_start3A_136 = tpu.memref_squeeze %dma_start3A_135 : memref<1x!tpu.dma_semaphore, #tpu.memory_space<semaphore_mem>> -> memref<!tpu.dma_semaphore, #tpu.memory_space<semaphore_mem>>
    tpu.enqueue_indirect_dma source(%dma_start3A_134 : memref<10000x16xf32, #tpu.memory_space<hbm>>) target(%dma_start3A_128 : memref<128x16xf32, #tpu.memory_space<vmem>>) offsets(%dma_start3A_131 : memref<128xi32, #tpu.memory_space<vmem>>) semaphore(%dma_start3A_136 : memref<!tpu.dma_semaphore, #tpu.memory_space<semaphore_mem>>)
    %while3A = arith.constant 0 : i32
    %while3A_137 = arith.constant 0 : i32
    %while3A_138 = arith.subi %add3A_8, %while3A_137 : i32
    %while3A_139 = arith.addi %while3A_137, %while3A_138 : i32
    %while3A_140 = arith.constant 1 : i32
    %while3A_141 = arith.divsi %while3A_138, %while3A_140 : i32
    %while3A_142 = arith.muli %while3A_141, %while3A_140 : i32
    %while3A_143 = arith.addi %while3A_137, %while3A_142 : i32
    %while3A_144 = arith.constant 1 : i32
    scf.for %while3A_368 = %while3A_137 to %while3A_143 step %while3A_144  : i32 {
      %rem3A_369 = arith.constant 16 : i32
      %rem3A_370 = arith.remsi %while3A_368, %rem3A_369 : i32
      %dma_wait3A_371 = arith.constant 0 : i32
      %dma_wait3A_372 = arith.constant 0 : i32
      %dma_wait3A_373 = tpu.memref_slice %arg9[%rem3A_370, %dma_wait3A_371, %dma_wait3A_372] : memref<16x128x16xf32, #tpu.memory_space<vmem>> -> memref<1x128x16xf32, #tpu.memory_space<vmem>>
      %dma_wait3A_374 = tpu.memref_squeeze %dma_wait3A_373 : memref<1x128x16xf32, #tpu.memory_space<vmem>> -> memref<128x16xf32, #tpu.memory_space<vmem>>
      %dma_wait3A_375 = arith.constant 0 : i32
      %dma_wait3A_376 = tpu.memref_slice %arg7[%while3A_368, %dma_wait3A_375] : memref<79x128xi32, #tpu.memory_space<vmem>> -> memref<1x128xi32, #tpu.memory_space<vmem>>
      %dma_wait3A_377 = tpu.memref_squeeze %dma_wait3A_376 : memref<1x128xi32, #tpu.memory_space<vmem>> -> memref<128xi32, #tpu.memory_space<vmem>>
      %dma_wait3A_378 = arith.constant 0 : i32
      %dma_wait3A_379 = arith.constant 0 : i32
      %dma_wait3A_380 = tpu.memref_slice %arg2[%dma_wait3A_378, %dma_wait3A_379] : memref<10000x16xf32, #tpu.memory_space<hbm>> -> memref<10000x16xf32, #tpu.memory_space<hbm>>
      %dma_wait3A_381 = tpu.memref_slice %arg10[%rem3A_370] : memref<16x!tpu.dma_semaphore, #tpu.memory_space<semaphore_mem>> -> memref<1x!tpu.dma_semaphore, #tpu.memory_space<semaphore_mem>>
      %dma_wait3A_382 = tpu.memref_squeeze %dma_wait3A_381 : memref<1x!tpu.dma_semaphore, #tpu.memory_space<semaphore_mem>> -> memref<!tpu.dma_semaphore, #tpu.memory_space<semaphore_mem>>
      tpu.wait_indirect_dma semaphore(%dma_wait3A_382 : memref<!tpu.dma_semaphore, #tpu.memory_space<semaphore_mem>>) src(%dma_wait3A_380 : memref<10000x16xf32, #tpu.memory_space<hbm>>) dst(%dma_wait3A_374 : memref<128x16xf32, #tpu.memory_space<vmem>>)
      %ge3A = arith.constant 8 : i32
      %ge3A_383 = arith.cmpi sge, %while3A_368, %ge3A : i32
      %convert_element_type3A_384 = arith.extui %ge3A_383 : i1 to i32
      %cond3A_385 = arith.constant 0 : i32
      %cond3A_386 = arith.cmpi ne, %convert_element_type3A_384, %cond3A_385 : i32
      scf.if %cond3A_386 {
        %sub3A_407 = arith.constant 8 : i32
        %sub3A_408 = arith.subi %while3A_368, %sub3A_407 : i32
        %rem3A_409 = arith.constant 16 : i32
        %rem3A_410 = arith.remsi %sub3A_408, %rem3A_409 : i32
        %rem3A_411 = arith.constant 8 : i32
        %rem3A_412 = arith.remsi %sub3A_408, %rem3A_411 : i32
        %dma_wait3A_413 = arith.constant 0 : i32
        %dma_wait3A_414 = arith.constant 0 : i32
        %dma_wait3A_415 = tpu.memref_slice %arg9[%rem3A_410, %dma_wait3A_413, %dma_wait3A_414] : memref<16x128x16xf32, #tpu.memory_space<vmem>> -> memref<1x128x16xf32, #tpu.memory_space<vmem>>
        %dma_wait3A_416 = tpu.memref_squeeze %dma_wait3A_415 : memref<1x128x16xf32, #tpu.memory_space<vmem>> -> memref<128x16xf32, #tpu.memory_space<vmem>>
        %dma_wait3A_417 = arith.constant 0 : i32
        %dma_wait3A_418 = tpu.memref_slice %arg8[%sub3A_408, %dma_wait3A_417] : memref<79x128xi32, #tpu.memory_space<vmem>> -> memref<1x128xi32, #tpu.memory_space<vmem>>
        %dma_wait3A_419 = tpu.memref_squeeze %dma_wait3A_418 : memref<1x128xi32, #tpu.memory_space<vmem>> -> memref<128xi32, #tpu.memory_space<vmem>>
        %dma_wait3A_420 = arith.constant 0 : i32
        %dma_wait3A_421 = arith.constant 0 : i32
        %dma_wait3A_422 = tpu.memref_slice %arg12[%dma_wait3A_420, %dma_wait3A_421] : memref<10112x16xf32, #tpu.memory_space<vmem_shared>> -> memref<10112x16xf32, #tpu.memory_space<vmem_shared>>
        %dma_wait3A_423 = tpu.memref_slice %arg11[%rem3A_412] : memref<8x!tpu.dma_semaphore, #tpu.memory_space<semaphore_mem>> -> memref<1x!tpu.dma_semaphore, #tpu.memory_space<semaphore_mem>>
        %dma_wait3A_424 = tpu.memref_squeeze %dma_wait3A_423 : memref<1x!tpu.dma_semaphore, #tpu.memory_space<semaphore_mem>> -> memref<!tpu.dma_semaphore, #tpu.memory_space<semaphore_mem>>
        tpu.wait_indirect_dma semaphore(%dma_wait3A_424 : memref<!tpu.dma_semaphore, #tpu.memory_space<semaphore_mem>>) src(%dma_wait3A_416 : memref<128x16xf32, #tpu.memory_space<vmem>>) dst(%dma_wait3A_422 : memref<10112x16xf32, #tpu.memory_space<vmem_shared>>)
      } else {
      }
      %add3A_387 = arith.constant 8 : i32
      %add3A_388 = arith.addi %while3A_368, %add3A_387 : i32
      %lt3A_389 = arith.cmpi slt, %add3A_388, %add3A_8 : i32
      %convert_element_type3A_390 = arith.extui %lt3A_389 : i1 to i32
      %cond3A_391 = arith.constant 0 : i32
      %cond3A_392 = arith.cmpi ne, %convert_element_type3A_390, %cond3A_391 : i32
      scf.if %cond3A_392 {
        %add3A_407 = arith.constant 8 : i32
        %add3A_408 = arith.addi %while3A_368, %add3A_407 : i32
        %rem3A_409 = arith.constant 16 : i32
        %rem3A_410 = arith.remsi %add3A_408, %rem3A_409 : i32
        %dma_start3A_411 = arith.constant 0 : i32
        %dma_start3A_412 = arith.constant 0 : i32
        %dma_start3A_413 = tpu.memref_slice %arg9[%rem3A_410, %dma_start3A_411, %dma_start3A_412] : memref<16x128x16xf32, #tpu.memory_space<vmem>> -> memref<1x128x16xf32, #tpu.memory_space<vmem>>
        %dma_start3A_414 = tpu.memref_squeeze %dma_start3A_413 : memref<1x128x16xf32, #tpu.memory_space<vmem>> -> memref<128x16xf32, #tpu.memory_space<vmem>>
        %dma_start3A_415 = arith.constant 0 : i32
        %dma_start3A_416 = tpu.memref_slice %arg7[%add3A_408, %dma_start3A_415] : memref<79x128xi32, #tpu.memory_space<vmem>> -> memref<1x128xi32, #tpu.memory_space<vmem>>
        %dma_start3A_417 = tpu.memref_squeeze %dma_start3A_416 : memref<1x128xi32, #tpu.memory_space<vmem>> -> memref<128xi32, #tpu.memory_space<vmem>>
        %dma_start3A_418 = arith.constant 0 : i32
        %dma_start3A_419 = arith.constant 0 : i32
        %dma_start3A_420 = tpu.memref_slice %arg2[%dma_start3A_418, %dma_start3A_419] : memref<10000x16xf32, #tpu.memory_space<hbm>> -> memref<10000x16xf32, #tpu.memory_space<hbm>>
        %dma_start3A_421 = tpu.memref_slice %arg10[%rem3A_410] : memref<16x!tpu.dma_semaphore, #tpu.memory_space<semaphore_mem>> -> memref<1x!tpu.dma_semaphore, #tpu.memory_space<semaphore_mem>>
        %dma_start3A_422 = tpu.memref_squeeze %dma_start3A_421 : memref<1x!tpu.dma_semaphore, #tpu.memory_space<semaphore_mem>> -> memref<!tpu.dma_semaphore, #tpu.memory_space<semaphore_mem>>
        tpu.enqueue_indirect_dma source(%dma_start3A_420 : memref<10000x16xf32, #tpu.memory_space<hbm>>) target(%dma_start3A_414 : memref<128x16xf32, #tpu.memory_space<vmem>>) offsets(%dma_start3A_417 : memref<128xi32, #tpu.memory_space<vmem>>) semaphore(%dma_start3A_422 : memref<!tpu.dma_semaphore, #tpu.memory_space<semaphore_mem>>)
      } else {
      }
      %rem3A_393 = arith.constant 8 : i32
      %rem3A_394 = arith.remsi %while3A_368, %rem3A_393 : i32
      %dma_start3A_395 = arith.constant 0 : i32
      %dma_start3A_396 = arith.constant 0 : i32
      %dma_start3A_397 = tpu.memref_slice %arg9[%rem3A_370, %dma_start3A_395, %dma_start3A_396] : memref<16x128x16xf32, #tpu.memory_space<vmem>> -> memref<1x128x16xf32, #tpu.memory_space<vmem>>
      %dma_start3A_398 = tpu.memref_squeeze %dma_start3A_397 : memref<1x128x16xf32, #tpu.memory_space<vmem>> -> memref<128x16xf32, #tpu.memory_space<vmem>>
      %dma_start3A_399 = arith.constant 0 : i32
      %dma_start3A_400 = tpu.memref_slice %arg8[%while3A_368, %dma_start3A_399] : memref<79x128xi32, #tpu.memory_space<vmem>> -> memref<1x128xi32, #tpu.memory_space<vmem>>
      %dma_start3A_401 = tpu.memref_squeeze %dma_start3A_400 : memref<1x128xi32, #tpu.memory_space<vmem>> -> memref<128xi32, #tpu.memory_space<vmem>>
      %dma_start3A_402 = arith.constant 0 : i32
      %dma_start3A_403 = arith.constant 0 : i32
      %dma_start3A_404 = tpu.memref_slice %arg12[%dma_start3A_402, %dma_start3A_403] : memref<10112x16xf32, #tpu.memory_space<vmem_shared>> -> memref<10112x16xf32, #tpu.memory_space<vmem_shared>>
      %dma_start3A_405 = tpu.memref_slice %arg11[%rem3A_394] : memref<8x!tpu.dma_semaphore, #tpu.memory_space<semaphore_mem>> -> memref<1x!tpu.dma_semaphore, #tpu.memory_space<semaphore_mem>>
      %dma_start3A_406 = tpu.memref_squeeze %dma_start3A_405 : memref<1x!tpu.dma_semaphore, #tpu.memory_space<semaphore_mem>> -> memref<!tpu.dma_semaphore, #tpu.memory_space<semaphore_mem>>
      tpu.enqueue_indirect_dma source(%dma_start3A_398 : memref<128x16xf32, #tpu.memory_space<vmem>>) target(%dma_start3A_404 : memref<10112x16xf32, #tpu.memory_space<vmem_shared>>) offsets(%dma_start3A_401 : memref<128xi32, #tpu.memory_space<vmem>>) semaphore(%dma_start3A_406 : memref<!tpu.dma_semaphore, #tpu.memory_space<semaphore_mem>>) {add = true}
    }
    %while3A_145 = arith.constant 1 : i32
    scf.for %while3A_368 = %while3A_143 to %while3A_139 step %while3A_145  : i32 {
      %rem3A_369 = arith.constant 16 : i32
      %rem3A_370 = arith.remsi %while3A_368, %rem3A_369 : i32
      %dma_wait3A_371 = arith.constant 0 : i32
      %dma_wait3A_372 = arith.constant 0 : i32
      %dma_wait3A_373 = tpu.memref_slice %arg9[%rem3A_370, %dma_wait3A_371, %dma_wait3A_372] : memref<16x128x16xf32, #tpu.memory_space<vmem>> -> memref<1x128x16xf32, #tpu.memory_space<vmem>>
      %dma_wait3A_374 = tpu.memref_squeeze %dma_wait3A_373 : memref<1x128x16xf32, #tpu.memory_space<vmem>> -> memref<128x16xf32, #tpu.memory_space<vmem>>
      %dma_wait3A_375 = arith.constant 0 : i32
      %dma_wait3A_376 = tpu.memref_slice %arg7[%while3A_368, %dma_wait3A_375] : memref<79x128xi32, #tpu.memory_space<vmem>> -> memref<1x128xi32, #tpu.memory_space<vmem>>
      %dma_wait3A_377 = tpu.memref_squeeze %dma_wait3A_376 : memref<1x128xi32, #tpu.memory_space<vmem>> -> memref<128xi32, #tpu.memory_space<vmem>>
      %dma_wait3A_378 = arith.constant 0 : i32
      %dma_wait3A_379 = arith.constant 0 : i32
      %dma_wait3A_380 = tpu.memref_slice %arg2[%dma_wait3A_378, %dma_wait3A_379] : memref<10000x16xf32, #tpu.memory_space<hbm>> -> memref<10000x16xf32, #tpu.memory_space<hbm>>
      %dma_wait3A_381 = tpu.memref_slice %arg10[%rem3A_370] : memref<16x!tpu.dma_semaphore, #tpu.memory_space<semaphore_mem>> -> memref<1x!tpu.dma_semaphore, #tpu.memory_space<semaphore_mem>>
      %dma_wait3A_382 = tpu.memref_squeeze %dma_wait3A_381 : memref<1x!tpu.dma_semaphore, #tpu.memory_space<semaphore_mem>> -> memref<!tpu.dma_semaphore, #tpu.memory_space<semaphore_mem>>
      tpu.wait_indirect_dma semaphore(%dma_wait3A_382 : memref<!tpu.dma_semaphore, #tpu.memory_space<semaphore_mem>>) src(%dma_wait3A_380 : memref<10000x16xf32, #tpu.memory_space<hbm>>) dst(%dma_wait3A_374 : memref<128x16xf32, #tpu.memory_space<vmem>>)
      %ge3A = arith.constant 8 : i32
      %ge3A_383 = arith.cmpi sge, %while3A_368, %ge3A : i32
      %convert_element_type3A_384 = arith.extui %ge3A_383 : i1 to i32
      %cond3A_385 = arith.constant 0 : i32
      %cond3A_386 = arith.cmpi ne, %convert_element_type3A_384, %cond3A_385 : i32
      scf.if %cond3A_386 {
        %sub3A_407 = arith.constant 8 : i32
        %sub3A_408 = arith.subi %while3A_368, %sub3A_407 : i32
        %rem3A_409 = arith.constant 16 : i32
        %rem3A_410 = arith.remsi %sub3A_408, %rem3A_409 : i32
        %rem3A_411 = arith.constant 8 : i32
        %rem3A_412 = arith.remsi %sub3A_408, %rem3A_411 : i32
        %dma_wait3A_413 = arith.constant 0 : i32
        %dma_wait3A_414 = arith.constant 0 : i32
        %dma_wait3A_415 = tpu.memref_slice %arg9[%rem3A_410, %dma_wait3A_413, %dma_wait3A_414] : memref<16x128x16xf32, #tpu.memory_space<vmem>> -> memref<1x128x16xf32, #tpu.memory_space<vmem>>
        %dma_wait3A_416 = tpu.memref_squeeze %dma_wait3A_415 : memref<1x128x16xf32, #tpu.memory_space<vmem>> -> memref<128x16xf32, #tpu.memory_space<vmem>>
        %dma_wait3A_417 = arith.constant 0 : i32
        %dma_wait3A_418 = tpu.memref_slice %arg8[%sub3A_408, %dma_wait3A_417] : memref<79x128xi32, #tpu.memory_space<vmem>> -> memref<1x128xi32, #tpu.memory_space<vmem>>
        %dma_wait3A_419 = tpu.memref_squeeze %dma_wait3A_418 : memref<1x128xi32, #tpu.memory_space<vmem>> -> memref<128xi32, #tpu.memory_space<vmem>>
        %dma_wait3A_420 = arith.constant 0 : i32
        %dma_wait3A_421 = arith.constant 0 : i32
        %dma_wait3A_422 = tpu.memref_slice %arg12[%dma_wait3A_420, %dma_wait3A_421] : memref<10112x16xf32, #tpu.memory_space<vmem_shared>> -> memref<10112x16xf32, #tpu.memory_space<vmem_shared>>
        %dma_wait3A_423 = tpu.memref_slice %arg11[%rem3A_412] : memref<8x!tpu.dma_semaphore, #tpu.memory_space<semaphore_mem>> -> memref<1x!tpu.dma_semaphore, #tpu.memory_space<semaphore_mem>>
        %dma_wait3A_424 = tpu.memref_squeeze %dma_wait3A_423 : memref<1x!tpu.dma_semaphore, #tpu.memory_space<semaphore_mem>> -> memref<!tpu.dma_semaphore, #tpu.memory_space<semaphore_mem>>
        tpu.wait_indirect_dma semaphore(%dma_wait3A_424 : memref<!tpu.dma_semaphore, #tpu.memory_space<semaphore_mem>>) src(%dma_wait3A_416 : memref<128x16xf32, #tpu.memory_space<vmem>>) dst(%dma_wait3A_422 : memref<10112x16xf32, #tpu.memory_space<vmem_shared>>)
      } else {
      }
      %add3A_387 = arith.constant 8 : i32
      %add3A_388 = arith.addi %while3A_368, %add3A_387 : i32
      %lt3A_389 = arith.cmpi slt, %add3A_388, %add3A_8 : i32
      %convert_element_type3A_390 = arith.extui %lt3A_389 : i1 to i32
      %cond3A_391 = arith.constant 0 : i32
      %cond3A_392 = arith.cmpi ne, %convert_element_type3A_390, %cond3A_391 : i32
      scf.if %cond3A_392 {
        %add3A_407 = arith.constant 8 : i32
        %add3A_408 = arith.addi %while3A_368, %add3A_407 : i32
        %rem3A_409 = arith.constant 16 : i32
        %rem3A_410 = arith.remsi %add3A_408, %rem3A_409 : i32
        %dma_start3A_411 = arith.constant 0 : i32
        %dma_start3A_412 = arith.constant 0 : i32
        %dma_start3A_413 = tpu.memref_slice %arg9[%rem3A_410, %dma_start3A_411, %dma_start3A_412] : memref<16x128x16xf32, #tpu.memory_space<vmem>> -> memref<1x128x16xf32, #tpu.memory_space<vmem>>
        %dma_start3A_414 = tpu.memref_squeeze %dma_start3A_413 : memref<1x128x16xf32, #tpu.memory_space<vmem>> -> memref<128x16xf32, #tpu.memory_space<vmem>>
        %dma_start3A_415 = arith.constant 0 : i32
        %dma_start3A_416 = tpu.memref_slice %arg7[%add3A_408, %dma_start3A_415] : memref<79x128xi32, #tpu.memory_space<vmem>> -> memref<1x128xi32, #tpu.memory_space<vmem>>
        %dma_start3A_417 = tpu.memref_squeeze %dma_start3A_416 : memref<1x128xi32, #tpu.memory_space<vmem>> -> memref<128xi32, #tpu.memory_space<vmem>>
        %dma_start3A_418 = arith.constant 0 : i32
        %dma_start3A_419 = arith.constant 0 : i32
        %dma_start3A_420 = tpu.memref_slice %arg2[%dma_start3A_418, %dma_start3A_419] : memref<10000x16xf32, #tpu.memory_space<hbm>> -> memref<10000x16xf32, #tpu.memory_space<hbm>>
        %dma_start3A_421 = tpu.memref_slice %arg10[%rem3A_410] : memref<16x!tpu.dma_semaphore, #tpu.memory_space<semaphore_mem>> -> memref<1x!tpu.dma_semaphore, #tpu.memory_space<semaphore_mem>>
        %dma_start3A_422 = tpu.memref_squeeze %dma_start3A_421 : memref<1x!tpu.dma_semaphore, #tpu.memory_space<semaphore_mem>> -> memref<!tpu.dma_semaphore, #tpu.memory_space<semaphore_mem>>
        tpu.enqueue_indirect_dma source(%dma_start3A_420 : memref<10000x16xf32, #tpu.memory_space<hbm>>) target(%dma_start3A_414 : memref<128x16xf32, #tpu.memory_space<vmem>>) offsets(%dma_start3A_417 : memref<128xi32, #tpu.memory_space<vmem>>) semaphore(%dma_start3A_422 : memref<!tpu.dma_semaphore, #tpu.memory_space<semaphore_mem>>)
      } else {
      }
      %rem3A_393 = arith.constant 8 : i32
      %rem3A_394 = arith.remsi %while3A_368, %rem3A_393 : i32
      %dma_start3A_395 = arith.constant 0 : i32
      %dma_start3A_396 = arith.constant 0 : i32
      %dma_start3A_397 = tpu.memref_slice %arg9[%rem3A_370, %dma_start3A_395, %dma_start3A_396] : memref<16x128x16xf32, #tpu.memory_space<vmem>> -> memref<1x128x16xf32, #tpu.memory_space<vmem>>
      %dma_start3A_398 = tpu.memref_squeeze %dma_start3A_397 : memref<1x128x16xf32, #tpu.memory_space<vmem>> -> memref<128x16xf32, #tpu.memory_space<vmem>>
      %dma_start3A_399 = arith.constant 0 : i32
      %dma_start3A_400 = tpu.memref_slice %arg8[%while3A_368, %dma_start3A_399] : memref<79x128xi32, #tpu.memory_space<vmem>> -> memref<1x128xi32, #tpu.memory_space<vmem>>
      %dma_start3A_401 = tpu.memref_squeeze %dma_start3A_400 : memref<1x128xi32, #tpu.memory_space<vmem>> -> memref<128xi32, #tpu.memory_space<vmem>>
      %dma_start3A_402 = arith.constant 0 : i32
      %dma_start3A_403 = arith.constant 0 : i32
      %dma_start3A_404 = tpu.memref_slice %arg12[%dma_start3A_402, %dma_start3A_403] : memref<10112x16xf32, #tpu.memory_space<vmem_shared>> -> memref<10112x16xf32, #tpu.memory_space<vmem_shared>>
      %dma_start3A_405 = tpu.memref_slice %arg11[%rem3A_394] : memref<8x!tpu.dma_semaphore, #tpu.memory_space<semaphore_mem>> -> memref<1x!tpu.dma_semaphore, #tpu.memory_space<semaphore_mem>>
      %dma_start3A_406 = tpu.memref_squeeze %dma_start3A_405 : memref<1x!tpu.dma_semaphore, #tpu.memory_space<semaphore_mem>> -> memref<!tpu.dma_semaphore, #tpu.memory_space<semaphore_mem>>
      tpu.enqueue_indirect_dma source(%dma_start3A_398 : memref<128x16xf32, #tpu.memory_space<vmem>>) target(%dma_start3A_404 : memref<10112x16xf32, #tpu.memory_space<vmem_shared>>) offsets(%dma_start3A_401 : memref<128xi32, #tpu.memory_space<vmem>>) semaphore(%dma_start3A_406 : memref<!tpu.dma_semaphore, #tpu.memory_space<semaphore_mem>>) {add = true}
    }
    %sub3A = arith.constant 8 : i32
    %sub3A_146 = arith.subi %add3A_8, %sub3A : i32
    %add3A_147 = arith.constant 0 : i32
    %add3A_148 = arith.addi %sub3A_146, %add3A_147 : i32
    %rem3A = arith.constant 16 : i32
    %rem3A_149 = arith.remsi %add3A_148, %rem3A : i32
    %sub3A_150 = arith.constant 8 : i32
    %sub3A_151 = arith.subi %add3A_8, %sub3A_150 : i32
    %add3A_152 = arith.constant 0 : i32
    %add3A_153 = arith.addi %sub3A_151, %add3A_152 : i32
    %sub3A_154 = arith.constant 8 : i32
    %sub3A_155 = arith.subi %add3A_8, %sub3A_154 : i32
    %add3A_156 = arith.constant 0 : i32
    %add3A_157 = arith.addi %sub3A_155, %add3A_156 : i32
    %rem3A_158 = arith.constant 8 : i32
    %rem3A_159 = arith.remsi %add3A_157, %rem3A_158 : i32
    %dma_wait3A = arith.constant 0 : i32
    %dma_wait3A_160 = arith.constant 0 : i32
    %dma_wait3A_161 = tpu.memref_slice %arg9[%rem3A_149, %dma_wait3A, %dma_wait3A_160] : memref<16x128x16xf32, #tpu.memory_space<vmem>> -> memref<1x128x16xf32, #tpu.memory_space<vmem>>
    %dma_wait3A_162 = tpu.memref_squeeze %dma_wait3A_161 : memref<1x128x16xf32, #tpu.memory_space<vmem>> -> memref<128x16xf32, #tpu.memory_space<vmem>>
    %dma_wait3A_163 = arith.constant 0 : i32
    %dma_wait3A_164 = tpu.memref_slice %arg8[%add3A_153, %dma_wait3A_163] : memref<79x128xi32, #tpu.memory_space<vmem>> -> memref<1x128xi32, #tpu.memory_space<vmem>>
    %dma_wait3A_165 = tpu.memref_squeeze %dma_wait3A_164 : memref<1x128xi32, #tpu.memory_space<vmem>> -> memref<128xi32, #tpu.memory_space<vmem>>
    %dma_wait3A_166 = arith.constant 0 : i32
    %dma_wait3A_167 = arith.constant 0 : i32
    %dma_wait3A_168 = tpu.memref_slice %arg12[%dma_wait3A_166, %dma_wait3A_167] : memref<10112x16xf32, #tpu.memory_space<vmem_shared>> -> memref<10112x16xf32, #tpu.memory_space<vmem_shared>>
    %dma_wait3A_169 = tpu.memref_slice %arg11[%rem3A_159] : memref<8x!tpu.dma_semaphore, #tpu.memory_space<semaphore_mem>> -> memref<1x!tpu.dma_semaphore, #tpu.memory_space<semaphore_mem>>
    %dma_wait3A_170 = tpu.memref_squeeze %dma_wait3A_169 : memref<1x!tpu.dma_semaphore, #tpu.memory_space<semaphore_mem>> -> memref<!tpu.dma_semaphore, #tpu.memory_space<semaphore_mem>>
    tpu.wait_indirect_dma semaphore(%dma_wait3A_170 : memref<!tpu.dma_semaphore, #tpu.memory_space<semaphore_mem>>) src(%dma_wait3A_162 : memref<128x16xf32, #tpu.memory_space<vmem>>) dst(%dma_wait3A_168 : memref<10112x16xf32, #tpu.memory_space<vmem_shared>>)
    %sub3A_171 = arith.constant 8 : i32
    %sub3A_172 = arith.subi %add3A_8, %sub3A_171 : i32
    %add3A_173 = arith.constant 1 : i32
    %add3A_174 = arith.addi %sub3A_172, %add3A_173 : i32
    %rem3A_175 = arith.constant 16 : i32
    %rem3A_176 = arith.remsi %add3A_174, %rem3A_175 : i32
    %sub3A_177 = arith.constant 8 : i32
    %sub3A_178 = arith.subi %add3A_8, %sub3A_177 : i32
    %add3A_179 = arith.constant 1 : i32
    %add3A_180 = arith.addi %sub3A_178, %add3A_179 : i32
    %sub3A_181 = arith.constant 8 : i32
    %sub3A_182 = arith.subi %add3A_8, %sub3A_181 : i32
    %add3A_183 = arith.constant 1 : i32
    %add3A_184 = arith.addi %sub3A_182, %add3A_183 : i32
    %rem3A_185 = arith.constant 8 : i32
    %rem3A_186 = arith.remsi %add3A_184, %rem3A_185 : i32
    %dma_wait3A_187 = arith.constant 0 : i32
    %dma_wait3A_188 = arith.constant 0 : i32
    %dma_wait3A_189 = tpu.memref_slice %arg9[%rem3A_176, %dma_wait3A_187, %dma_wait3A_188] : memref<16x128x16xf32, #tpu.memory_space<vmem>> -> memref<1x128x16xf32, #tpu.memory_space<vmem>>
    %dma_wait3A_190 = tpu.memref_squeeze %dma_wait3A_189 : memref<1x128x16xf32, #tpu.memory_space<vmem>> -> memref<128x16xf32, #tpu.memory_space<vmem>>
    %dma_wait3A_191 = arith.constant 0 : i32
    %dma_wait3A_192 = tpu.memref_slice %arg8[%add3A_180, %dma_wait3A_191] : memref<79x128xi32, #tpu.memory_space<vmem>> -> memref<1x128xi32, #tpu.memory_space<vmem>>
    %dma_wait3A_193 = tpu.memref_squeeze %dma_wait3A_192 : memref<1x128xi32, #tpu.memory_space<vmem>> -> memref<128xi32, #tpu.memory_space<vmem>>
    %dma_wait3A_194 = arith.constant 0 : i32
    %dma_wait3A_195 = arith.constant 0 : i32
    %dma_wait3A_196 = tpu.memref_slice %arg12[%dma_wait3A_194, %dma_wait3A_195] : memref<10112x16xf32, #tpu.memory_space<vmem_shared>> -> memref<10112x16xf32, #tpu.memory_space<vmem_shared>>
    %dma_wait3A_197 = tpu.memref_slice %arg11[%rem3A_186] : memref<8x!tpu.dma_semaphore, #tpu.memory_space<semaphore_mem>> -> memref<1x!tpu.dma_semaphore, #tpu.memory_space<semaphore_mem>>
    %dma_wait3A_198 = tpu.memref_squeeze %dma_wait3A_197 : memref<1x!tpu.dma_semaphore, #tpu.memory_space<semaphore_mem>> -> memref<!tpu.dma_semaphore, #tpu.memory_space<semaphore_mem>>
    tpu.wait_indirect_dma semaphore(%dma_wait3A_198 : memref<!tpu.dma_semaphore, #tpu.memory_space<semaphore_mem>>) src(%dma_wait3A_190 : memref<128x16xf32, #tpu.memory_space<vmem>>) dst(%dma_wait3A_196 : memref<10112x16xf32, #tpu.memory_space<vmem_shared>>)
    %sub3A_199 = arith.constant 8 : i32
    %sub3A_200 = arith.subi %add3A_8, %sub3A_199 : i32
    %add3A_201 = arith.constant 2 : i32
    %add3A_202 = arith.addi %sub3A_200, %add3A_201 : i32
    %rem3A_203 = arith.constant 16 : i32
    %rem3A_204 = arith.remsi %add3A_202, %rem3A_203 : i32
    %sub3A_205 = arith.constant 8 : i32
    %sub3A_206 = arith.subi %add3A_8, %sub3A_205 : i32
    %add3A_207 = arith.constant 2 : i32
    %add3A_208 = arith.addi %sub3A_206, %add3A_207 : i32
    %sub3A_209 = arith.constant 8 : i32
    %sub3A_210 = arith.subi %add3A_8, %sub3A_209 : i32
    %add3A_211 = arith.constant 2 : i32
    %add3A_212 = arith.addi %sub3A_210, %add3A_211 : i32
    %rem3A_213 = arith.constant 8 : i32
    %rem3A_214 = arith.remsi %add3A_212, %rem3A_213 : i32
    %dma_wait3A_215 = arith.constant 0 : i32
    %dma_wait3A_216 = arith.constant 0 : i32
    %dma_wait3A_217 = tpu.memref_slice %arg9[%rem3A_204, %dma_wait3A_215, %dma_wait3A_216] : memref<16x128x16xf32, #tpu.memory_space<vmem>> -> memref<1x128x16xf32, #tpu.memory_space<vmem>>
    %dma_wait3A_218 = tpu.memref_squeeze %dma_wait3A_217 : memref<1x128x16xf32, #tpu.memory_space<vmem>> -> memref<128x16xf32, #tpu.memory_space<vmem>>
    %dma_wait3A_219 = arith.constant 0 : i32
    %dma_wait3A_220 = tpu.memref_slice %arg8[%add3A_208, %dma_wait3A_219] : memref<79x128xi32, #tpu.memory_space<vmem>> -> memref<1x128xi32, #tpu.memory_space<vmem>>
    %dma_wait3A_221 = tpu.memref_squeeze %dma_wait3A_220 : memref<1x128xi32, #tpu.memory_space<vmem>> -> memref<128xi32, #tpu.memory_space<vmem>>
    %dma_wait3A_222 = arith.constant 0 : i32
    %dma_wait3A_223 = arith.constant 0 : i32
    %dma_wait3A_224 = tpu.memref_slice %arg12[%dma_wait3A_222, %dma_wait3A_223] : memref<10112x16xf32, #tpu.memory_space<vmem_shared>> -> memref<10112x16xf32, #tpu.memory_space<vmem_shared>>
    %dma_wait3A_225 = tpu.memref_slice %arg11[%rem3A_214] : memref<8x!tpu.dma_semaphore, #tpu.memory_space<semaphore_mem>> -> memref<1x!tpu.dma_semaphore, #tpu.memory_space<semaphore_mem>>
    %dma_wait3A_226 = tpu.memref_squeeze %dma_wait3A_225 : memref<1x!tpu.dma_semaphore, #tpu.memory_space<semaphore_mem>> -> memref<!tpu.dma_semaphore, #tpu.memory_space<semaphore_mem>>
    tpu.wait_indirect_dma semaphore(%dma_wait3A_226 : memref<!tpu.dma_semaphore, #tpu.memory_space<semaphore_mem>>) src(%dma_wait3A_218 : memref<128x16xf32, #tpu.memory_space<vmem>>) dst(%dma_wait3A_224 : memref<10112x16xf32, #tpu.memory_space<vmem_shared>>)
    %sub3A_227 = arith.constant 8 : i32
    %sub3A_228 = arith.subi %add3A_8, %sub3A_227 : i32
    %add3A_229 = arith.constant 3 : i32
    %add3A_230 = arith.addi %sub3A_228, %add3A_229 : i32
    %rem3A_231 = arith.constant 16 : i32
    %rem3A_232 = arith.remsi %add3A_230, %rem3A_231 : i32
    %sub3A_233 = arith.constant 8 : i32
    %sub3A_234 = arith.subi %add3A_8, %sub3A_233 : i32
    %add3A_235 = arith.constant 3 : i32
    %add3A_236 = arith.addi %sub3A_234, %add3A_235 : i32
    %sub3A_237 = arith.constant 8 : i32
    %sub3A_238 = arith.subi %add3A_8, %sub3A_237 : i32
    %add3A_239 = arith.constant 3 : i32
    %add3A_240 = arith.addi %sub3A_238, %add3A_239 : i32
    %rem3A_241 = arith.constant 8 : i32
    %rem3A_242 = arith.remsi %add3A_240, %rem3A_241 : i32
    %dma_wait3A_243 = arith.constant 0 : i32
    %dma_wait3A_244 = arith.constant 0 : i32
    %dma_wait3A_245 = tpu.memref_slice %arg9[%rem3A_232, %dma_wait3A_243, %dma_wait3A_244] : memref<16x128x16xf32, #tpu.memory_space<vmem>> -> memref<1x128x16xf32, #tpu.memory_space<vmem>>
    %dma_wait3A_246 = tpu.memref_squeeze %dma_wait3A_245 : memref<1x128x16xf32, #tpu.memory_space<vmem>> -> memref<128x16xf32, #tpu.memory_space<vmem>>
    %dma_wait3A_247 = arith.constant 0 : i32
    %dma_wait3A_248 = tpu.memref_slice %arg8[%add3A_236, %dma_wait3A_247] : memref<79x128xi32, #tpu.memory_space<vmem>> -> memref<1x128xi32, #tpu.memory_space<vmem>>
    %dma_wait3A_249 = tpu.memref_squeeze %dma_wait3A_248 : memref<1x128xi32, #tpu.memory_space<vmem>> -> memref<128xi32, #tpu.memory_space<vmem>>
    %dma_wait3A_250 = arith.constant 0 : i32
    %dma_wait3A_251 = arith.constant 0 : i32
    %dma_wait3A_252 = tpu.memref_slice %arg12[%dma_wait3A_250, %dma_wait3A_251] : memref<10112x16xf32, #tpu.memory_space<vmem_shared>> -> memref<10112x16xf32, #tpu.memory_space<vmem_shared>>
    %dma_wait3A_253 = tpu.memref_slice %arg11[%rem3A_242] : memref<8x!tpu.dma_semaphore, #tpu.memory_space<semaphore_mem>> -> memref<1x!tpu.dma_semaphore, #tpu.memory_space<semaphore_mem>>
    %dma_wait3A_254 = tpu.memref_squeeze %dma_wait3A_253 : memref<1x!tpu.dma_semaphore, #tpu.memory_space<semaphore_mem>> -> memref<!tpu.dma_semaphore, #tpu.memory_space<semaphore_mem>>
    tpu.wait_indirect_dma semaphore(%dma_wait3A_254 : memref<!tpu.dma_semaphore, #tpu.memory_space<semaphore_mem>>) src(%dma_wait3A_246 : memref<128x16xf32, #tpu.memory_space<vmem>>) dst(%dma_wait3A_252 : memref<10112x16xf32, #tpu.memory_space<vmem_shared>>)
    %sub3A_255 = arith.constant 8 : i32
    %sub3A_256 = arith.subi %add3A_8, %sub3A_255 : i32
    %add3A_257 = arith.constant 4 : i32
    %add3A_258 = arith.addi %sub3A_256, %add3A_257 : i32
    %rem3A_259 = arith.constant 16 : i32
    %rem3A_260 = arith.remsi %add3A_258, %rem3A_259 : i32
    %sub3A_261 = arith.constant 8 : i32
    %sub3A_262 = arith.subi %add3A_8, %sub3A_261 : i32
    %add3A_263 = arith.constant 4 : i32
    %add3A_264 = arith.addi %sub3A_262, %add3A_263 : i32
    %sub3A_265 = arith.constant 8 : i32
    %sub3A_266 = arith.subi %add3A_8, %sub3A_265 : i32
    %add3A_267 = arith.constant 4 : i32
    %add3A_268 = arith.addi %sub3A_266, %add3A_267 : i32
    %rem3A_269 = arith.constant 8 : i32
    %rem3A_270 = arith.remsi %add3A_268, %rem3A_269 : i32
    %dma_wait3A_271 = arith.constant 0 : i32
    %dma_wait3A_272 = arith.constant 0 : i32
    %dma_wait3A_273 = tpu.memref_slice %arg9[%rem3A_260, %dma_wait3A_271, %dma_wait3A_272] : memref<16x128x16xf32, #tpu.memory_space<vmem>> -> memref<1x128x16xf32, #tpu.memory_space<vmem>>
    %dma_wait3A_274 = tpu.memref_squeeze %dma_wait3A_273 : memref<1x128x16xf32, #tpu.memory_space<vmem>> -> memref<128x16xf32, #tpu.memory_space<vmem>>
    %dma_wait3A_275 = arith.constant 0 : i32
    %dma_wait3A_276 = tpu.memref_slice %arg8[%add3A_264, %dma_wait3A_275] : memref<79x128xi32, #tpu.memory_space<vmem>> -> memref<1x128xi32, #tpu.memory_space<vmem>>
    %dma_wait3A_277 = tpu.memref_squeeze %dma_wait3A_276 : memref<1x128xi32, #tpu.memory_space<vmem>> -> memref<128xi32, #tpu.memory_space<vmem>>
    %dma_wait3A_278 = arith.constant 0 : i32
    %dma_wait3A_279 = arith.constant 0 : i32
    %dma_wait3A_280 = tpu.memref_slice %arg12[%dma_wait3A_278, %dma_wait3A_279] : memref<10112x16xf32, #tpu.memory_space<vmem_shared>> -> memref<10112x16xf32, #tpu.memory_space<vmem_shared>>
    %dma_wait3A_281 = tpu.memref_slice %arg11[%rem3A_270] : memref<8x!tpu.dma_semaphore, #tpu.memory_space<semaphore_mem>> -> memref<1x!tpu.dma_semaphore, #tpu.memory_space<semaphore_mem>>
    %dma_wait3A_282 = tpu.memref_squeeze %dma_wait3A_281 : memref<1x!tpu.dma_semaphore, #tpu.memory_space<semaphore_mem>> -> memref<!tpu.dma_semaphore, #tpu.memory_space<semaphore_mem>>
    tpu.wait_indirect_dma semaphore(%dma_wait3A_282 : memref<!tpu.dma_semaphore, #tpu.memory_space<semaphore_mem>>) src(%dma_wait3A_274 : memref<128x16xf32, #tpu.memory_space<vmem>>) dst(%dma_wait3A_280 : memref<10112x16xf32, #tpu.memory_space<vmem_shared>>)
    %sub3A_283 = arith.constant 8 : i32
    %sub3A_284 = arith.subi %add3A_8, %sub3A_283 : i32
    %add3A_285 = arith.constant 5 : i32
    %add3A_286 = arith.addi %sub3A_284, %add3A_285 : i32
    %rem3A_287 = arith.constant 16 : i32
    %rem3A_288 = arith.remsi %add3A_286, %rem3A_287 : i32
    %sub3A_289 = arith.constant 8 : i32
    %sub3A_290 = arith.subi %add3A_8, %sub3A_289 : i32
    %add3A_291 = arith.constant 5 : i32
    %add3A_292 = arith.addi %sub3A_290, %add3A_291 : i32
    %sub3A_293 = arith.constant 8 : i32
    %sub3A_294 = arith.subi %add3A_8, %sub3A_293 : i32
    %add3A_295 = arith.constant 5 : i32
    %add3A_296 = arith.addi %sub3A_294, %add3A_295 : i32
    %rem3A_297 = arith.constant 8 : i32
    %rem3A_298 = arith.remsi %add3A_296, %rem3A_297 : i32
    %dma_wait3A_299 = arith.constant 0 : i32
    %dma_wait3A_300 = arith.constant 0 : i32
    %dma_wait3A_301 = tpu.memref_slice %arg9[%rem3A_288, %dma_wait3A_299, %dma_wait3A_300] : memref<16x128x16xf32, #tpu.memory_space<vmem>> -> memref<1x128x16xf32, #tpu.memory_space<vmem>>
    %dma_wait3A_302 = tpu.memref_squeeze %dma_wait3A_301 : memref<1x128x16xf32, #tpu.memory_space<vmem>> -> memref<128x16xf32, #tpu.memory_space<vmem>>
    %dma_wait3A_303 = arith.constant 0 : i32
    %dma_wait3A_304 = tpu.memref_slice %arg8[%add3A_292, %dma_wait3A_303] : memref<79x128xi32, #tpu.memory_space<vmem>> -> memref<1x128xi32, #tpu.memory_space<vmem>>
    %dma_wait3A_305 = tpu.memref_squeeze %dma_wait3A_304 : memref<1x128xi32, #tpu.memory_space<vmem>> -> memref<128xi32, #tpu.memory_space<vmem>>
    %dma_wait3A_306 = arith.constant 0 : i32
    %dma_wait3A_307 = arith.constant 0 : i32
    %dma_wait3A_308 = tpu.memref_slice %arg12[%dma_wait3A_306, %dma_wait3A_307] : memref<10112x16xf32, #tpu.memory_space<vmem_shared>> -> memref<10112x16xf32, #tpu.memory_space<vmem_shared>>
    %dma_wait3A_309 = tpu.memref_slice %arg11[%rem3A_298] : memref<8x!tpu.dma_semaphore, #tpu.memory_space<semaphore_mem>> -> memref<1x!tpu.dma_semaphore, #tpu.memory_space<semaphore_mem>>
    %dma_wait3A_310 = tpu.memref_squeeze %dma_wait3A_309 : memref<1x!tpu.dma_semaphore, #tpu.memory_space<semaphore_mem>> -> memref<!tpu.dma_semaphore, #tpu.memory_space<semaphore_mem>>
    tpu.wait_indirect_dma semaphore(%dma_wait3A_310 : memref<!tpu.dma_semaphore, #tpu.memory_space<semaphore_mem>>) src(%dma_wait3A_302 : memref<128x16xf32, #tpu.memory_space<vmem>>) dst(%dma_wait3A_308 : memref<10112x16xf32, #tpu.memory_space<vmem_shared>>)
    %sub3A_311 = arith.constant 8 : i32
    %sub3A_312 = arith.subi %add3A_8, %sub3A_311 : i32
    %add3A_313 = arith.constant 6 : i32
    %add3A_314 = arith.addi %sub3A_312, %add3A_313 : i32
    %rem3A_315 = arith.constant 16 : i32
    %rem3A_316 = arith.remsi %add3A_314, %rem3A_315 : i32
    %sub3A_317 = arith.constant 8 : i32
    %sub3A_318 = arith.subi %add3A_8, %sub3A_317 : i32
    %add3A_319 = arith.constant 6 : i32
    %add3A_320 = arith.addi %sub3A_318, %add3A_319 : i32
    %sub3A_321 = arith.constant 8 : i32
    %sub3A_322 = arith.subi %add3A_8, %sub3A_321 : i32
    %add3A_323 = arith.constant 6 : i32
    %add3A_324 = arith.addi %sub3A_322, %add3A_323 : i32
    %rem3A_325 = arith.constant 8 : i32
    %rem3A_326 = arith.remsi %add3A_324, %rem3A_325 : i32
    %dma_wait3A_327 = arith.constant 0 : i32
    %dma_wait3A_328 = arith.constant 0 : i32
    %dma_wait3A_329 = tpu.memref_slice %arg9[%rem3A_316, %dma_wait3A_327, %dma_wait3A_328] : memref<16x128x16xf32, #tpu.memory_space<vmem>> -> memref<1x128x16xf32, #tpu.memory_space<vmem>>
    %dma_wait3A_330 = tpu.memref_squeeze %dma_wait3A_329 : memref<1x128x16xf32, #tpu.memory_space<vmem>> -> memref<128x16xf32, #tpu.memory_space<vmem>>
    %dma_wait3A_331 = arith.constant 0 : i32
    %dma_wait3A_332 = tpu.memref_slice %arg8[%add3A_320, %dma_wait3A_331] : memref<79x128xi32, #tpu.memory_space<vmem>> -> memref<1x128xi32, #tpu.memory_space<vmem>>
    %dma_wait3A_333 = tpu.memref_squeeze %dma_wait3A_332 : memref<1x128xi32, #tpu.memory_space<vmem>> -> memref<128xi32, #tpu.memory_space<vmem>>
    %dma_wait3A_334 = arith.constant 0 : i32
    %dma_wait3A_335 = arith.constant 0 : i32
    %dma_wait3A_336 = tpu.memref_slice %arg12[%dma_wait3A_334, %dma_wait3A_335] : memref<10112x16xf32, #tpu.memory_space<vmem_shared>> -> memref<10112x16xf32, #tpu.memory_space<vmem_shared>>
    %dma_wait3A_337 = tpu.memref_slice %arg11[%rem3A_326] : memref<8x!tpu.dma_semaphore, #tpu.memory_space<semaphore_mem>> -> memref<1x!tpu.dma_semaphore, #tpu.memory_space<semaphore_mem>>
    %dma_wait3A_338 = tpu.memref_squeeze %dma_wait3A_337 : memref<1x!tpu.dma_semaphore, #tpu.memory_space<semaphore_mem>> -> memref<!tpu.dma_semaphore, #tpu.memory_space<semaphore_mem>>
    tpu.wait_indirect_dma semaphore(%dma_wait3A_338 : memref<!tpu.dma_semaphore, #tpu.memory_space<semaphore_mem>>) src(%dma_wait3A_330 : memref<128x16xf32, #tpu.memory_space<vmem>>) dst(%dma_wait3A_336 : memref<10112x16xf32, #tpu.memory_space<vmem_shared>>)
    %sub3A_339 = arith.constant 8 : i32
    %sub3A_340 = arith.subi %add3A_8, %sub3A_339 : i32
    %add3A_341 = arith.constant 7 : i32
    %add3A_342 = arith.addi %sub3A_340, %add3A_341 : i32
    %rem3A_343 = arith.constant 16 : i32
    %rem3A_344 = arith.remsi %add3A_342, %rem3A_343 : i32
    %sub3A_345 = arith.constant 8 : i32
    %sub3A_346 = arith.subi %add3A_8, %sub3A_345 : i32
    %add3A_347 = arith.constant 7 : i32
    %add3A_348 = arith.addi %sub3A_346, %add3A_347 : i32
    %sub3A_349 = arith.constant 8 : i32
    %sub3A_350 = arith.subi %add3A_8, %sub3A_349 : i32
    %add3A_351 = arith.constant 7 : i32
    %add3A_352 = arith.addi %sub3A_350, %add3A_351 : i32
    %rem3A_353 = arith.constant 8 : i32
    %rem3A_354 = arith.remsi %add3A_352, %rem3A_353 : i32
    %dma_wait3A_355 = arith.constant 0 : i32
    %dma_wait3A_356 = arith.constant 0 : i32
    %dma_wait3A_357 = tpu.memref_slice %arg9[%rem3A_344, %dma_wait3A_355, %dma_wait3A_356] : memref<16x128x16xf32, #tpu.memory_space<vmem>> -> memref<1x128x16xf32, #tpu.memory_space<vmem>>
    %dma_wait3A_358 = tpu.memref_squeeze %dma_wait3A_357 : memref<1x128x16xf32, #tpu.memory_space<vmem>> -> memref<128x16xf32, #tpu.memory_space<vmem>>
    %dma_wait3A_359 = arith.constant 0 : i32
    %dma_wait3A_360 = tpu.memref_slice %arg8[%add3A_348, %dma_wait3A_359] : memref<79x128xi32, #tpu.memory_space<vmem>> -> memref<1x128xi32, #tpu.memory_space<vmem>>
    %dma_wait3A_361 = tpu.memref_squeeze %dma_wait3A_360 : memref<1x128xi32, #tpu.memory_space<vmem>> -> memref<128xi32, #tpu.memory_space<vmem>>
    %dma_wait3A_362 = arith.constant 0 : i32
    %dma_wait3A_363 = arith.constant 0 : i32
    %dma_wait3A_364 = tpu.memref_slice %arg12[%dma_wait3A_362, %dma_wait3A_363] : memref<10112x16xf32, #tpu.memory_space<vmem_shared>> -> memref<10112x16xf32, #tpu.memory_space<vmem_shared>>
    %dma_wait3A_365 = tpu.memref_slice %arg11[%rem3A_354] : memref<8x!tpu.dma_semaphore, #tpu.memory_space<semaphore_mem>> -> memref<1x!tpu.dma_semaphore, #tpu.memory_space<semaphore_mem>>
    %dma_wait3A_366 = tpu.memref_squeeze %dma_wait3A_365 : memref<1x!tpu.dma_semaphore, #tpu.memory_space<semaphore_mem>> -> memref<!tpu.dma_semaphore, #tpu.memory_space<semaphore_mem>>
    tpu.wait_indirect_dma semaphore(%dma_wait3A_366 : memref<!tpu.dma_semaphore, #tpu.memory_space<semaphore_mem>>) src(%dma_wait3A_358 : memref<128x16xf32, #tpu.memory_space<vmem>>) dst(%dma_wait3A_364 : memref<10112x16xf32, #tpu.memory_space<vmem_shared>>)
    %barrier3A_367 = arith.constant 0 : index
    tpu.barrier barrier_id(%barrier3A_367)
    "tpu.region"() ({
      %run_scoped3A = tpu.sem_alloc : memref<!tpu.dma_semaphore, #tpu.memory_space<semaphore_mem>>
      %dma_start3A_368 = arith.constant 0 : i32
      %dma_start3A_369 = tpu.memref_slice %arg6[%arg0, %mul3A_10, %dma_start3A_368] : memref<2x10112x16xf32, #tpu.memory_space<hbm>> -> memref<1x632x16xf32, #tpu.memory_space<hbm>>
      %dma_start3A_370 = tpu.memref_squeeze %dma_start3A_369 : memref<1x632x16xf32, #tpu.memory_space<hbm>> -> memref<632x16xf32, #tpu.memory_space<hbm>>
      %dma_start3A_371 = arith.constant 0 : i32
      %dma_start3A_372 = tpu.memref_slice %arg12[%mul3A_10, %dma_start3A_371] : memref<10112x16xf32, #tpu.memory_space<vmem_shared>> -> memref<632x16xf32, #tpu.memory_space<vmem_shared>>
      tpu.enqueue_dma source(%dma_start3A_372 : memref<632x16xf32, #tpu.memory_space<vmem_shared>>) target(%dma_start3A_370 : memref<632x16xf32, #tpu.memory_space<hbm>>) target_semaphore(%run_scoped3A : memref<!tpu.dma_semaphore, #tpu.memory_space<semaphore_mem>>)
      %dma_wait3A_373 = arith.constant 0 : i32
      %dma_wait3A_374 = tpu.memref_slice %arg6[%arg0, %mul3A_10, %dma_wait3A_373] : memref<2x10112x16xf32, #tpu.memory_space<hbm>> -> memref<1x632x16xf32, #tpu.memory_space<hbm>>
      %dma_wait3A_375 = tpu.memref_squeeze %dma_wait3A_374 : memref<1x632x16xf32, #tpu.memory_space<hbm>> -> memref<632x16xf32, #tpu.memory_space<hbm>>
      %dma_wait3A_376 = arith.constant 0 : i32
      %dma_wait3A_377 = tpu.memref_slice %arg12[%mul3A_10, %dma_wait3A_376] : memref<10112x16xf32, #tpu.memory_space<vmem_shared>> -> memref<632x16xf32, #tpu.memory_space<vmem_shared>>
      tpu.wait_dma2 semaphore(%run_scoped3A : memref<!tpu.dma_semaphore, #tpu.memory_space<semaphore_mem>>) src(%dma_wait3A_377 : memref<632x16xf32, #tpu.memory_space<vmem_shared>>) dst(%dma_wait3A_375 : memref<632x16xf32, #tpu.memory_space<hbm>>)
      tpu.yield
    }) : () -> ()
    return
  }
}

module attributes {stable_mosaic.version = 14 : i64} {
  func.func @body(%arg0: memref<2x320000xi32, #tpu.memory_space<vmem>>, %arg1: memref<2500x128xi32, #tpu.memory_space<vmem>>, %arg2: memref<2500x128xi32, #tpu.memory_space<vmem>>) attributes {dimension_semantics = [], scalar_prefetch = 0 : i64, scratch_operands = 0 : i64, tpu.core_type = #tpu.core_type<tc>} {
    %get3A = arith.constant 0 : index
    %get3A_0 = arith.constant 0 : index
    %get3A_1 = vector.load %arg0[%get3A, %get3A_0] : memref<2x320000xi32, #tpu.memory_space<vmem>>, vector<1x320000xi32>
    %get3A_2 = vector.shape_cast %get3A_1 : vector<1x320000xi32> to vector<320000xi32>
    %reshape3A = vector.shape_cast %get3A_2 : vector<320000xi32> to vector<2500x128xi32>
    %swap3A = arith.constant 0 : index
    %swap3A_3 = arith.constant 0 : index
    %swap3A_4 = vector.load %arg1[%swap3A, %swap3A_3] : memref<2500x128xi32, #tpu.memory_space<vmem>>, vector<2500x128xi32>
    tpu.vector_store %arg1[%swap3A, %swap3A_3], %reshape3A {strides = array<i32>} : memref<2500x128xi32, #tpu.memory_space<vmem>>, vector<2500x128xi32>,
    %get3A_5 = arith.constant 1 : index
    %get3A_6 = arith.constant 0 : index
    %get3A_7 = vector.load %arg0[%get3A_5, %get3A_6] : memref<2x320000xi32, #tpu.memory_space<vmem>>, vector<1x320000xi32>
    %get3A_8 = vector.shape_cast %get3A_7 : vector<1x320000xi32> to vector<320000xi32>
    %reshape3A_9 = vector.shape_cast %get3A_8 : vector<320000xi32> to vector<2500x128xi32>
    %swap3A_10 = arith.constant 0 : index
    %swap3A_11 = arith.constant 0 : index
    %swap3A_12 = vector.load %arg2[%swap3A_10, %swap3A_11] : memref<2500x128xi32, #tpu.memory_space<vmem>>, vector<2500x128xi32>
    tpu.vector_store %arg2[%swap3A_10, %swap3A_11], %reshape3A_9 {strides = array<i32>} : memref<2500x128xi32, #tpu.memory_space<vmem>>, vector<2500x128xi32>,
    return
  }
}

module attributes {stable_mosaic.version = 14 : i64} {
  func.func @_tc_a1_body(%arg0: memref<1250x1024xf32, #tpu.memory_space<vmem>>, %arg1: memref<1024x256xf32, #tpu.memory_space<vmem>>, %arg2: memref<1250x256xf32, #tpu.memory_space<vmem>>) attributes {dimension_semantics = [], scalar_prefetch = 0 : i64, scratch_operands = 0 : i64, tpu.core_type = #tpu.core_type<tc>} {
    %get3A = arith.constant 0 : index
    %get3A_0 = arith.constant 0 : index
    %get3A_1 = vector.load %arg0[%get3A, %get3A_0] : memref<1250x1024xf32, #tpu.memory_space<vmem>>, vector<1250x1024xf32>
    %get3A_2 = arith.constant 0 : index
    %get3A_3 = arith.constant 0 : index
    %get3A_4 = vector.load %arg1[%get3A_2, %get3A_3] : memref<1024x256xf32, #tpu.memory_space<vmem>>, vector<1024x256xf32>
    %dot_general3A = arith.constant dense<0.000000e+00> : vector<1250x256xf32>
    %dot_general3A_5 = tpu.matmul %get3A_1, %get3A_4, %dot_general3A {dimension_numbers = #tpu.dot_dimension_numbers<[1], [0], [0], [1], [0, 0, 1, 1], [], []>, transpose_lhs_hint = false} : vector<1250x1024xf32>, vector<1024x256xf32>, vector<1250x256xf32> -> vector<1250x256xf32>
    %swap3A = arith.constant 0 : index
    %swap3A_6 = arith.constant 0 : index
    %swap3A_7 = vector.load %arg2[%swap3A, %swap3A_6] : memref<1250x256xf32, #tpu.memory_space<vmem>>, vector<1250x256xf32>
    tpu.vector_store %arg2[%swap3A, %swap3A_6], %dot_general3A_5 {strides = array<i32>} : memref<1250x256xf32, #tpu.memory_space<vmem>>, vector<1250x256xf32>,
    return
  }
}

module attributes {stable_mosaic.version = 14 : i64} {
  func.func @body(%arg0: memref<2x1264x256xf32, #tpu.memory_space<vmem>>, %arg1: memref<1250x256xf32, #tpu.memory_space<vmem>>, %arg2: memref<256x128xf32, #tpu.memory_space<vmem>>, %arg3: memref<1250x256xf32, #tpu.memory_space<vmem>>, %arg4: memref<1250x256xf32, #tpu.memory_space<vmem>>, %arg5: memref<1250x128xf32, #tpu.memory_space<vmem>>) attributes {dimension_semantics = [], scalar_prefetch = 0 : i64, scratch_operands = 0 : i64, tpu.core_type = #tpu.core_type<tc>} {
    %get3A = arith.constant 0 : index
    %get3A_0 = arith.constant 0 : index
    %get3A_1 = arith.constant 0 : index
    %get3A_2 = vector.load %arg0[%get3A, %get3A_0, %get3A_1] : memref<2x1264x256xf32, #tpu.memory_space<vmem>>, vector<1x1250x256xf32>
    %get3A_3 = vector.shape_cast %get3A_2 : vector<1x1250x256xf32> to vector<1250x256xf32>
    %get3A_4 = arith.constant 1 : index
    %get3A_5 = arith.constant 0 : index
    %get3A_6 = arith.constant 0 : index
    %get3A_7 = vector.load %arg0[%get3A_4, %get3A_5, %get3A_6] : memref<2x1264x256xf32, #tpu.memory_space<vmem>>, vector<1x1250x256xf32>
    %get3A_8 = vector.shape_cast %get3A_7 : vector<1x1250x256xf32> to vector<1250x256xf32>
    %add3A = arith.addf %get3A_3, %get3A_8 : vector<1250x256xf32>
    %add3A_9 = arith.constant 1.000000e+00 : f32
    %add3A_10 = vector.broadcast %add3A_9 : f32 to vector<1250x256xf32>
    %add3A_11 = arith.addf %add3A, %add3A_10 : vector<1250x256xf32>
    %rsqrt3A = math.rsqrt %add3A_11 : vector<1250x256xf32>
    %swap3A = arith.constant 0 : index
    %swap3A_12 = arith.constant 0 : index
    %swap3A_13 = vector.load %arg4[%swap3A, %swap3A_12] : memref<1250x256xf32, #tpu.memory_space<vmem>>, vector<1250x256xf32>
    tpu.vector_store %arg4[%swap3A, %swap3A_12], %rsqrt3A {strides = array<i32>} : memref<1250x256xf32, #tpu.memory_space<vmem>>, vector<1250x256xf32>,
    %get3A_14 = arith.constant 0 : index
    %get3A_15 = arith.constant 0 : index
    %get3A_16 = vector.load %arg2[%get3A_14, %get3A_15] : memref<256x128xf32, #tpu.memory_space<vmem>>, vector<256x128xf32>
    %dot_general3A = arith.constant dense<0.000000e+00> : vector<1250x128xf32>
    %dot_general3A_17 = tpu.matmul %rsqrt3A, %get3A_16, %dot_general3A {dimension_numbers = #tpu.dot_dimension_numbers<[1], [0], [0], [1], [0, 0, 1, 1], [], []>, transpose_lhs_hint = false} : vector<1250x256xf32>, vector<256x128xf32>, vector<1250x128xf32> -> vector<1250x128xf32>
    %swap3A_18 = arith.constant 0 : index
    %swap3A_19 = arith.constant 0 : index
    %swap3A_20 = vector.load %arg5[%swap3A_18, %swap3A_19] : memref<1250x128xf32, #tpu.memory_space<vmem>>, vector<1250x128xf32>
    tpu.vector_store %arg5[%swap3A_18, %swap3A_19], %dot_general3A_17 {strides = array<i32>} : memref<1250x128xf32, #tpu.memory_space<vmem>>, vector<1250x128xf32>,
    %get3A_21 = arith.constant 0 : index
    %get3A_22 = arith.constant 0 : index
    %get3A_23 = vector.load %arg1[%get3A_21, %get3A_22] : memref<1250x256xf32, #tpu.memory_space<vmem>>, vector<1250x256xf32>
    %mul3A = arith.mulf %rsqrt3A, %get3A_23 : vector<1250x256xf32>
    %swap3A_24 = arith.constant 0 : index
    %swap3A_25 = arith.constant 0 : index
    %swap3A_26 = vector.load %arg3[%swap3A_24, %swap3A_25] : memref<1250x256xf32, #tpu.memory_space<vmem>>, vector<1250x256xf32>
    tpu.vector_store %arg3[%swap3A_24, %swap3A_25], %mul3A {strides = array<i32>} : memref<1250x256xf32, #tpu.memory_space<vmem>>, vector<1250x256xf32>,
    return
  }
}

module attributes {stable_mosaic.version = 14 : i64} {
  func.func @body(%arg0: memref<2x1264x256xf32, #tpu.memory_space<vmem>>, %arg1: memref<1250x256xf32, #tpu.memory_space<vmem>>, %arg2: memref<1250x256xf32, #tpu.memory_space<vmem>>, %arg3: memref<1250x128xf32, #tpu.memory_space<vmem>>, %arg4: memref<1x256xf32, #tpu.memory_space<vmem>>, %arg5: memref<256x128xf32, #tpu.memory_space<vmem>>, %arg6: memref<1250x128xf32, #tpu.memory_space<vmem>>) attributes {dimension_semantics = [], scalar_prefetch = 0 : i64, scratch_operands = 0 : i64, tpu.core_type = #tpu.core_type<tc>} {
    %get3A = arith.constant 0 : index
    %get3A_0 = arith.constant 0 : index
    %get3A_1 = arith.constant 0 : index
    %get3A_2 = vector.load %arg0[%get3A, %get3A_0, %get3A_1] : memref<2x1264x256xf32, #tpu.memory_space<vmem>>, vector<1x1250x256xf32>
    %get3A_3 = vector.shape_cast %get3A_2 : vector<1x1250x256xf32> to vector<1250x256xf32>
    %get3A_4 = arith.constant 1 : index
    %get3A_5 = arith.constant 0 : index
    %get3A_6 = arith.constant 0 : index
    %get3A_7 = vector.load %arg0[%get3A_4, %get3A_5, %get3A_6] : memref<2x1264x256xf32, #tpu.memory_space<vmem>>, vector<1x1250x256xf32>
    %get3A_8 = vector.shape_cast %get3A_7 : vector<1x1250x256xf32> to vector<1250x256xf32>
    %add3A = arith.addf %get3A_3, %get3A_8 : vector<1250x256xf32>
    %get3A_9 = arith.constant 0 : index
    %get3A_10 = arith.constant 0 : index
    %get3A_11 = vector.load %arg1[%get3A_9, %get3A_10] : memref<1250x256xf32, #tpu.memory_space<vmem>>, vector<1250x256xf32>
    %add3A_12 = arith.addf %add3A, %get3A_11 : vector<1250x256xf32>
    %get3A_13 = arith.constant 0 : index
    %get3A_14 = arith.constant 0 : index
    %get3A_15 = vector.load %arg2[%get3A_13, %get3A_14] : memref<1250x256xf32, #tpu.memory_space<vmem>>, vector<1250x256xf32>
    %mul3A = arith.mulf %get3A_15, %add3A_12 : vector<1250x256xf32>
    %get3A_16 = arith.constant 0 : index
    %get3A_17 = arith.constant 0 : index
    %get3A_18 = vector.load %arg4[%get3A_16, %get3A_17] : memref<1x256xf32, #tpu.memory_space<vmem>>, vector<1x256xf32>
    %add3A_19 = vector.broadcast %get3A_18 : vector<1x256xf32> to vector<1250x256xf32>
    %add3A_20 = arith.addf %mul3A, %add3A_19 : vector<1250x256xf32>
    %max3A = arith.constant 0.000000e+00 : f32
    %max3A_21 = vector.broadcast %max3A : f32 to vector<1250x256xf32>
    %max3A_22 = arith.maximumf %add3A_20, %max3A_21 : vector<1250x256xf32>
    %get3A_23 = arith.constant 0 : index
    %get3A_24 = arith.constant 0 : index
    %get3A_25 = vector.load %arg5[%get3A_23, %get3A_24] : memref<256x128xf32, #tpu.memory_space<vmem>>, vector<256x128xf32>
    %dot_general3A = arith.constant dense<0.000000e+00> : vector<1250x128xf32>
    %dot_general3A_26 = tpu.matmul %max3A_22, %get3A_25, %dot_general3A {dimension_numbers = #tpu.dot_dimension_numbers<[1], [0], [0], [1], [0, 0, 1, 1], [], []>, transpose_lhs_hint = false} : vector<1250x256xf32>, vector<256x128xf32>, vector<1250x128xf32> -> vector<1250x128xf32>
    %get3A_27 = arith.constant 0 : index
    %get3A_28 = arith.constant 0 : index
    %get3A_29 = vector.load %arg3[%get3A_27, %get3A_28] : memref<1250x128xf32, #tpu.memory_space<vmem>>, vector<1250x128xf32>
    %mul3A_30 = arith.mulf %get3A_29, %dot_general3A_26 : vector<1250x128xf32>
    %swap3A = arith.constant 0 : index
    %swap3A_31 = arith.constant 0 : index
    %swap3A_32 = vector.load %arg6[%swap3A, %swap3A_31] : memref<1250x128xf32, #tpu.memory_space<vmem>>, vector<1250x128xf32>
    tpu.vector_store %arg6[%swap3A, %swap3A_31], %mul3A_30 {strides = array<i32>} : memref<1250x128xf32, #tpu.memory_space<vmem>>, vector<1250x128xf32>,
    return
  }
}

module attributes {stable_mosaic.version = 14 : i64} {
  func.func @body(%arg0: memref<2x1264x128xf32, #tpu.memory_space<vmem>>, %arg1: memref<1250x128xf32, #tpu.memory_space<vmem>>, %arg2: memref<1250x128xf32, #tpu.memory_space<vmem>>, %arg3: memref<1x128xf32, #tpu.memory_space<vmem>>, %arg4: memref<128x80xf32, #tpu.memory_space<vmem>>, %arg5: memref<1x80xf32, #tpu.memory_space<vmem>>, %arg6: memref<80x80xf32, #tpu.memory_space<vmem>>, %arg7: memref<1250x80xf32, #tpu.memory_space<vmem>>) attributes {dimension_semantics = [], scalar_prefetch = 0 : i64, scratch_operands = 0 : i64, tpu.core_type = #tpu.core_type<tc>} {
    %get3A = arith.constant 0 : index
    %get3A_0 = arith.constant 0 : index
    %get3A_1 = arith.constant 0 : index
    %get3A_2 = vector.load %arg0[%get3A, %get3A_0, %get3A_1] : memref<2x1264x128xf32, #tpu.memory_space<vmem>>, vector<1x1250x128xf32>
    %get3A_3 = vector.shape_cast %get3A_2 : vector<1x1250x128xf32> to vector<1250x128xf32>
    %get3A_4 = arith.constant 1 : index
    %get3A_5 = arith.constant 0 : index
    %get3A_6 = arith.constant 0 : index
    %get3A_7 = vector.load %arg0[%get3A_4, %get3A_5, %get3A_6] : memref<2x1264x128xf32, #tpu.memory_space<vmem>>, vector<1x1250x128xf32>
    %get3A_8 = vector.shape_cast %get3A_7 : vector<1x1250x128xf32> to vector<1250x128xf32>
    %add3A = arith.addf %get3A_3, %get3A_8 : vector<1250x128xf32>
    %get3A_9 = arith.constant 0 : index
    %get3A_10 = arith.constant 0 : index
    %get3A_11 = vector.load %arg1[%get3A_9, %get3A_10] : memref<1250x128xf32, #tpu.memory_space<vmem>>, vector<1250x128xf32>
    %add3A_12 = arith.addf %add3A, %get3A_11 : vector<1250x128xf32>
    %get3A_13 = arith.constant 0 : index
    %get3A_14 = arith.constant 0 : index
    %get3A_15 = vector.load %arg2[%get3A_13, %get3A_14] : memref<1250x128xf32, #tpu.memory_space<vmem>>, vector<1250x128xf32>
    %mul3A = arith.mulf %get3A_15, %add3A_12 : vector<1250x128xf32>
    %get3A_16 = arith.constant 0 : index
    %get3A_17 = arith.constant 0 : index
    %get3A_18 = vector.load %arg3[%get3A_16, %get3A_17] : memref<1x128xf32, #tpu.memory_space<vmem>>, vector<1x128xf32>
    %add3A_19 = vector.broadcast %get3A_18 : vector<1x128xf32> to vector<1250x128xf32>
    %add3A_20 = arith.addf %mul3A, %add3A_19 : vector<1250x128xf32>
    %max3A = arith.constant 0.000000e+00 : f32
    %max3A_21 = vector.broadcast %max3A : f32 to vector<1250x128xf32>
    %max3A_22 = arith.maximumf %add3A_20, %max3A_21 : vector<1250x128xf32>
    %get3A_23 = arith.constant 0 : index
    %get3A_24 = arith.constant 0 : index
    %get3A_25 = vector.load %arg4[%get3A_23, %get3A_24] : memref<128x80xf32, #tpu.memory_space<vmem>>, vector<128x80xf32>
    %dot_general3A = arith.constant dense<0.000000e+00> : vector<1250x80xf32>
    %dot_general3A_26 = tpu.matmul %max3A_22, %get3A_25, %dot_general3A {dimension_numbers = #tpu.dot_dimension_numbers<[1], [0], [0], [1], [0, 0, 1, 1], [], []>, transpose_lhs_hint = false} : vector<1250x128xf32>, vector<128x80xf32>, vector<1250x80xf32> -> vector<1250x80xf32>
    %get3A_27 = arith.constant 0 : index
    %get3A_28 = arith.constant 0 : index
    %get3A_29 = vector.load %arg5[%get3A_27, %get3A_28] : memref<1x80xf32, #tpu.memory_space<vmem>>, vector<1x80xf32>
    %add3A_30 = vector.broadcast %get3A_29 : vector<1x80xf32> to vector<1250x80xf32>
    %add3A_31 = arith.addf %dot_general3A_26, %add3A_30 : vector<1250x80xf32>
    %roll3A = arith.constant 1 : i32
    %roll3A_32 = tpu.dynamic_rotate %add3A_31 by %roll3A dim 1 : vector<1250x80xf32>, i32 -> vector<1250x80xf32>
    %max3A_33 = arith.maximumf %add3A_31, %roll3A_32 : vector<1250x80xf32>
    %roll3A_34 = arith.constant 2 : i32
    %roll3A_35 = tpu.dynamic_rotate %max3A_33 by %roll3A_34 dim 1 : vector<1250x80xf32>, i32 -> vector<1250x80xf32>
    %max3A_36 = arith.maximumf %max3A_33, %roll3A_35 : vector<1250x80xf32>
    %roll3A_37 = arith.constant 4 : i32
    %roll3A_38 = tpu.dynamic_rotate %max3A_36 by %roll3A_37 dim 1 : vector<1250x80xf32>, i32 -> vector<1250x80xf32>
    %max3A_39 = arith.maximumf %max3A_36, %roll3A_38 : vector<1250x80xf32>
    %roll3A_40 = arith.constant 8 : i32
    %roll3A_41 = tpu.dynamic_rotate %max3A_39 by %roll3A_40 dim 1 : vector<1250x80xf32>, i32 -> vector<1250x80xf32>
    %max3A_42 = arith.maximumf %max3A_39, %roll3A_41 : vector<1250x80xf32>
    %roll3A_43 = arith.constant 16 : i32
    %roll3A_44 = tpu.dynamic_rotate %max3A_42 by %roll3A_43 dim 1 : vector<1250x80xf32>, i32 -> vector<1250x80xf32>
    %max3A_45 = arith.maximumf %max3A_42, %roll3A_44 : vector<1250x80xf32>
    %roll3A_46 = arith.constant 32 : i32
    %roll3A_47 = tpu.dynamic_rotate %max3A_45 by %roll3A_46 dim 1 : vector<1250x80xf32>, i32 -> vector<1250x80xf32>
    %max3A_48 = arith.maximumf %max3A_45, %roll3A_47 : vector<1250x80xf32>
    %roll3A_49 = arith.constant 64 : i32
    %roll3A_50 = tpu.dynamic_rotate %max3A_48 by %roll3A_49 dim 1 : vector<1250x80xf32>, i32 -> vector<1250x80xf32>
    %max3A_51 = arith.maximumf %max3A_48, %roll3A_50 : vector<1250x80xf32>
    %sub3A = arith.subf %add3A_31, %max3A_51 : vector<1250x80xf32>
    %exp3A = math.exp %sub3A : vector<1250x80xf32>
    %get3A_52 = arith.constant 0 : index
    %get3A_53 = arith.constant 0 : index
    %get3A_54 = vector.load %arg6[%get3A_52, %get3A_53] : memref<80x80xf32, #tpu.memory_space<vmem>>, vector<80x80xf32>
    %dot_general3A_55 = arith.constant dense<0.000000e+00> : vector<1250x80xf32>
    %dot_general3A_56 = tpu.matmul %exp3A, %get3A_54, %dot_general3A_55 {dimension_numbers = #tpu.dot_dimension_numbers<[1], [0], [0], [1], [0, 0, 1, 1], [], []>, transpose_lhs_hint = false} : vector<1250x80xf32>, vector<80x80xf32>, vector<1250x80xf32> -> vector<1250x80xf32>
    %sub3A_57 = arith.subf %add3A_31, %max3A_51 : vector<1250x80xf32>
    %log3A = math.log %dot_general3A_56 : vector<1250x80xf32>
    %sub3A_58 = arith.subf %sub3A_57, %log3A : vector<1250x80xf32>
    %swap3A = arith.constant 0 : index
    %swap3A_59 = arith.constant 0 : index
    %swap3A_60 = vector.load %arg7[%swap3A, %swap3A_59] : memref<1250x80xf32, #tpu.memory_space<vmem>>, vector<1250x80xf32>
    tpu.vector_store %arg7[%swap3A, %swap3A_59], %sub3A_58 {strides = array<i32>} : memref<1250x80xf32, #tpu.memory_space<vmem>>, vector<1250x80xf32>,
    return
  }
}

</mosaic_0001>

<sc_bundles>
// kernel: kernel.10.cloned.1.call-start
scs
__scs_entry_jumppad:
0x0: {  	(pc) =	sbr.rel $0x88, $3  }
0x1: {  	(tag) =	ssettag $0x0;
	lr =	simm.s32 $0x1  }
0x2: {  	[smem:$0x3F99] =	sst lr;
	_ =	strace $0xD0000000  }
0x3: {  	_ = 	snop  }
0x4: {  	_ = 	snop  }
0x5: {  	_ = 	snop  }
0x6: {  	_ = 	snop  }
0x7: {  	_ = 	snop  }
__scs_overlays_trampoline_lowered:
0x8: {  	[smem:$0x3FA8] =	sst s0  }
0x9: {  	[smem:$0x3FA9] =	sst s1  }
0xa: {  	[smem:$0x3FAA] =	sst s2  }
0xb: {  	[smem:$0x3FAB] =	sst s3  }
0xc: {  	[smem:$0x3FAC] =	sst s4  }
0xd: {  	[smem:$0x3FAD] =	sst s5  }
0xe: {  	[smem:$0x3FAE] =	sst s6  }
0xf: {  	[smem:$0x3FAF] =	sst s7  }
0x10: {  	[smem:$0x3FB0] =	sst s8  }
0x11: {  	[smem:$0x3FB1] =	sst s9;
	s0 =	simm.s32 @!p0 $0x0  }
0x12: {  	s1 =	sld [smem:$0x3F97];
	s0 =	simm.s32 @p0 $0x1  }
0x13: {  	[smem:$0x3FB2] =	sst s0;
	s0 =	simm.s32 @!p1 $0x0  }
0x14: {  	s2 =	sld [smem:$0x3F96];
	s0 =	simm.s32 @p1 $0x1  }
0x15: {  	[smem:$0x3FB3] =	sst s0;
	s0 =	simm.s32 @!p2 $0x0  }
0x16: {  	s3 =	sld [smem:$0x3FDB];
	s0 =	simm.s32 @p2 $0x1  }
0x17: {  	s4 =	simm.s32 $0x1BF5;
	[smem:$0x3FB5] =	sst s0  }
0x18: {  	s0 =	sld [smem:$0x3F98];
	_ =	swait.ge [sflag:s4], $0x0  }
0x19: {  	s7 =	sld [smem:$0x3F99]  }
0x1a: {  	s8 =	sadd.s32 $0xFFFFE003, lr  }
0x1b: {  	s9 =	sadd.s32 $0xFFFFFEF7, lr;
	s5 =	simm.s32 $0xFFFFFFFF;
	p2 =	slt.u32 s8, $0xFFFFF086  }
0x1c: {  	p1 =	slt.u32 s9, $0xF7A;
	s5 =	simm.s32 @!p2 $0x0  }
0x1d: {  	s5 =	simm.s32 @p1 $0x1;
	p0 =	seq.s32 s7, s2  }
0x1e: {  	s7 =	smul.u32 @!p0 $0xF7A, s2;
	p2 =	seq.s32 @!p0 s5, $0x0  }
0x1f: {  	s9 =	smul.u32 $0xF7A, s1;
	s8 =	simm.s32 @!p0 $0x1BF5;
	p2 =	por !p2, p0  }
0x20: {  	[sflag:s8] =	ssyncset.s32 @!p0 $0xFFFFF086;
	s6 =	sadd.s32 @!p0 s3, s7;
	s7 =	simm.s32 @!p0 $0x108  }
0x21: {  	s3 =	sadd.s32 s3, s9;
	s6 =	sadd.s32 @!p0 $0x88, s6;
	s7 =	simm.s32 @p2 $0x1082  }
0x22: {  	[simem:s7], [sflag:s8] =	dma.local @!p0 [hbm:s6], $0xF7A  }
0x23: {  	s9 =	sor.u32 $0xD0000000, s2;
	s6 =	simm.s32 $0x108;
	_ =	swait.ge @!p0 [sflag:s8], $0x0  }
0x24: {  	s3 =	sadd.s32 $0x88, s3;
	s6 =	simm.s32 @!p1 $0x1082;
	[sflag:s4] =	ssyncset.s32 $0xFFFFF086  }
0x25: {  	[simem:s6], [sflag:s4] =	dma.local [hbm:s3], $0xF7A  }
0x26: {  	[smem:$0x3F99] =	sst s1;
	(tag) =	ssettag s2;
	_ =	strace s9  }
0x27: {  	s1 =	sld [smem:$0x3FA9]  }
0x28: {  	s2 =	sld [smem:$0x3FAA]  }
0x29: {  	s4 =	sld [smem:$0x3FAC]  }
0x2a: {  	p0 =	seq.s32 s5, $0x0;
	s5 =	sld [smem:$0x3FAD]  }
0x2b: {  	s6 =	sld [smem:$0x3FAE]  }
0x2c: {  	s7 =	sld [smem:$0x3FAF]  }
0x2d: {  	s3 =	simm.s32 $0x108;
	s8 =	sld [smem:$0x3FB0]  }
0x2e: {  	s3 =	simm.s32 @!p0 $0x1082;
	s9 =	sld [smem:$0x3FB1]  }
0x2f: {  	lr =	sadd.s32 s0, s3;
	s0 =	sld [smem:$0x3FA8]  }
0x30: {  	s3 =	sld [smem:$0x3FAB]  }
0x31: {  	[smem:$0x3FB4] =	sst s10  }
0x32: {  	s10 =	sld [smem:$0x3FB2];
	_ =	sdelay $0x3  }
0x33: {  	p0 =	seq.s32 s10, $0x1;
	s10 =	sld [smem:$0x3FB4];
	_ =	sdelay $0x3  }
0x34: {  	[smem:$0x3FB4] =	sst s10  }
0x35: {  	s10 =	sld [smem:$0x3FB3];
	_ =	sdelay $0x3  }
0x36: {  	p1 =	seq.s32 s10, $0x1;
	s10 =	sld [smem:$0x3FB4];
	_ =	sdelay $0x3  }
0x37: {  	[smem:$0x3FB4] =	sst s10  }
0x38: {  	s10 =	sld [smem:$0x3FB5]  }
0x39: {  	_ = 	snop;
	(pc) =	sbr.ind lr, $3  }
0x3a: {  	_ = 	snop  }
0x3b: {  	_ = 	snop  }
0x3c: {  	p2 =	seq.s32 s10, $0x1;
	s10 =	sld [smem:$0x3FB4]  }
0x3d: {  	_ =	shalt  }
0x3e: {  	_ =	shalt  }
0x3f: {  	_ =	shalt  }
0x40: {  	_ =	shalt  }
0x41: {  	_ =	shalt  }
0x42: {  	_ =	shalt  }
0x43: {  	_ =	shalt  }
0x44: {  	_ =	shalt  }
0x45: {  	_ =	shalt  }
0x46: {  	_ =	shalt  }
0x47: {  	_ =	shalt  }
0x48: {  	_ =	shalt  }
0x49: {  	_ =	shalt  }
0x4a: {  	_ =	shalt  }
0x4b: {  	_ =	shalt  }
0x4c: {  	_ =	shalt  }
0x4d: {  	_ =	shalt  }
0x4e: {  	_ =	shalt  }
0x4f: {  	_ =	shalt  }
0x50: {  	_ =	shalt  }
0x51: {  	_ =	shalt  }
0x52: {  	_ =	shalt  }
0x53: {  	_ =	shalt  }
0x54: {  	_ =	shalt  }
0x55: {  	_ =	shalt  }
0x56: {  	_ =	shalt  }
0x57: {  	_ =	shalt  }
0x58: {  	_ =	shalt  }
0x59: {  	_ =	shalt  }
0x5a: {  	_ =	shalt  }
0x5b: {  	_ =	shalt  }
0x5c: {  	_ =	shalt  }
0x5d: {  	_ =	shalt  }
0x5e: {  	_ =	shalt  }
0x5f: {  	_ =	shalt  }
0x60: {  	_ =	shalt  }
0x61: {  	_ =	shalt  }
0x62: {  	_ =	shalt  }
0x63: {  	_ =	shalt  }
0x64: {  	_ =	shalt  }
0x65: {  	_ =	shalt  }
0x66: {  	_ =	shalt  }
0x67: {  	_ =	shalt  }
0x68: {  	_ =	shalt  }
0x69: {  	_ =	shalt  }
0x6a: {  	_ =	shalt  }
0x6b: {  	_ =	shalt  }
0x6c: {  	_ =	shalt  }
0x6d: {  	_ =	shalt  }
0x6e: {  	_ =	shalt  }
0x6f: {  	_ =	shalt  }
0x70: {  	_ =	shalt  }
0x71: {  	_ =	shalt  }
0x72: {  	_ =	shalt  }
0x73: {  	_ =	shalt  }
0x74: {  	_ =	shalt  }
0x75: {  	_ =	shalt  }
0x76: {  	_ =	shalt  }
0x77: {  	_ =	shalt  }
0x78: {  	_ =	shalt  }
0x79: {  	_ =	shalt  }
0x7a: {  	_ =	shalt  }
0x7b: {  	_ =	shalt  }
0x7c: {  	_ =	shalt  }
0x7d: {  	_ =	shalt  }
0x7e: {  	_ =	shalt  }
0x7f: {  	_ =	shalt  }
0x80: {  	_ =	shalt  }
0x81: {  	_ =	shalt  }
0x82: {  	_ =	shalt  }
0x83: {  	_ =	shalt  }
0x84: {  	_ =	shalt  }
0x85: {  	_ =	shalt  }
0x86: {  	_ =	shalt  }
0x87: {  	_ =	shalt  }
.Lfunc_end0:
.L_simem_size_0:
called_computation_lowered:
.L_overlay_start_0:
0x88: {  	s2 =	sld [smem:$0x3FD9]  }
0x89: {  	s3 =	sld [smem:$0x3FFE];
	_ =	sdelay $0x1  }
0x8a: {  	s1 =	srdreg.scid  }
0x8b: {  	s0 =	sand.u32 $0x1, s1  }
0x8c: {  	s17 =	sshll.u32 s0, $0xA;
	s2 =	sadd.s32 s3, s2  }
0x8d: {  	s2 =	sadd.s32 s2, s17  }
0x8e: {  	[smem:$0x3FC0] =	sst s2  }
0x8f: {  	_ = 	snop  }
0x90: {  	s2 =	sld [smem:$0x3FD0];
	(tm) =	ssettm $0x1  }
0x91: {  	s18 =	sld [smem:$0x3FFB];
	_ =	sdelay $0x3  }
0x92: {  	_ =	strace s18  }
0x93: {  	s3 =	sld [smem:$0x3FFC];
	_ =	sdelay $0x3  }
0x94: {  	_ =	strace s3  }
0x95: {  	s3 =	sld [smem:$0x3FFD];
	_ =	sdelay $0x3  }
0x96: {  	_ =	strace s3  }
0x97: {  	_ =	strace $0x8FFFFFFF  }
0x98: {  	s19 =	sld [smem:$0x3FDB];
	_ =	sdelay $0x1  }
0x99: {  	s4 =	simm.s32 $_scs_section_size  }
0x9a: {  	s5 =	simm.s32 $_size__tile_overlayer_lowered;
	s6 =	simm.s32 $_tile_overlayer_lowered  }
0x9b: {  	s22 =	simm.s32 $0x1BFF;
	s21 =	sshll.u32 s6, $0x1;
	s3 =	sadd.s32 s4, s19  }
0x9c: {  	s7 =	simm.s32 $0x0;
	s20 =	sshll.u32 s5, $0x1;
	s5 =	sadd.s32 s21, s3  }
0x9d: {  	[timem:s7], [sflag:s22] =	dma.local [hbm:s5], s20  }
0x9e: {  	_ =	swait.ge [sflag:s22], s20  }
0x9f: {  	s4 =	ssub.s32 $0x0, s20;
	[sflag:s22] =	ssyncset.done $0x0  }
0xa0: {  	[sflag:s22] =	ssyncadd.s32 s4;
	_ =	sdelay $0x1  }
0xa1: {  	s23 =	simm.s32 $0x1B8B  }
0xa2: {  	_ =	swait.ge [sflag:s23], $0x1  }
0xa3: {  	[sflag:s23] =	ssyncset.done $0x0  }
0xa4: {  	s25 =	simm.s32 $0x1B8E;
	s24 =	sld [smem:$0x3FFE];
	[sflag:s23] =	ssyncadd.s32 $0xFFFFFFFF  }
0xa5: {  	s26 =	simm.s32 $execute0_lowered;
	[smem:$0x3FD2] =	sst s25  }
0xa6: {  	s5 =	sshll.u32 s26, $0x1;
	_ =	strace $0x80000046;
	[dreg:$0x1] =	wrdreg $0xFFFFFFFF  }
0xa7: {  	s28 =	simm.s32 $_size_execute0_lowered;
	s3 =	sadd.s32 s3, s5;
	[dreg:$0x0] =	wrdreg $0x0  }
0xa8: {  	s5 =	sshll.u32 s28, $0x1;
	[dreg:$0x2] =	wrdreg s3  }
0xa9: {  	[dreg:$0x3] =	wrdreg s5  }
0xaa: {  	[dreg:$0x4] =	wrdreg $0xC0  }
0xab: {  	_ =	task [dreg:s7], $0x5FFFF  }
0xac: {  	[dreg:$0x1] =	wrdreg $0xFFFFFFFF  }
0xad: {  	[dreg:$0x0] =	wrdreg $0x60  }
0xae: {  	[dreg:$0x2] =	wrdreg s24  }
0xaf: {  	[dreg:$0x3] =	wrdreg s2  }
0xb0: {  	[dreg:$0x4] =	wrdreg $0x37800  }
0xb1: {  	[dreg:$0x5] =	wrdreg $0x9  }
0xb2: {  	_ =	task.clear_ibuf [dreg:s7], $0x6FFFF;
	_ =	strace $0x90000046  }
0xb3: {  	s29 =	simm.s32 $0x9;
	_ =	strace $0x80000048  }
0xb4: {  	_ =	swait.ge [sflag:s29], $0x1  }
0xb5: {  	[sflag:s29] =	ssyncadd.s32 $0xFFFFFFFF  }
0xb6: {  	_ =	strace $0x90000048  }
0xb7: {  	_ =	sfence  }
0xb8: {  	s30 =	sld [smem:$0x0];
	_ =	sdelay $0x2  }
0xb9: {  	s31 =	sshll.u32 s1, $0xD;
	s1 =	sshrl.u32 s1, $0x2  }
0xba: {  	s3 =	sand.u32 $0x4000, s31;
	s1 =	sadd.s32 s1, s30  }
0xbb: {  	s0 =	sor.u32 s3, s0;
	s1 =	sshll.u32 s1, $0x11  }
0xbc: {  	s0 =	sor.u32 s1, s0  }
0xbd: {  	s0 =	sadd.s32 $0x8F2B, s0  }
0xbe: {  	[sflag:s0] =	ssyncadd.remote.s32 $0x1  }
0xbf: {  	_ =	sfence.sel $0xFFFF  }
0xc0: {  	[dreg:$0x0] =	wrdreg $0xFFFFFFFF;
	(pc) =	sbr.abs _section_cstart, $3  }
0xc1: {  	[dreg:$0x1] =	wrdreg $0xFFFFFFFF  }
0xc2: {  	_ =	task.clear_ibuf [dreg:s7], $0x2FFFF;
	_ =	strace $0x9FFFFFFF  }
0xc3: {  	(tm) =	ssettm $0x7FFFFFFF  }
tec
execute0_lowered:
.L_overlay_start_1:
0x0: {  	(tag) =	ssettag $0x1  }
0x1: {  	s6 =	rddreg [dreg:$0x0]  }
0x2: {  	s2 =	rddreg [dreg:$0x1]  }
0x3: {  	s0 =	srdreg.scid;
	s3 =	rddreg [dreg:$0x2];
	s4 =	simm.s32 $0x0  }
0x4: {  	s12 =	simm.s32 $0x1;
	s11 =	simm.s32 $0x1;
	s13 =	simm.s32 $0x3  }
0x5: {  	s14 =	simm.s32 $0x4;
	s15 =	simm.s32 $0x5;
	s16 =	simm.s32 $0x6  }
0x6: {  	s21 =	simm.s32 $0x2780;
	s5 =	sand.u32 $0x1, s0;
	s0 =	stileid.u32  }
0x7: {  	s22 =	simm.s32 $0x80;
	s23 =	simm.s32 $0x0;
	s9 =	smul.u32 $0x4F00, s0  }
0x8: {  	[smem:$0x7FF] =	sst s4;
	s1 =	sshll.u32 s5, $0x4;
	s26 =	smul.u32 $0x4F000, s5  }
0x9: {  	s5 =	ssub.s32 $0x2, s5;
	s31 =	sshll.u32 s0, $0x6;
	s19 =	sor.u32 s0, s1  }
0xa: {  	s1 =	rddreg [dreg:$0x3];
	_ =	strace $0x80000047;
	s30 =	sshrl.u32 s5, $0x1  }
0xb: {  	s7 =	smul.u32 $0x4E, s19;
	s8 =	smin.u32 s19, $0x4;
	s28 =	sadd.s32 s9, s26  }
0xc: {  	s18 =	ssub.s32 s5, s30;
	p0 =	slt.u32 s19, $0x4;
	s5 =	simm.s32 $0x4F  }
0xd: {  	s29 =	sshrl.u32 s9, $0x3;
	s20 =	sadd.s32 s9, s3;
	s5 =	simm.s32 @!p0 $0x4E  }
0xe: {  	s12 =	simm.s32 @!p0 $0x0;
	s11 =	simm.s32 @!p0 $0x8;
	s13 =	simm.s32 @!p0 $0x2  }
0xf: {  	s14 =	simm.s32 @!p0 $0x3;
	s15 =	simm.s32 @!p0 $0x4;
	s7 =	sadd.s32 s8, s7  }
0x10: {  	s16 =	simm.s32 @!p0 $0x5;
	s18 =	smax.u32 s18, $0x1;
	s7 =	sshll.u32 s7, $0x4  }
0x11: {  	s8 =	sadd.s32 s29, s6;
	s10 =	sadd.s32 s7, s6;
	s7 =	sshrl.u32 s28, $0x3  }
0x12: {  	s12 =	sadd.s32 $0x1, s12;
	s17 =	sadd.s32 s7, s6;
	s6 =	sadd.s32 $0x16C00, s8  }
0x13: {  	s7 =	sor.u32 $0x1C09, s31;
	s8 =	simm.s32 $0x7;
	s9 =	sadd.s32 $0x3000, s10  }
0x14: {  	s8 =	simm.s32 @!p0 $0x6;
	s17 =	sadd.s32 $0x20A00, s17;
	p0 =	sgt.u32 s19, $0x3  }
0x15: {  	s19 =	sshrl.u32 s20, $0x3;
	s20 =	simm.s32 $0x9;
	s10 =	sadd.s32 $0x1, s8  }
.LBB2_1:
0x16: {  	[spmem:s19], [sflag:s7] =	dma.local [hbm:s6], $0x9E0  }
0x17: {  	_ =	swait.ge [sflag:s20], $0x9E0  }
0x18: {  	[sflag:s20] =	ssyncset.done $0x0  }
0x19: {  	s24 =	simm.s32 @p0 $0x0;
	[sflag:s20] =	ssyncadd.s32 $0xFFFFF620  }
0x1a: {  	[tilespmem:s24], [sflag:$0x9] =	stream.linear.gather @p0 [hbm4b:s9+s24], $0x2700, $0x38;
	[tilespmem:$0x8680] =	vst v63  }
0x1b: {  	s24 =	simm.s32 @p0 $0x9  }
0x1c: {  	_ =	swait.ge @p0 [sflag:s24], $0x2700  }
0x1d: {  	[sflag:s24] =	ssyncset.done @p0 $0x0  }
0x1e: {  	[sflag:s24] =	ssyncadd.s32 @p0 $0xFFFFD900;
	s24 =	simm.s32 @!p0 $0x0  }
0x1f: {  	[tilespmem:s24], [sflag:$0x9] =	stream.linear.gather @!p0 [hbm4b:s9+s24], $0x2780, $0x38;
	[tilespmem:$0x8680] =	vst v63  }
0x20: {  	s24 =	simm.s32 @!p0 $0x9  }
0x21: {  	_ =	swait.ge @!p0 [sflag:s24], $0x2780  }
0x22: {  	[sflag:s24] =	ssyncset.done @!p0 $0x0  }
0x23: {  	p3 =	sne.s32 s5, $0x1;
	[sflag:s24] =	ssyncadd.s32 @!p0 $0xFFFFD880  }
0x24: {  	[tilespmem:s21], [sflag:$0x9] =	stream.linear.gather [hbm4b:s2+s4], $0x1000, $0x38;
	[tilespmem:$0x8680] =	vst v63  }
.Ltmp0:
0x25: {  	_ =	swait.ge [sflag:s20], $0x1000;
	(pc) =	sbr.rel @!p3 .LBB2_2-.Ltmp0, $4  }
0x26: {  	[sflag:s20] =	ssyncset.done $0x0  }
0x27: {  	[sflag:s20] =	ssyncadd.s32 $0xFFFFF000  }
0x28: {  	[bflag:$0x0] =	sbarrier.arrive $0xFFFF  }
0x29: {  	p1 =	por $0x1, $0x1;
	p2 =	por $0x0, $0x0;
	s24 =	simm.s32 $0x1  }
0x2a: {  	p2 =	por p1, p1;
	p3 =	sne.s32 s5, $0x2  }
.Ltmp1:
0x2b: {  	s25 =	sand.u32 @!p2 $0x7, s4;
	(pc) =	sbr.rel @!p3 .LBB2_4-.Ltmp1, $4  }
0x2c: {  	p1 =	por $0x1, $0x1;
	s28 =	sadd.s32 @!p2 $0x1, s25  }
0x2d: {  	s26 =	simm.s32 $0x2;
	s25 =	smov.u32 @p2 s4;
	_ =	swait.ge @!p2 [sflag:s28], $0x1000  }
0x2e: {  	s29 =	sadd.s32 $0x1, s25;
	s25 =	simm.s32 $0x80;
	[sflag:s28] =	ssyncset.done @!p2 $0x0  }
0x2f: {  	[sflag:s28] =	ssyncadd.s32 @!p2 $0xFFFFF000;
	p2 =	por $0x1, $0x1;
	s28 =	simm.s32 $0x0  }
.LBB2_5:
0x30: {  	[spmem:s3] =	stream.indirect.scatter.add.f32 [tilespmem:s21], [sflag:s29], $0x20, s28, s22, $0xb8;
	[tilespmem:$0x8680] =	vst v63  }
0x31: {  	s29 =	smov.u32 s26  }
0x32: {  	p3 =	por p1, p1;
	p1 =	slt.u32 s26, $0x8;
	s26 =	sadd.s32 $0x1, s26  }
0x33: {  	s28 =	smov.u32 s25;
	p4 =	sne.s32 s5, s26  }
.Ltmp2:
0x34: {  	s30 =	sand.u32 @!p3 $0x7, s24;
	(pc) =	sbr.rel @p4 .LBB2_5-.Ltmp2, $4  }
0x35: {  	s31 =	sadd.s32 @!p3 $0x1, s30;
	s30 =	smov.u32 @p3 s24  }
0x36: {  	s24 =	smov.u32 s29;
	_ =	swait.ge @!p3 [sflag:s31], $0x1000  }
0x37: {  	[sflag:s31] =	ssyncset.done @!p3 $0x0  }
0x38: {  	s25 =	sadd.s32 $0x80, s25;
	s29 =	sadd.s32 $0x1, s30;
	[sflag:s31] =	ssyncadd.s32 @!p3 $0xFFFFF000  }
.LBB2_6:
0x39: {  	[spmem:s3] =	stream.indirect.scatter.add.f32 @p2 [tilespmem:s21], [sflag:s29], $0x20, s28, s22, $0xb8;
	[tilespmem:$0x8680] =	vst v63  }
0x3a: {  	p1 =	por p1, p1  }
0x3b: {  	s26 =	sand.u32 @!p1 $0x7, s24  }
0x3c: {  	s28 =	sadd.s32 @!p1 $0x1, s26  }
0x3d: {  	_ =	swait.ge @!p1 [sflag:s28], $0x1000  }
0x3e: {  	s26 =	smov.u32 @p1 s24;
	[sflag:s28] =	ssyncset.done @!p1 $0x0  }
0x3f: {  	s24 =	sadd.s32 $0x1, s26;
	[sflag:s28] =	ssyncadd.s32 @!p1 $0xFFFFF000  }
0x40: {  	[spmem:s3] =	stream.indirect.scatter.add.f32 [tilespmem:s21], [sflag:s24], $0x20, s25, s22, $0xb8;
	[tilespmem:$0x8680] =	vst v63  }
0x41: {  	_ =	swait.ge [sflag:s10], $0x1000  }
0x42: {  	[sflag:s10] =	ssyncset.done $0x0  }
0x43: {  	[sflag:s10] =	ssyncadd.s32 $0xFFFFF000  }
0x44: {  	_ =	swait.ge [sflag:s11], $0x1000  }
0x45: {  	[sflag:s11] =	ssyncset.done $0x0  }
0x46: {  	[sflag:s11] =	ssyncadd.s32 $0xFFFFF000  }
0x47: {  	_ =	swait.ge [sflag:s12], $0x1000  }
0x48: {  	[sflag:s12] =	ssyncset.done $0x0  }
0x49: {  	[sflag:s12] =	ssyncadd.s32 $0xFFFFF000  }
0x4a: {  	_ =	swait.ge [sflag:s13], $0x1000  }
0x4b: {  	[sflag:s13] =	ssyncset.done $0x0  }
0x4c: {  	[sflag:s13] =	ssyncadd.s32 $0xFFFFF000  }
0x4d: {  	_ =	swait.ge [sflag:s14], $0x1000  }
0x4e: {  	[sflag:s14] =	ssyncset.done $0x0  }
0x4f: {  	[sflag:s14] =	ssyncadd.s32 $0xFFFFF000  }
0x50: {  	_ =	swait.ge [sflag:s15], $0x1000  }
0x51: {  	[sflag:s15] =	ssyncset.done $0x0  }
0x52: {  	[sflag:s15] =	ssyncadd.s32 $0xFFFFF000  }
0x53: {  	_ =	swait.ge [sflag:s16], $0x1000  }
0x54: {  	[sflag:s16] =	ssyncset.done $0x0  }
0x55: {  	[sflag:s16] =	ssyncadd.s32 $0xFFFFF000  }
0x56: {  	_ =	swait.ge [sflag:s8], $0x1000  }
0x57: {  	[sflag:s8] =	ssyncset.done $0x0  }
0x58: {  	s23 =	sadd.s32 $0x1, s23;
	[sflag:s8] =	ssyncadd.s32 $0xFFFFF000  }
0x59: {  	p1 =	sne.s32 s23, s18;
	[bflag:$0x0] =	sbarrier.arrive $0xFFFF  }
0x5a: {  	[hbm:s17], [sflag:s7] =	dma.local [spmem:s19], $0x9E0  }
.Ltmp3:
0x5b: {  	_ = 	snop;
	(pc) =	sbr.rel @p1 .LBB2_1-.Ltmp3, $4  }
.Ltmp4:
0x5c: {  	_ = 	snop;
	(pc) =	sbr.rel @!p1 .LBB2_7-.Ltmp4, $4  }
0x5d: {  	_ =	swait.ge [sflag:s20], $0x9E0  }
0x5e: {  	[sflag:s20] =	ssyncset.done $0x0  }
0x5f: {  	[sflag:s20] =	ssyncadd.s32 $0xFFFFF620  }
0x60: {  	_ = 	snop  }
.LBB2_2:
.Ltmp5:
0x61: {  	(pc) =	sbr.rel .LBB2_6-.Ltmp5, $2  }
0x62: {  	_ =	sdelay $0x2  }
0x63: {  	s25 =	simm.s32 $0x0;
	s24 =	simm.s32 $0x0  }
.LBB2_4:
.Ltmp6:
0x64: {  	(pc) =	sbr.rel .LBB2_6-.Ltmp6, $2  }
0x65: {  	_ =	sdelay $0x2  }
0x66: {  	s28 =	simm.s32 $0x0  }
.LBB2_7:
0x67: {  	_ =	sfence.sel $0x180000  }
0x68: {  	[bflag:$0x0] =	sbarrier.arrive $0xFFFF  }
0x69: {  	p0 =	sne.s32 s0, $0x0;
	_ =	strace $0x90000047  }
0x6a: {  	s0 =	sadd.s32 @!p0 $0x100000, s1;
	[bflag:$0x2] =	sbarrier.arrive $0xFFFF  }
0x6b: {  	[sflag:s0] =	ssyncadd.tile.s32 @!p0 $0x1;
	_ =	shalt  }
.Lfunc_end2:
_tile_overlayer_lowered:
.L_overlay_start_2:
0x6c: {  	(tag) =	ssettag $0x2  }
0x6d: {  	s0 =	rddreg [dreg:$0x0];
	s2 =	stileid.u32  }
0x6e: {  	s1 =	rddreg [dreg:$0x1];
	p0 =	sne.s32 s2, $0x0  }
0x6f: {  	s3 =	rddreg [dreg:$0x2];
	[bflag:$0x3] =	sbarrier.arrive $0xFFFF;
	s2 =	simm.s32 @!p0 $0x1C09  }
0x70: {  	[timem:s3], [sflag:s2] =	dma.local @!p0 [hbm:s0], s1  }
0x71: {  	s0 =	simm.s32 @!p0 $0x9  }
0x72: {  	_ =	swait.ge @!p0 [sflag:s0], s1  }
0x73: {  	s1 =	ssub.s32 @!p0 $0x0, s1;
	[sflag:s0] =	ssyncset.done @!p0 $0x0  }
0x74: {  	[sflag:s0] =	ssyncadd.s32 @!p0 s1  }
0x75: {  	[bflag:$0x3] =	sbarrier.arrive $0xFFFF  }
0x76: {  	_ =	shalt  }

// kernel: kernel.13.cloned.1.call-start
scs
__scs_entry_jumppad:
0x0: {  	(pc) =	sbr.rel $0x88, $3  }
0x1: {  	(tag) =	ssettag $0x0;
	lr =	simm.s32 $0x1  }
0x2: {  	[smem:$0x3F99] =	sst lr;
	_ =	strace $0xD0000000  }
0x3: {  	_ = 	snop  }
0x4: {  	_ = 	snop  }
0x5: {  	_ = 	snop  }
0x6: {  	_ = 	snop  }
0x7: {  	_ = 	snop  }
__scs_overlays_trampoline_lowered:
0x8: {  	[smem:$0x3FA8] =	sst s0  }
0x9: {  	[smem:$0x3FA9] =	sst s1  }
0xa: {  	[smem:$0x3FAA] =	sst s2  }
0xb: {  	[smem:$0x3FAB] =	sst s3  }
0xc: {  	[smem:$0x3FAC] =	sst s4  }
0xd: {  	[smem:$0x3FAD] =	sst s5  }
0xe: {  	[smem:$0x3FAE] =	sst s6  }
0xf: {  	[smem:$0x3FAF] =	sst s7  }
0x10: {  	[smem:$0x3FB0] =	sst s8  }
0x11: {  	[smem:$0x3FB1] =	sst s9;
	s0 =	simm.s32 @!p0 $0x0  }
0x12: {  	s1 =	sld [smem:$0x3F97];
	s0 =	simm.s32 @p0 $0x1  }
0x13: {  	[smem:$0x3FB2] =	sst s0;
	s0 =	simm.s32 @!p1 $0x0  }
0x14: {  	s2 =	sld [smem:$0x3F96];
	s0 =	simm.s32 @p1 $0x1  }
0x15: {  	[smem:$0x3FB3] =	sst s0;
	s0 =	simm.s32 @!p2 $0x0  }
0x16: {  	s3 =	sld [smem:$0x3FDB];
	s0 =	simm.s32 @p2 $0x1  }
0x17: {  	s4 =	simm.s32 $0x1BF5;
	[smem:$0x3FB5] =	sst s0  }
0x18: {  	s0 =	sld [smem:$0x3F98];
	_ =	swait.ge [sflag:s4], $0x0  }
0x19: {  	s7 =	sld [smem:$0x3F99]  }
0x1a: {  	s8 =	sadd.s32 $0xFFFFE003, lr  }
0x1b: {  	s9 =	sadd.s32 $0xFFFFFEF7, lr;
	s5 =	simm.s32 $0xFFFFFFFF;
	p2 =	slt.u32 s8, $0xFFFFF086  }
0x1c: {  	p1 =	slt.u32 s9, $0xF7A;
	s5 =	simm.s32 @!p2 $0x0  }
0x1d: {  	s5 =	simm.s32 @p1 $0x1;
	p0 =	seq.s32 s7, s2  }
0x1e: {  	s7 =	smul.u32 @!p0 $0xF7A, s2;
	p2 =	seq.s32 @!p0 s5, $0x0  }
0x1f: {  	s9 =	smul.u32 $0xF7A, s1;
	s8 =	simm.s32 @!p0 $0x1BF5;
	p2 =	por !p2, p0  }
0x20: {  	[sflag:s8] =	ssyncset.s32 @!p0 $0xFFFFF086;
	s6 =	sadd.s32 @!p0 s3, s7;
	s7 =	simm.s32 @!p0 $0x108  }
0x21: {  	s3 =	sadd.s32 s3, s9;
	s6 =	sadd.s32 @!p0 $0x88, s6;
	s7 =	simm.s32 @p2 $0x1082  }
0x22: {  	[simem:s7], [sflag:s8] =	dma.local @!p0 [hbm:s6], $0xF7A  }
0x23: {  	s9 =	sor.u32 $0xD0000000, s2;
	s6 =	simm.s32 $0x108;
	_ =	swait.ge @!p0 [sflag:s8], $0x0  }
0x24: {  	s3 =	sadd.s32 $0x88, s3;
	s6 =	simm.s32 @!p1 $0x1082;
	[sflag:s4] =	ssyncset.s32 $0xFFFFF086  }
0x25: {  	[simem:s6], [sflag:s4] =	dma.local [hbm:s3], $0xF7A  }
0x26: {  	[smem:$0x3F99] =	sst s1;
	(tag) =	ssettag s2;
	_ =	strace s9  }
0x27: {  	s1 =	sld [smem:$0x3FA9]  }
0x28: {  	s2 =	sld [smem:$0x3FAA]  }
0x29: {  	s4 =	sld [smem:$0x3FAC]  }
0x2a: {  	p0 =	seq.s32 s5, $0x0;
	s5 =	sld [smem:$0x3FAD]  }
0x2b: {  	s6 =	sld [smem:$0x3FAE]  }
0x2c: {  	s7 =	sld [smem:$0x3FAF]  }
0x2d: {  	s3 =	simm.s32 $0x108;
	s8 =	sld [smem:$0x3FB0]  }
0x2e: {  	s3 =	simm.s32 @!p0 $0x1082;
	s9 =	sld [smem:$0x3FB1]  }
0x2f: {  	lr =	sadd.s32 s0, s3;
	s0 =	sld [smem:$0x3FA8]  }
0x30: {  	s3 =	sld [smem:$0x3FAB]  }
0x31: {  	[smem:$0x3FB4] =	sst s10  }
0x32: {  	s10 =	sld [smem:$0x3FB2];
	_ =	sdelay $0x3  }
0x33: {  	p0 =	seq.s32 s10, $0x1;
	s10 =	sld [smem:$0x3FB4];
	_ =	sdelay $0x3  }
0x34: {  	[smem:$0x3FB4] =	sst s10  }
0x35: {  	s10 =	sld [smem:$0x3FB3];
	_ =	sdelay $0x3  }
0x36: {  	p1 =	seq.s32 s10, $0x1;
	s10 =	sld [smem:$0x3FB4];
	_ =	sdelay $0x3  }
0x37: {  	[smem:$0x3FB4] =	sst s10  }
0x38: {  	s10 =	sld [smem:$0x3FB5]  }
0x39: {  	_ = 	snop;
	(pc) =	sbr.ind lr, $3  }
0x3a: {  	_ = 	snop  }
0x3b: {  	_ = 	snop  }
0x3c: {  	p2 =	seq.s32 s10, $0x1;
	s10 =	sld [smem:$0x3FB4]  }
0x3d: {  	_ =	shalt  }
0x3e: {  	_ =	shalt  }
0x3f: {  	_ =	shalt  }
0x40: {  	_ =	shalt  }
0x41: {  	_ =	shalt  }
0x42: {  	_ =	shalt  }
0x43: {  	_ =	shalt  }
0x44: {  	_ =	shalt  }
0x45: {  	_ =	shalt  }
0x46: {  	_ =	shalt  }
0x47: {  	_ =	shalt  }
0x48: {  	_ =	shalt  }
0x49: {  	_ =	shalt  }
0x4a: {  	_ =	shalt  }
0x4b: {  	_ =	shalt  }
0x4c: {  	_ =	shalt  }
0x4d: {  	_ =	shalt  }
0x4e: {  	_ =	shalt  }
0x4f: {  	_ =	shalt  }
0x50: {  	_ =	shalt  }
0x51: {  	_ =	shalt  }
0x52: {  	_ =	shalt  }
0x53: {  	_ =	shalt  }
0x54: {  	_ =	shalt  }
0x55: {  	_ =	shalt  }
0x56: {  	_ =	shalt  }
0x57: {  	_ =	shalt  }
0x58: {  	_ =	shalt  }
0x59: {  	_ =	shalt  }
0x5a: {  	_ =	shalt  }
0x5b: {  	_ =	shalt  }
0x5c: {  	_ =	shalt  }
0x5d: {  	_ =	shalt  }
0x5e: {  	_ =	shalt  }
0x5f: {  	_ =	shalt  }
0x60: {  	_ =	shalt  }
0x61: {  	_ =	shalt  }
0x62: {  	_ =	shalt  }
0x63: {  	_ =	shalt  }
0x64: {  	_ =	shalt  }
0x65: {  	_ =	shalt  }
0x66: {  	_ =	shalt  }
0x67: {  	_ =	shalt  }
0x68: {  	_ =	shalt  }
0x69: {  	_ =	shalt  }
0x6a: {  	_ =	shalt  }
0x6b: {  	_ =	shalt  }
0x6c: {  	_ =	shalt  }
0x6d: {  	_ =	shalt  }
0x6e: {  	_ =	shalt  }
0x6f: {  	_ =	shalt  }
0x70: {  	_ =	shalt  }
0x71: {  	_ =	shalt  }
0x72: {  	_ =	shalt  }
0x73: {  	_ =	shalt  }
0x74: {  	_ =	shalt  }
0x75: {  	_ =	shalt  }
0x76: {  	_ =	shalt  }
0x77: {  	_ =	shalt  }
0x78: {  	_ =	shalt  }
0x79: {  	_ =	shalt  }
0x7a: {  	_ =	shalt  }
0x7b: {  	_ =	shalt  }
0x7c: {  	_ =	shalt  }
0x7d: {  	_ =	shalt  }
0x7e: {  	_ =	shalt  }
0x7f: {  	_ =	shalt  }
0x80: {  	_ =	shalt  }
0x81: {  	_ =	shalt  }
0x82: {  	_ =	shalt  }
0x83: {  	_ =	shalt  }
0x84: {  	_ =	shalt  }
0x85: {  	_ =	shalt  }
0x86: {  	_ =	shalt  }
0x87: {  	_ =	shalt  }
.Lfunc_end0:
.L_simem_size_0:
called_computation.1_lowered:
.L_overlay_start_0:
0x88: {  	s2 =	sld [smem:$0x3FD9]  }
0x89: {  	s3 =	sld [smem:$0x3FFE];
	_ =	sdelay $0x1  }
0x8a: {  	s1 =	srdreg.scid  }
0x8b: {  	s0 =	sand.u32 $0x1, s1  }
0x8c: {  	s16 =	sshll.u32 s0, $0xA;
	s2 =	sadd.s32 s3, s2  }
0x8d: {  	s2 =	sadd.s32 s2, s16  }
0x8e: {  	[smem:$0x3FC0] =	sst s2  }
0x8f: {  	_ = 	snop  }
0x90: {  	(tm) =	ssettm $0x1  }
0x91: {  	s17 =	sld [smem:$0x3FFB];
	_ =	sdelay $0x3  }
0x92: {  	_ =	strace s17  }
0x93: {  	s2 =	sld [smem:$0x3FFC];
	_ =	sdelay $0x3  }
0x94: {  	_ =	strace s2  }
0x95: {  	s2 =	sld [smem:$0x3FFD];
	_ =	sdelay $0x3  }
0x96: {  	_ =	strace s2  }
0x97: {  	_ =	strace $0x8FFFFFFF  }
0x98: {  	s18 =	sld [smem:$0x3FDB];
	_ =	sdelay $0x1  }
0x99: {  	s19 =	simm.s32 $_scs_section_size  }
0x9a: {  	s4 =	simm.s32 $_size__tile_overlayer_lowered;
	s5 =	simm.s32 $_tile_overlayer_lowered  }
0x9b: {  	s22 =	simm.s32 $0x1BFF;
	s21 =	sshll.u32 s5, $0x1;
	s2 =	sadd.s32 s19, s18  }
0x9c: {  	s6 =	simm.s32 $0x0;
	s20 =	sshll.u32 s4, $0x1;
	s4 =	sadd.s32 s21, s2  }
0x9d: {  	[timem:s6], [sflag:s22] =	dma.local [hbm:s4], s20  }
0x9e: {  	_ =	swait.ge [sflag:s22], s20  }
0x9f: {  	s3 =	ssub.s32 $0x0, s20;
	[sflag:s22] =	ssyncset.done $0x0  }
0xa0: {  	[sflag:s22] =	ssyncadd.s32 s3;
	_ =	sdelay $0x1  }
0xa1: {  	s23 =	simm.s32 $0x1B8B  }
0xa2: {  	_ =	swait.ge [sflag:s23], $0x1  }
0xa3: {  	[sflag:s23] =	ssyncset.done $0x0  }
0xa4: {  	s25 =	simm.s32 $0x1B8E;
	s24 =	sld [smem:$0x3FFE];
	[sflag:s23] =	ssyncadd.s32 $0xFFFFFFFF  }
0xa5: {  	s26 =	simm.s32 $execute0_lowered;
	[smem:$0x3FD2] =	sst s25  }
0xa6: {  	s4 =	sshll.u32 s26, $0x1;
	_ =	strace $0x80000049;
	[dreg:$0x1] =	wrdreg $0xFFFFFFFF  }
0xa7: {  	s28 =	simm.s32 $_size_execute0_lowered;
	s2 =	sadd.s32 s2, s4;
	[dreg:$0x0] =	wrdreg $0x0  }
0xa8: {  	s4 =	sshll.u32 s28, $0x1;
	[dreg:$0x2] =	wrdreg s2  }
0xa9: {  	[dreg:$0x3] =	wrdreg s4  }
0xaa: {  	[dreg:$0x4] =	wrdreg $0xC0  }
0xab: {  	_ =	task [dreg:s6], $0x5FFFF  }
0xac: {  	[dreg:$0x1] =	wrdreg $0xFFFFFFFF  }
0xad: {  	[dreg:$0x0] =	wrdreg $0x60  }
0xae: {  	[dreg:$0x2] =	wrdreg s24  }
0xaf: {  	[dreg:$0x3] =	wrdreg $0x14F000  }
0xb0: {  	[dreg:$0x4] =	wrdreg $0x9  }
0xb1: {  	_ =	task.clear_ibuf [dreg:s6], $0x5FFFF;
	_ =	strace $0x90000049  }
0xb2: {  	s29 =	simm.s32 $0x9;
	_ =	strace $0x8000004B  }
0xb3: {  	_ =	swait.ge [sflag:s29], $0x1  }
0xb4: {  	[sflag:s29] =	ssyncadd.s32 $0xFFFFFFFF  }
0xb5: {  	_ =	strace $0x9000004B  }
0xb6: {  	_ =	sfence  }
0xb7: {  	s30 =	sld [smem:$0x0];
	_ =	sdelay $0x2  }
0xb8: {  	s31 =	sshll.u32 s1, $0xD;
	s1 =	sshrl.u32 s1, $0x2  }
0xb9: {  	s3 =	sand.u32 $0x4000, s31;
	s1 =	sadd.s32 s1, s30  }
0xba: {  	s0 =	sor.u32 s3, s0;
	s1 =	sshll.u32 s1, $0x11  }
0xbb: {  	s0 =	sor.u32 s1, s0  }
0xbc: {  	s0 =	sadd.s32 $0x8F2B, s0  }
0xbd: {  	[sflag:s0] =	ssyncadd.remote.s32 $0x1  }
0xbe: {  	_ =	sfence.sel $0xFFFF  }
0xbf: {  	[dreg:$0x0] =	wrdreg $0xFFFFFFFF;
	(pc) =	sbr.abs _section_cstart, $3  }
0xc0: {  	[dreg:$0x1] =	wrdreg $0xFFFFFFFF  }
0xc1: {  	_ =	task.clear_ibuf [dreg:s6], $0x2FFFF;
	_ =	strace $0x9FFFFFFF  }
0xc2: {  	(tm) =	ssettm $0x7FFFFFFF  }
0xc3: {  	_ =	shalt  }
tec
execute0_lowered:
.L_overlay_start_1:
0x0: {  	(tag) =	ssettag $0x1  }
0x1: {  	s0 =	srdreg.scid  }
0x2: {  	s1 =	rddreg [dreg:$0x0];
	s8 =	stileid.u32  }
0x3: {  	s2 =	rddreg [dreg:$0x1];
	s10 =	simm.s32 $0x18;
	s11 =	simm.s32 $0x11  }
0x4: {  	s17 =	simm.s32 $0x1;
	s12 =	simm.s32 $0x13;
	s13 =	simm.s32 $0x14  }
0x5: {  	s14 =	simm.s32 $0x15;
	s15 =	simm.s32 $0x16;
	s16 =	simm.s32 $0x17  }
0x6: {  	s22 =	simm.s32 $0x80;
	s0 =	sand.u32 $0x1, s0;
	s6 =	smul.u32 $0x4F00, s8  }
0x7: {  	s28 =	simm.s32 $0x0;
	s3 =	sshll.u32 s0, $0x4;
	s26 =	smul.u32 $0x4F000, s0  }
0x8: {  	s0 =	ssub.s32 $0x2, s0;
	s20 =	sor.u32 s8, s3;
	s3 =	simm.s32 $0x0  }
0x9: {  	s29 =	sshrl.u32 s6, $0x3;
	s30 =	sshrl.u32 s0, $0x1;
	s21 =	sadd.s32 s6, s2  }
0xa: {  	s8 =	sshll.u32 s8, $0x6;
	s4 =	smul.u32 $0x4E, s20;
	s5 =	smin.u32 s20, $0x4  }
0xb: {  	[smem:$0x7FF] =	sst s3;
	s0 =	ssub.s32 s0, s30;
	p0 =	slt.u32 s20, $0x4  }
0xc: {  	_ =	strace $0x8000004A;
	s10 =	simm.s32 @!p0 $0x17;
	s11 =	simm.s32 @!p0 $0x18  }
0xd: {  	s17 =	simm.s32 @!p0 $0x0;
	s12 =	simm.s32 @!p0 $0x12;
	s13 =	simm.s32 @!p0 $0x13  }
0xe: {  	s14 =	simm.s32 @!p0 $0x14;
	s15 =	simm.s32 @!p0 $0x15;
	s4 =	sadd.s32 s5, s4  }
0xf: {  	s16 =	simm.s32 @!p0 $0x16;
	s5 =	sadd.s32 s6, s26;
	s7 =	sshll.u32 s4, $0x4  }
0x10: {  	s4 =	sadd.s32 $0x20A00, s1;
	s5 =	sshrl.u32 s5, $0x3;
	s9 =	sadd.s32 s7, s1  }
0x11: {  	s7 =	sadd.s32 s29, s1;
	s1 =	sadd.s32 s5, s1;
	s5 =	simm.s32 $0x4F  }
0x12: {  	s19 =	smax.u32 s0, $0x1;
	s17 =	sadd.s32 $0x11, s17;
	s5 =	simm.s32 @!p0 $0x4E  }
0x13: {  	s31 =	sadd.s32 $0x16C00, s7;
	s7 =	sor.u32 $0x1C19, s8;
	s8 =	sadd.s32 $0xCE00, s9  }
0x14: {  	s9 =	sadd.s32 $0x3000, s9;
	s18 =	sadd.s32 $0x2A800, s1;
	p0 =	sgt.u32 s20, $0x3  }
0x15: {  	s20 =	sshrl.u32 s21, $0x3;
	s21 =	simm.s32 $0x19;
	[dreg:$0x3] =	wrdreg s31  }
.LBB2_1:
0x16: {  	s0 =	rddreg [dreg:$0x3]  }
0x17: {  	[spmem:s20], [sflag:s7] =	dma.local [hbm:s0], $0x9E0  }
0x18: {  	_ =	swait.ge [sflag:s21], $0x9E0  }
0x19: {  	[sflag:s21] =	ssyncset.done $0x0  }
0x1a: {  	s1 =	simm.s32 @p0 $0x19;
	s0 =	simm.s32 @p0 $0x0;
	[sflag:s21] =	ssyncadd.s32 $0xFFFFF620  }
0x1b: {  	[tilespmem:s0], [sflag:$0x19] =	stream.linear.gather @p0 [hbm4b:s8+s0], $0x2700, $0x38;
	[tilespmem:$0x19E00] =	vst v63  }
0x1c: {  	_ =	swait.ge @p0 [sflag:s1], $0x2700  }
0x1d: {  	[sflag:s1] =	ssyncset.done @p0 $0x0  }
0x1e: {  	s23 =	simm.s32 @p0 $0x2780;
	[sflag:s1] =	ssyncadd.s32 @p0 $0xFFFFD900  }
0x1f: {  	[tilespmem:s23], [sflag:$0x19] =	stream.linear.gather @p0 [hbm4b:s9+s0], $0x2700, $0x38;
	[tilespmem:$0x19E00] =	vst v63  }
0x20: {  	_ =	swait.ge @p0 [sflag:s1], $0x2700  }
0x21: {  	[sflag:s1] =	ssyncset.done @p0 $0x0  }
0x22: {  	s0 =	simm.s32 @!p0 $0x0;
	[sflag:s1] =	ssyncadd.s32 @p0 $0xFFFFD900;
	s1 =	simm.s32 @!p0 $0x19  }
0x23: {  	[tilespmem:s0], [sflag:$0x19] =	stream.linear.gather @!p0 [hbm4b:s8+s0], $0x2780, $0x38;
	[tilespmem:$0x19E00] =	vst v63  }
0x24: {  	_ =	swait.ge @!p0 [sflag:s1], $0x2780  }
0x25: {  	[sflag:s1] =	ssyncset.done @!p0 $0x0  }
0x26: {  	s23 =	simm.s32 @!p0 $0x2780;
	[sflag:s1] =	ssyncadd.s32 @!p0 $0xFFFFD880  }
0x27: {  	[tilespmem:s23], [sflag:$0x19] =	stream.linear.gather @!p0 [hbm4b:s9+s0], $0x2780, $0x38;
	[tilespmem:$0x19E00] =	vst v63  }
0x28: {  	_ =	swait.ge @!p0 [sflag:s1], $0x2780  }
0x29: {  	[sflag:s1] =	ssyncset.done @!p0 $0x0  }
0x2a: {  	[sflag:s1] =	ssyncadd.s32 @!p0 $0xFFFFD880  }
0x2b: {  	s1 =	simm.s32 $0x4F00;
	[bflag:$0x0] =	sbarrier.arrive $0xFFFF  }
0x2c: {  	[tilespmem:s1], [sflag:$0x1] =	stream.indirect.gather [hbm4b:s4+s22], $0x20, s3, s22, $0xb8;
	[tilespmem:$0x19E00] =	vst v63  }
0x2d: {  	s6 =	simm.s32 $0x5F00  }
0x2e: {  	[tilespmem:s6], [sflag:$0x2] =	stream.indirect.gather [hbm4b:s4+s22], $0x20, s22, s22, $0xb8;
	[tilespmem:$0x19E00] =	vst v63  }
0x2f: {  	s24 =	simm.s32 $0x6F00;
	s23 =	simm.s32 $0x100  }
0x30: {  	[tilespmem:s24], [sflag:$0x3] =	stream.indirect.gather [hbm4b:s4+s22], $0x20, s23, s22, $0xb8;
	[tilespmem:$0x19E00] =	vst v63  }
0x31: {  	s25 =	simm.s32 $0x180;
	s26 =	simm.s32 $0x7F00  }
0x32: {  	[tilespmem:s26], [sflag:$0x4] =	stream.indirect.gather [hbm4b:s4+s22], $0x20, s25, s22, $0xb8;
	[tilespmem:$0x19E00] =	vst v63  }
0x33: {  	s1 =	simm.s32 $0x200;
	s6 =	simm.s32 $0x8F00  }
0x34: {  	[tilespmem:s6], [sflag:$0x5] =	stream.indirect.gather [hbm4b:s4+s22], $0x20, s1, s22, $0xb8;
	[tilespmem:$0x19E00] =	vst v63  }
0x35: {  	s23 =	simm.s32 $0x280;
	s24 =	simm.s32 $0x9F00  }
0x36: {  	[tilespmem:s24], [sflag:$0x6] =	stream.indirect.gather [hbm4b:s4+s22], $0x20, s23, s22, $0xb8;
	[tilespmem:$0x19E00] =	vst v63  }
0x37: {  	s25 =	simm.s32 $0x300;
	s26 =	simm.s32 $0xAF00;
	s24 =	sand.u32 $0xF, s3  }
0x38: {  	[tilespmem:s26], [sflag:$0x7] =	stream.indirect.gather [hbm4b:s4+s22], $0x20, s25, s22, $0xb8;
	[tilespmem:$0x19E00] =	vst v63  }
0x39: {  	s6 =	simm.s32 $0x380;
	s23 =	simm.s32 $0xBF00;
	s25 =	sadd.s32 $0x1, s24  }
0x3a: {  	[tilespmem:s23], [sflag:$0x8] =	stream.indirect.gather [hbm4b:s4+s22], $0x20, s6, s22, $0xb8;
	[tilespmem:$0x19E00] =	vst v63  }
0x3b: {  	p1 =	por $0x1, $0x1;
	_ =	swait.ge [sflag:s25], $0x1000  }
0x3c: {  	s23 =	sand.u32 @!p1 $0x7, s3;
	[sflag:s25] =	ssyncset.done $0x0  }
0x3d: {  	s1 =	sadd.s32 @!p1 $0x11, s23;
	[sflag:s25] =	ssyncadd.s32 $0xFFFFF000  }
0x3e: {  	s29 =	simm.s32 $0x8;
	p2 =	sle.u32 s5, $0x8;
	_ =	swait.ge @!p1 [sflag:s1], $0x1000  }
0x3f: {  	s31 =	simm.s32 $0x2800;
	s29 =	sand.u32 @!p2 $0xF, s29;
	[sflag:s1] =	ssyncset.done @!p1 $0x0  }
0x40: {  	s30 =	sshll.u32 @!p2 s29, $0xC;
	[sflag:s1] =	ssyncadd.s32 @!p1 $0xFFFFF000;
	p1 =	sne.s32 s5, $0x1  }
.Ltmp0:
0x41: {  	s29 =	sadd.s32 @!p2 $0x1, s29;
	s0 =	sshll.u32 s24, $0xC;
	(pc) =	sbr.rel @!p1 .LBB2_3-.Ltmp0, $4  }
0x42: {  	s23 =	simm.s32 $0x400;
	s1 =	sadd.s32 @!p2 $0x4F00, s30;
	s30 =	simm.s32 @!p2 $0x80  }
0x43: {  	[tilespmem:s1], [sflag:s29] =	stream.indirect.gather @!p2 [hbm4b:s4+s30], $0x20, s23, s30, $0xb8;
	[tilespmem:$0x19E00] =	vst v63  }
0x44: {  	s26 =	sand.u32 $0x7, s3;
	s0 =	sadd.s32 $0x4F00, s0;
	s30 =	simm.s32 $0x2780  }
0x45: {  	s29 =	simm.s32 $0x480;
	s1 =	simm.s32 $0x1;
	s23 =	sadd.s32 $0x11, s26  }
.LBB2_2:
0x46: {  	[spmem:s2] =	stream.indirect.scatter.add.f32 [tilespmem:s0], [sflag:s23], $0x20, s30, s22, $0xb8;
	[tilespmem:$0x19E00] =	vst v63  }
0x47: {  	s0 =	smov.u32 s29;
	s30 =	smov.u32 s31;
	_ =	sdelay $0x2  }
0x48: {  	s23 =	sand.u32 $0xF, s1;
	s29 =	sadd.s32 $0x80, s29  }
0x49: {  	s31 =	sadd.s32 $0x80, s31;
	s24 =	sshll.u32 s23, $0xC;
	s23 =	sadd.s32 $0x1, s23  }
0x4a: {  	p1 =	slt.u32 s1, $0x8;
	s25 =	sand.u32 $0x7, s1;
	_ =	swait.ge [sflag:s23], $0x1000  }
0x4b: {  	s26 =	sand.u32 @!p1 $0x7, s1;
	s1 =	sadd.s32 $0x8, s1;
	[sflag:s23] =	ssyncset.done $0x0  }
0x4c: {  	p2 =	sge.u32 s1, s5;
	[sflag:s23] =	ssyncadd.s32 $0xFFFFF000;
	s23 =	sadd.s32 @!p1 $0x11, s26  }
0x4d: {  	s26 =	sand.u32 @!p2 $0xF, s1;
	s1 =	sadd.s32 $0xFFFFFFF9, s1;
	_ =	swait.ge @!p1 [sflag:s23], $0x1000  }
0x4e: {  	s6 =	sshll.u32 @!p2 s26, $0xC;
	s26 =	sadd.s32 @!p2 $0x1, s26;
	[sflag:s23] =	ssyncset.done @!p1 $0x0  }
0x4f: {  	[sflag:s23] =	ssyncadd.s32 @!p1 $0xFFFFF000;
	p1 =	sne.s32 s1, s5  }
.Ltmp1:
0x50: {  	_ = 	snop;
	(pc) =	sbr.rel @p1 .LBB2_2-.Ltmp1, $4  }
0x51: {  	_ = 	snop  }
0x52: {  	s6 =	sadd.s32 @!p2 $0x4F00, s6;
	s23 =	simm.s32 @!p2 $0x80  }
0x53: {  	[tilespmem:s6], [sflag:s26] =	stream.indirect.gather @!p2 [hbm4b:s4+s23], $0x20, s0, s23, $0xb8;
	[tilespmem:$0x19E00] =	vst v63  }
0x54: {  	s0 =	sadd.s32 $0x4F00, s24;
	s23 =	sadd.s32 $0x11, s25  }
.LBB2_3:
0x55: {  	[spmem:s2] =	stream.indirect.scatter.add.f32 [tilespmem:s0], [sflag:s23], $0x20, s30, s22, $0xb8;
	[tilespmem:$0x19E00] =	vst v63  }
0x56: {  	_ =	swait.ge [sflag:s10], $0x1000  }
0x57: {  	[sflag:s10] =	ssyncset.done $0x0  }
0x58: {  	[sflag:s10] =	ssyncadd.s32 $0xFFFFF000  }
0x59: {  	_ =	swait.ge [sflag:s11], $0x1000  }
0x5a: {  	[sflag:s11] =	ssyncset.done $0x0  }
0x5b: {  	[sflag:s11] =	ssyncadd.s32 $0xFFFFF000  }
0x5c: {  	_ =	swait.ge [sflag:s17], $0x1000  }
0x5d: {  	[sflag:s17] =	ssyncset.done $0x0  }
0x5e: {  	[sflag:s17] =	ssyncadd.s32 $0xFFFFF000  }
0x5f: {  	_ =	swait.ge [sflag:s12], $0x1000  }
0x60: {  	[sflag:s12] =	ssyncset.done $0x0  }
0x61: {  	[sflag:s12] =	ssyncadd.s32 $0xFFFFF000  }
0x62: {  	_ =	swait.ge [sflag:s13], $0x1000  }
0x63: {  	[sflag:s13] =	ssyncset.done $0x0  }
0x64: {  	[sflag:s13] =	ssyncadd.s32 $0xFFFFF000  }
0x65: {  	_ =	swait.ge [sflag:s14], $0x1000  }
0x66: {  	[sflag:s14] =	ssyncset.done $0x0  }
0x67: {  	[sflag:s14] =	ssyncadd.s32 $0xFFFFF000  }
0x68: {  	_ =	swait.ge [sflag:s15], $0x1000  }
0x69: {  	[sflag:s15] =	ssyncset.done $0x0  }
0x6a: {  	[sflag:s15] =	ssyncadd.s32 $0xFFFFF000  }
0x6b: {  	_ =	swait.ge [sflag:s16], $0x1000  }
0x6c: {  	s28 =	sadd.s32 $0x1, s28;
	[sflag:s16] =	ssyncset.done $0x0  }
0x6d: {  	p1 =	sne.s32 s28, s19;
	[sflag:s16] =	ssyncadd.s32 $0xFFFFF000  }
.Ltmp2:
0x6e: {  	[bflag:$0x0] =	sbarrier.arrive $0xFFFF;
	(pc) =	sbr.rel @p1 .LBB2_1-.Ltmp2, $4  }
0x6f: {  	[hbm:s18], [sflag:s7] =	dma.local [spmem:s20], $0x9E0  }
0x70: {  	_ =	swait.ge [sflag:s21], $0x9E0  }
0x71: {  	[sflag:s21] =	ssyncset.done $0x0  }
0x72: {  	[sflag:s21] =	ssyncadd.s32 $0xFFFFF620  }
0x73: {  	_ =	sfence.sel $0x180000  }
0x74: {  	[bflag:$0x0] =	sbarrier.arrive $0xFFFF  }
0x75: {  	_ =	strace $0x9000004A  }
0x76: {  	s0 =	stileid.u32;
	[bflag:$0x2] =	sbarrier.arrive $0xFFFF  }
0x77: {  	p0 =	sne.s32 s0, $0x0;
	s0 =	rddreg [dreg:$0x2]  }
0x78: {  	s0 =	sadd.s32 @!p0 $0x100000, s0  }
0x79: {  	[sflag:s0] =	ssyncadd.tile.s32 @!p0 $0x1;
	_ =	shalt  }
.Lfunc_end2:
_tile_overlayer_lowered:
.L_overlay_start_2:
0x7a: {  	(tag) =	ssettag $0x2  }
0x7b: {  	s0 =	rddreg [dreg:$0x0];
	s2 =	stileid.u32  }
0x7c: {  	s1 =	rddreg [dreg:$0x1];
	p0 =	sne.s32 s2, $0x0  }
0x7d: {  	s3 =	rddreg [dreg:$0x2];
	[bflag:$0x3] =	sbarrier.arrive $0xFFFF;
	s2 =	simm.s32 @!p0 $0x1C19  }
0x7e: {  	[timem:s3], [sflag:s2] =	dma.local @!p0 [hbm:s0], s1  }
0x7f: {  	s0 =	simm.s32 @!p0 $0x19  }
0x80: {  	_ =	swait.ge @!p0 [sflag:s0], s1  }
0x81: {  	s1 =	ssub.s32 @!p0 $0x0, s1;
	[sflag:s0] =	ssyncset.done @!p0 $0x0  }
0x82: {  	[sflag:s0] =	ssyncadd.s32 @!p0 s1  }
0x83: {  	[bflag:$0x3] =	sbarrier.arrive $0xFFFF  }
0x84: {  	_ =	shalt  }

// kernel: kernel.16.cloned.1.call-start
scs
__scs_entry_jumppad:
0x0: {  	(pc) =	sbr.rel $0x88, $3  }
0x1: {  	(tag) =	ssettag $0x0;
	lr =	simm.s32 $0x1  }
0x2: {  	[smem:$0x3F99] =	sst lr;
	_ =	strace $0xD0000000  }
0x3: {  	_ = 	snop  }
0x4: {  	_ = 	snop  }
0x5: {  	_ = 	snop  }
0x6: {  	_ = 	snop  }
0x7: {  	_ = 	snop  }
__scs_overlays_trampoline_lowered:
0x8: {  	[smem:$0x3FA8] =	sst s0  }
0x9: {  	[smem:$0x3FA9] =	sst s1  }
0xa: {  	[smem:$0x3FAA] =	sst s2  }
0xb: {  	[smem:$0x3FAB] =	sst s3  }
0xc: {  	[smem:$0x3FAC] =	sst s4  }
0xd: {  	[smem:$0x3FAD] =	sst s5  }
0xe: {  	[smem:$0x3FAE] =	sst s6  }
0xf: {  	[smem:$0x3FAF] =	sst s7  }
0x10: {  	[smem:$0x3FB0] =	sst s8  }
0x11: {  	[smem:$0x3FB1] =	sst s9;
	s0 =	simm.s32 @!p0 $0x0  }
0x12: {  	s1 =	sld [smem:$0x3F97];
	s0 =	simm.s32 @p0 $0x1  }
0x13: {  	[smem:$0x3FB2] =	sst s0;
	s0 =	simm.s32 @!p1 $0x0  }
0x14: {  	s2 =	sld [smem:$0x3F96];
	s0 =	simm.s32 @p1 $0x1  }
0x15: {  	[smem:$0x3FB3] =	sst s0;
	s0 =	simm.s32 @!p2 $0x0  }
0x16: {  	s3 =	sld [smem:$0x3FDB];
	s0 =	simm.s32 @p2 $0x1  }
0x17: {  	s4 =	simm.s32 $0x1BF5;
	[smem:$0x3FB5] =	sst s0  }
0x18: {  	s0 =	sld [smem:$0x3F98];
	_ =	swait.ge [sflag:s4], $0x0  }
0x19: {  	s7 =	sld [smem:$0x3F99]  }
0x1a: {  	s8 =	sadd.s32 $0xFFFFE003, lr  }
0x1b: {  	s9 =	sadd.s32 $0xFFFFFEF7, lr;
	s5 =	simm.s32 $0xFFFFFFFF;
	p2 =	slt.u32 s8, $0xFFFFF086  }
0x1c: {  	p1 =	slt.u32 s9, $0xF7A;
	s5 =	simm.s32 @!p2 $0x0  }
0x1d: {  	s5 =	simm.s32 @p1 $0x1;
	p0 =	seq.s32 s7, s2  }
0x1e: {  	s7 =	smul.u32 @!p0 $0xF7A, s2;
	p2 =	seq.s32 @!p0 s5, $0x0  }
0x1f: {  	s9 =	smul.u32 $0xF7A, s1;
	s8 =	simm.s32 @!p0 $0x1BF5;
	p2 =	por !p2, p0  }
0x20: {  	[sflag:s8] =	ssyncset.s32 @!p0 $0xFFFFF086;
	s6 =	sadd.s32 @!p0 s3, s7;
	s7 =	simm.s32 @!p0 $0x108  }
0x21: {  	s3 =	sadd.s32 s3, s9;
	s6 =	sadd.s32 @!p0 $0x88, s6;
	s7 =	simm.s32 @p2 $0x1082  }
0x22: {  	[simem:s7], [sflag:s8] =	dma.local @!p0 [hbm:s6], $0xF7A  }
0x23: {  	s9 =	sor.u32 $0xD0000000, s2;
	s6 =	simm.s32 $0x108;
	_ =	swait.ge @!p0 [sflag:s8], $0x0  }
0x24: {  	s3 =	sadd.s32 $0x88, s3;
	s6 =	simm.s32 @!p1 $0x1082;
	[sflag:s4] =	ssyncset.s32 $0xFFFFF086  }
0x25: {  	[simem:s6], [sflag:s4] =	dma.local [hbm:s3], $0xF7A  }
0x26: {  	[smem:$0x3F99] =	sst s1;
	(tag) =	ssettag s2;
	_ =	strace s9  }
0x27: {  	s1 =	sld [smem:$0x3FA9]  }
0x28: {  	s2 =	sld [smem:$0x3FAA]  }
0x29: {  	s4 =	sld [smem:$0x3FAC]  }
0x2a: {  	p0 =	seq.s32 s5, $0x0;
	s5 =	sld [smem:$0x3FAD]  }
0x2b: {  	s6 =	sld [smem:$0x3FAE]  }
0x2c: {  	s7 =	sld [smem:$0x3FAF]  }
0x2d: {  	s3 =	simm.s32 $0x108;
	s8 =	sld [smem:$0x3FB0]  }
0x2e: {  	s3 =	simm.s32 @!p0 $0x1082;
	s9 =	sld [smem:$0x3FB1]  }
0x2f: {  	lr =	sadd.s32 s0, s3;
	s0 =	sld [smem:$0x3FA8]  }
0x30: {  	s3 =	sld [smem:$0x3FAB]  }
0x31: {  	[smem:$0x3FB4] =	sst s10  }
0x32: {  	s10 =	sld [smem:$0x3FB2];
	_ =	sdelay $0x3  }
0x33: {  	p0 =	seq.s32 s10, $0x1;
	s10 =	sld [smem:$0x3FB4];
	_ =	sdelay $0x3  }
0x34: {  	[smem:$0x3FB4] =	sst s10  }
0x35: {  	s10 =	sld [smem:$0x3FB3];
	_ =	sdelay $0x3  }
0x36: {  	p1 =	seq.s32 s10, $0x1;
	s10 =	sld [smem:$0x3FB4];
	_ =	sdelay $0x3  }
0x37: {  	[smem:$0x3FB4] =	sst s10  }
0x38: {  	s10 =	sld [smem:$0x3FB5]  }
0x39: {  	_ = 	snop;
	(pc) =	sbr.ind lr, $3  }
0x3a: {  	_ = 	snop  }
0x3b: {  	_ = 	snop  }
0x3c: {  	p2 =	seq.s32 s10, $0x1;
	s10 =	sld [smem:$0x3FB4]  }
0x3d: {  	_ =	shalt  }
0x3e: {  	_ =	shalt  }
0x3f: {  	_ =	shalt  }
0x40: {  	_ =	shalt  }
0x41: {  	_ =	shalt  }
0x42: {  	_ =	shalt  }
0x43: {  	_ =	shalt  }
0x44: {  	_ =	shalt  }
0x45: {  	_ =	shalt  }
0x46: {  	_ =	shalt  }
0x47: {  	_ =	shalt  }
0x48: {  	_ =	shalt  }
0x49: {  	_ =	shalt  }
0x4a: {  	_ =	shalt  }
0x4b: {  	_ =	shalt  }
0x4c: {  	_ =	shalt  }
0x4d: {  	_ =	shalt  }
0x4e: {  	_ =	shalt  }
0x4f: {  	_ =	shalt  }
0x50: {  	_ =	shalt  }
0x51: {  	_ =	shalt  }
0x52: {  	_ =	shalt  }
0x53: {  	_ =	shalt  }
0x54: {  	_ =	shalt  }
0x55: {  	_ =	shalt  }
0x56: {  	_ =	shalt  }
0x57: {  	_ =	shalt  }
0x58: {  	_ =	shalt  }
0x59: {  	_ =	shalt  }
0x5a: {  	_ =	shalt  }
0x5b: {  	_ =	shalt  }
0x5c: {  	_ =	shalt  }
0x5d: {  	_ =	shalt  }
0x5e: {  	_ =	shalt  }
0x5f: {  	_ =	shalt  }
0x60: {  	_ =	shalt  }
0x61: {  	_ =	shalt  }
0x62: {  	_ =	shalt  }
0x63: {  	_ =	shalt  }
0x64: {  	_ =	shalt  }
0x65: {  	_ =	shalt  }
0x66: {  	_ =	shalt  }
0x67: {  	_ =	shalt  }
0x68: {  	_ =	shalt  }
0x69: {  	_ =	shalt  }
0x6a: {  	_ =	shalt  }
0x6b: {  	_ =	shalt  }
0x6c: {  	_ =	shalt  }
0x6d: {  	_ =	shalt  }
0x6e: {  	_ =	shalt  }
0x6f: {  	_ =	shalt  }
0x70: {  	_ =	shalt  }
0x71: {  	_ =	shalt  }
0x72: {  	_ =	shalt  }
0x73: {  	_ =	shalt  }
0x74: {  	_ =	shalt  }
0x75: {  	_ =	shalt  }
0x76: {  	_ =	shalt  }
0x77: {  	_ =	shalt  }
0x78: {  	_ =	shalt  }
0x79: {  	_ =	shalt  }
0x7a: {  	_ =	shalt  }
0x7b: {  	_ =	shalt  }
0x7c: {  	_ =	shalt  }
0x7d: {  	_ =	shalt  }
0x7e: {  	_ =	shalt  }
0x7f: {  	_ =	shalt  }
0x80: {  	_ =	shalt  }
0x81: {  	_ =	shalt  }
0x82: {  	_ =	shalt  }
0x83: {  	_ =	shalt  }
0x84: {  	_ =	shalt  }
0x85: {  	_ =	shalt  }
0x86: {  	_ =	shalt  }
0x87: {  	_ =	shalt  }
.Lfunc_end0:
.L_simem_size_0:
called_computation.2_lowered:
.L_overlay_start_0:
0x88: {  	s2 =	sld [smem:$0x3FD9]  }
0x89: {  	s3 =	sld [smem:$0x3FFE];
	_ =	sdelay $0x1  }
0x8a: {  	s1 =	srdreg.scid  }
0x8b: {  	s0 =	sand.u32 $0x1, s1  }
0x8c: {  	s17 =	sshll.u32 s0, $0xA;
	s2 =	sadd.s32 s3, s2  }
0x8d: {  	s2 =	sadd.s32 s2, s17  }
0x8e: {  	[smem:$0x3FC0] =	sst s2  }
0x8f: {  	_ = 	snop  }
0x90: {  	s2 =	sld [smem:$0x3FD0];
	(tm) =	ssettm $0x1  }
0x91: {  	s18 =	sld [smem:$0x3FFB];
	_ =	sdelay $0x3  }
0x92: {  	_ =	strace s18  }
0x93: {  	s3 =	sld [smem:$0x3FFC];
	_ =	sdelay $0x3  }
0x94: {  	_ =	strace s3  }
0x95: {  	s3 =	sld [smem:$0x3FFD];
	_ =	sdelay $0x3  }
0x96: {  	_ =	strace s3  }
0x97: {  	_ =	strace $0x8FFFFFFF  }
0x98: {  	s19 =	sld [smem:$0x3FDB];
	_ =	sdelay $0x1  }
0x99: {  	s4 =	simm.s32 $_scs_section_size  }
0x9a: {  	s5 =	simm.s32 $_size__tile_overlayer_lowered;
	s6 =	simm.s32 $_tile_overlayer_lowered  }
0x9b: {  	s22 =	simm.s32 $0x1BFF;
	s21 =	sshll.u32 s6, $0x1;
	s3 =	sadd.s32 s4, s19  }
0x9c: {  	s7 =	simm.s32 $0x0;
	s20 =	sshll.u32 s5, $0x1;
	s5 =	sadd.s32 s21, s3  }
0x9d: {  	[timem:s7], [sflag:s22] =	dma.local [hbm:s5], s20  }
0x9e: {  	_ =	swait.ge [sflag:s22], s20  }
0x9f: {  	s4 =	ssub.s32 $0x0, s20;
	[sflag:s22] =	ssyncset.done $0x0  }
0xa0: {  	[sflag:s22] =	ssyncadd.s32 s4;
	_ =	sdelay $0x1  }
0xa1: {  	s23 =	simm.s32 $0x1B8B  }
0xa2: {  	_ =	swait.ge [sflag:s23], $0x1  }
0xa3: {  	[sflag:s23] =	ssyncset.done $0x0  }
0xa4: {  	s25 =	simm.s32 $0x1B8E;
	s24 =	sld [smem:$0x3FFE];
	[sflag:s23] =	ssyncadd.s32 $0xFFFFFFFF  }
0xa5: {  	s26 =	simm.s32 $execute0_lowered;
	[smem:$0x3FD2] =	sst s25  }
0xa6: {  	s5 =	sshll.u32 s26, $0x1;
	_ =	strace $0x8000004C;
	[dreg:$0x1] =	wrdreg $0xFFFFFFFF  }
0xa7: {  	s28 =	simm.s32 $_size_execute0_lowered;
	s3 =	sadd.s32 s3, s5;
	[dreg:$0x0] =	wrdreg $0x0  }
0xa8: {  	s5 =	sshll.u32 s28, $0x1;
	[dreg:$0x2] =	wrdreg s3  }
0xa9: {  	[dreg:$0x3] =	wrdreg s5  }
0xaa: {  	[dreg:$0x4] =	wrdreg $0xC0  }
0xab: {  	_ =	task [dreg:s7], $0x5FFFF  }
0xac: {  	[dreg:$0x1] =	wrdreg $0xFFFFFFFF  }
0xad: {  	[dreg:$0x0] =	wrdreg $0x60  }
0xae: {  	[dreg:$0x2] =	wrdreg s24  }
0xaf: {  	[dreg:$0x3] =	wrdreg s2  }
0xb0: {  	[dreg:$0x4] =	wrdreg $0xCF000  }
0xb1: {  	[dreg:$0x5] =	wrdreg $0x9  }
0xb2: {  	_ =	task.clear_ibuf [dreg:s7], $0x6FFFF;
	_ =	strace $0x9000004C  }
0xb3: {  	s29 =	simm.s32 $0x9;
	_ =	strace $0x8000004E  }
0xb4: {  	_ =	swait.ge [sflag:s29], $0x1  }
0xb5: {  	[sflag:s29] =	ssyncadd.s32 $0xFFFFFFFF  }
0xb6: {  	_ =	strace $0x9000004E  }
0xb7: {  	_ =	sfence  }
0xb8: {  	s30 =	sld [smem:$0x0];
	_ =	sdelay $0x2  }
0xb9: {  	s31 =	sshll.u32 s1, $0xD;
	s1 =	sshrl.u32 s1, $0x2  }
0xba: {  	s3 =	sand.u32 $0x4000, s31;
	s1 =	sadd.s32 s1, s30  }
0xbb: {  	s0 =	sor.u32 s3, s0;
	s1 =	sshll.u32 s1, $0x11  }
0xbc: {  	s0 =	sor.u32 s1, s0  }
0xbd: {  	s0 =	sadd.s32 $0x8F2B, s0  }
0xbe: {  	[sflag:s0] =	ssyncadd.remote.s32 $0x1  }
0xbf: {  	_ =	sfence.sel $0xFFFF  }
0xc0: {  	[dreg:$0x0] =	wrdreg $0xFFFFFFFF;
	(pc) =	sbr.abs _section_cstart, $3  }
0xc1: {  	[dreg:$0x1] =	wrdreg $0xFFFFFFFF  }
0xc2: {  	_ =	task.clear_ibuf [dreg:s7], $0x2FFFF;
	_ =	strace $0x9FFFFFFF  }
0xc3: {  	(tm) =	ssettm $0x7FFFFFFF  }
tec
execute0_lowered:
.L_overlay_start_1:
0x0: {  	(tag) =	ssettag $0x1  }
0x1: {  	s0 =	srdreg.scid  }
0x2: {  	s1 =	rddreg [dreg:$0x0];
	s11 =	stileid.u32  }
0x3: {  	s6 =	rddreg [dreg:$0x1];
	s3 =	simm.s32 $0x0;
	s17 =	simm.s32 $0x1  }
0x4: {  	s12 =	simm.s32 $0x13;
	s13 =	simm.s32 $0x14;
	s14 =	simm.s32 $0x15  }
0x5: {  	s15 =	simm.s32 $0x16;
	s16 =	simm.s32 $0x17;
	s22 =	simm.s32 $0x80  }
0x6: {  	s28 =	simm.s32 $0x0;
	s0 =	sand.u32 $0x1, s0;
	s7 =	smul.u32 $0x2780, s11  }
0x7: {  	[smem:$0x7FF] =	sst s3;
	s31 =	sshll.u32 s11, $0x6;
	s2 =	sshll.u32 s0, $0x4  }
0x8: {  	s8 =	smul.u32 $0x27800, s0;
	s0 =	ssub.s32 $0x2, s0;
	s20 =	sor.u32 s11, s2  }
0x9: {  	s2 =	rddreg [dreg:$0x2];
	_ =	strace $0x8000004D;
	s10 =	sshrl.u32 s0, $0x1  }
0xa: {  	s11 =	simm.s32 $0x11;
	s4 =	smul.u32 $0x4E, s20;
	s5 =	smin.u32 s20, $0x4  }
0xb: {  	s8 =	sadd.s32 s7, s8;
	p0 =	slt.u32 s20, $0x4;
	s0 =	ssub.s32 s0, s10  }
0xc: {  	s21 =	sadd.s32 s7, s2;
	s7 =	sshrl.u32 s7, $0x3;
	s10 =	simm.s32 $0x18  }
0xd: {  	s8 =	sshrl.u32 s8, $0x3;
	s6 =	sadd.s32 s6, s7;
	s7 =	sor.u32 $0x1C19, s31  }
0xe: {  	s10 =	simm.s32 @!p0 $0x17;
	s11 =	simm.s32 @!p0 $0x18;
	s17 =	simm.s32 @!p0 $0x0  }
0xf: {  	s12 =	simm.s32 @!p0 $0x12;
	s13 =	simm.s32 @!p0 $0x13;
	s14 =	simm.s32 @!p0 $0x14  }
0x10: {  	s15 =	simm.s32 @!p0 $0x15;
	s16 =	simm.s32 @!p0 $0x16;
	s5 =	sadd.s32 s5, s4  }
0x11: {  	s19 =	smax.u32 s0, $0x1;
	s4 =	sadd.s32 $0x16C00, s1;
	s5 =	sshll.u32 s5, $0x4  }
0x12: {  	[dreg:$0x4] =	wrdreg s6;
	s9 =	sadd.s32 s5, s1;
	s5 =	simm.s32 $0x4F  }
0x13: {  	s17 =	sadd.s32 $0x11, s17;
	s1 =	sadd.s32 s8, s1;
	s5 =	simm.s32 @!p0 $0x4E  }
0x14: {  	s8 =	sadd.s32 $0xCE00, s9;
	s9 =	sadd.s32 $0x3000, s9;
	s18 =	sadd.s32 $0x1BC00, s1  }
0x15: {  	p0 =	sgt.u32 s20, $0x3;
	s20 =	sshrl.u32 s21, $0x3;
	s21 =	simm.s32 $0x19  }
.LBB2_1:
0x16: {  	s0 =	rddreg [dreg:$0x4]  }
0x17: {  	[spmem:s20], [sflag:s7] =	dma.local [hbm:s0], $0x4F0  }
0x18: {  	_ =	swait.ge [sflag:s21], $0x4F0  }
0x19: {  	[sflag:s21] =	ssyncset.done $0x0  }
0x1a: {  	s1 =	simm.s32 @p0 $0x19;
	s0 =	simm.s32 @p0 $0x0;
	[sflag:s21] =	ssyncadd.s32 $0xFFFFFB10  }
0x1b: {  	[tilespmem:s0], [sflag:$0x19] =	stream.linear.gather @p0 [hbm4b:s8+s0], $0x2700, $0x38;
	[tilespmem:$0xF680] =	vst v63  }
0x1c: {  	_ =	swait.ge @p0 [sflag:s1], $0x2700  }
0x1d: {  	[sflag:s1] =	ssyncset.done @p0 $0x0  }
0x1e: {  	s23 =	simm.s32 @p0 $0x2780;
	[sflag:s1] =	ssyncadd.s32 @p0 $0xFFFFD900  }
0x1f: {  	[tilespmem:s23], [sflag:$0x19] =	stream.linear.gather @p0 [hbm4b:s9+s0], $0x2700, $0x38;
	[tilespmem:$0xF680] =	vst v63  }
0x20: {  	_ =	swait.ge @p0 [sflag:s1], $0x2700  }
0x21: {  	[sflag:s1] =	ssyncset.done @p0 $0x0  }
0x22: {  	s0 =	simm.s32 @!p0 $0x0;
	[sflag:s1] =	ssyncadd.s32 @p0 $0xFFFFD900;
	s1 =	simm.s32 @!p0 $0x19  }
0x23: {  	[tilespmem:s0], [sflag:$0x19] =	stream.linear.gather @!p0 [hbm4b:s8+s0], $0x2780, $0x38;
	[tilespmem:$0xF680] =	vst v63  }
0x24: {  	_ =	swait.ge @!p0 [sflag:s1], $0x2780  }
0x25: {  	[sflag:s1] =	ssyncset.done @!p0 $0x0  }
0x26: {  	s23 =	simm.s32 @!p0 $0x2780;
	[sflag:s1] =	ssyncadd.s32 @!p0 $0xFFFFD880  }
0x27: {  	[tilespmem:s23], [sflag:$0x19] =	stream.linear.gather @!p0 [hbm4b:s9+s0], $0x2780, $0x38;
	[tilespmem:$0xF680] =	vst v63  }
0x28: {  	_ =	swait.ge @!p0 [sflag:s1], $0x2780  }
0x29: {  	[sflag:s1] =	ssyncset.done @!p0 $0x0  }
0x2a: {  	[sflag:s1] =	ssyncadd.s32 @!p0 $0xFFFFD880  }
0x2b: {  	s1 =	simm.s32 $0x4F00;
	[bflag:$0x0] =	sbarrier.arrive $0xFFFF  }
0x2c: {  	[tilespmem:s1], [sflag:$0x1] =	stream.indirect.gather [hbm4b:s4+s22], $0x10, s3, s22, $0xb8;
	[tilespmem:$0xF680] =	vst v63  }
0x2d: {  	s6 =	simm.s32 $0x5700  }
0x2e: {  	[tilespmem:s6], [sflag:$0x2] =	stream.indirect.gather [hbm4b:s4+s22], $0x10, s22, s22, $0xb8;
	[tilespmem:$0xF680] =	vst v63  }
0x2f: {  	s24 =	simm.s32 $0x5F00;
	s23 =	simm.s32 $0x100  }
0x30: {  	[tilespmem:s24], [sflag:$0x3] =	stream.indirect.gather [hbm4b:s4+s22], $0x10, s23, s22, $0xb8;
	[tilespmem:$0xF680] =	vst v63  }
0x31: {  	s25 =	simm.s32 $0x180;
	s26 =	simm.s32 $0x6700  }
0x32: {  	[tilespmem:s26], [sflag:$0x4] =	stream.indirect.gather [hbm4b:s4+s22], $0x10, s25, s22, $0xb8;
	[tilespmem:$0xF680] =	vst v63  }
0x33: {  	s1 =	simm.s32 $0x200;
	s6 =	simm.s32 $0x6F00  }
0x34: {  	[tilespmem:s6], [sflag:$0x5] =	stream.indirect.gather [hbm4b:s4+s22], $0x10, s1, s22, $0xb8;
	[tilespmem:$0xF680] =	vst v63  }
0x35: {  	s23 =	simm.s32 $0x280;
	s24 =	simm.s32 $0x7700  }
0x36: {  	[tilespmem:s24], [sflag:$0x6] =	stream.indirect.gather [hbm4b:s4+s22], $0x10, s23, s22, $0xb8;
	[tilespmem:$0xF680] =	vst v63  }
0x37: {  	s25 =	simm.s32 $0x300;
	s26 =	simm.s32 $0x7F00;
	s24 =	sand.u32 $0xF, s3  }
0x38: {  	[tilespmem:s26], [sflag:$0x7] =	stream.indirect.gather [hbm4b:s4+s22], $0x10, s25, s22, $0xb8;
	[tilespmem:$0xF680] =	vst v63  }
0x39: {  	s6 =	simm.s32 $0x380;
	s23 =	simm.s32 $0x8700;
	s25 =	sadd.s32 $0x1, s24  }
0x3a: {  	[tilespmem:s23], [sflag:$0x8] =	stream.indirect.gather [hbm4b:s4+s22], $0x10, s6, s22, $0xb8;
	[tilespmem:$0xF680] =	vst v63  }
0x3b: {  	p1 =	por $0x1, $0x1;
	_ =	swait.ge [sflag:s25], $0x800  }
0x3c: {  	s23 =	sand.u32 @!p1 $0x7, s3;
	[sflag:s25] =	ssyncset.done $0x0  }
0x3d: {  	s1 =	sadd.s32 @!p1 $0x11, s23;
	[sflag:s25] =	ssyncadd.s32 $0xFFFFF800  }
0x3e: {  	s29 =	simm.s32 $0x8;
	p2 =	sle.u32 s5, $0x8;
	_ =	swait.ge @!p1 [sflag:s1], $0x800  }
0x3f: {  	s31 =	simm.s32 $0x2800;
	s29 =	sand.u32 @!p2 $0xF, s29;
	[sflag:s1] =	ssyncset.done @!p1 $0x0  }
0x40: {  	s30 =	sshll.u32 @!p2 s29, $0xB;
	[sflag:s1] =	ssyncadd.s32 @!p1 $0xFFFFF800;
	p1 =	sne.s32 s5, $0x1  }
.Ltmp0:
0x41: {  	s29 =	sadd.s32 @!p2 $0x1, s29;
	s0 =	sshll.u32 s24, $0xB;
	(pc) =	sbr.rel @!p1 .LBB2_3-.Ltmp0, $4  }
0x42: {  	s23 =	simm.s32 $0x400;
	s1 =	sadd.s32 @!p2 $0x4F00, s30;
	s30 =	simm.s32 @!p2 $0x80  }
0x43: {  	[tilespmem:s1], [sflag:s29] =	stream.indirect.gather @!p2 [hbm4b:s4+s30], $0x10, s23, s30, $0xb8;
	[tilespmem:$0xF680] =	vst v63  }
0x44: {  	s26 =	sand.u32 $0x7, s3;
	s0 =	sadd.s32 $0x4F00, s0;
	s30 =	simm.s32 $0x2780  }
0x45: {  	s29 =	simm.s32 $0x480;
	s1 =	simm.s32 $0x1;
	s23 =	sadd.s32 $0x11, s26  }
.LBB2_2:
0x46: {  	[spmem:s2] =	stream.indirect.scatter.add.f32 [tilespmem:s0], [sflag:s23], $0x10, s30, s22, $0xb8;
	[tilespmem:$0xF680] =	vst v63  }
0x47: {  	s0 =	smov.u32 s29;
	s30 =	smov.u32 s31;
	_ =	sdelay $0x2  }
0x48: {  	s23 =	sand.u32 $0xF, s1;
	s29 =	sadd.s32 $0x80, s29  }
0x49: {  	s31 =	sadd.s32 $0x80, s31;
	s24 =	sshll.u32 s23, $0xB;
	s23 =	sadd.s32 $0x1, s23  }
0x4a: {  	p1 =	slt.u32 s1, $0x8;
	s25 =	sand.u32 $0x7, s1;
	_ =	swait.ge [sflag:s23], $0x800  }
0x4b: {  	s26 =	sand.u32 @!p1 $0x7, s1;
	s1 =	sadd.s32 $0x8, s1;
	[sflag:s23] =	ssyncset.done $0x0  }
0x4c: {  	p2 =	sge.u32 s1, s5;
	[sflag:s23] =	ssyncadd.s32 $0xFFFFF800;
	s23 =	sadd.s32 @!p1 $0x11, s26  }
0x4d: {  	s26 =	sand.u32 @!p2 $0xF, s1;
	s1 =	sadd.s32 $0xFFFFFFF9, s1;
	_ =	swait.ge @!p1 [sflag:s23], $0x800  }
0x4e: {  	s6 =	sshll.u32 @!p2 s26, $0xB;
	s26 =	sadd.s32 @!p2 $0x1, s26;
	[sflag:s23] =	ssyncset.done @!p1 $0x0  }
0x4f: {  	[sflag:s23] =	ssyncadd.s32 @!p1 $0xFFFFF800;
	p1 =	sne.s32 s1, s5  }
.Ltmp1:
0x50: {  	_ = 	snop;
	(pc) =	sbr.rel @p1 .LBB2_2-.Ltmp1, $4  }
0x51: {  	_ = 	snop  }
0x52: {  	s6 =	sadd.s32 @!p2 $0x4F00, s6;
	s23 =	simm.s32 @!p2 $0x80  }
0x53: {  	[tilespmem:s6], [sflag:s26] =	stream.indirect.gather @!p2 [hbm4b:s4+s23], $0x10, s0, s23, $0xb8;
	[tilespmem:$0xF680] =	vst v63  }
0x54: {  	s0 =	sadd.s32 $0x4F00, s24;
	s23 =	sadd.s32 $0x11, s25  }
.LBB2_3:
0x55: {  	[spmem:s2] =	stream.indirect.scatter.add.f32 [tilespmem:s0], [sflag:s23], $0x10, s30, s22, $0xb8;
	[tilespmem:$0xF680] =	vst v63  }
0x56: {  	_ =	swait.ge [sflag:s10], $0x800  }
0x57: {  	[sflag:s10] =	ssyncset.done $0x0  }
0x58: {  	[sflag:s10] =	ssyncadd.s32 $0xFFFFF800  }
0x59: {  	_ =	swait.ge [sflag:s11], $0x800  }
0x5a: {  	[sflag:s11] =	ssyncset.done $0x0  }
0x5b: {  	[sflag:s11] =	ssyncadd.s32 $0xFFFFF800  }
0x5c: {  	_ =	swait.ge [sflag:s17], $0x800  }
0x5d: {  	[sflag:s17] =	ssyncset.done $0x0  }
0x5e: {  	[sflag:s17] =	ssyncadd.s32 $0xFFFFF800  }
0x5f: {  	_ =	swait.ge [sflag:s12], $0x800  }
0x60: {  	[sflag:s12] =	ssyncset.done $0x0  }
0x61: {  	[sflag:s12] =	ssyncadd.s32 $0xFFFFF800  }
0x62: {  	_ =	swait.ge [sflag:s13], $0x800  }
0x63: {  	[sflag:s13] =	ssyncset.done $0x0  }
0x64: {  	[sflag:s13] =	ssyncadd.s32 $0xFFFFF800  }
0x65: {  	_ =	swait.ge [sflag:s14], $0x800  }
0x66: {  	[sflag:s14] =	ssyncset.done $0x0  }
0x67: {  	[sflag:s14] =	ssyncadd.s32 $0xFFFFF800  }
0x68: {  	_ =	swait.ge [sflag:s15], $0x800  }
0x69: {  	[sflag:s15] =	ssyncset.done $0x0  }
0x6a: {  	[sflag:s15] =	ssyncadd.s32 $0xFFFFF800  }
0x6b: {  	_ =	swait.ge [sflag:s16], $0x800  }
0x6c: {  	s28 =	sadd.s32 $0x1, s28;
	[sflag:s16] =	ssyncset.done $0x0  }
0x6d: {  	p1 =	sne.s32 s28, s19;
	[sflag:s16] =	ssyncadd.s32 $0xFFFFF800  }
.Ltmp2:
0x6e: {  	[bflag:$0x0] =	sbarrier.arrive $0xFFFF;
	(pc) =	sbr.rel @p1 .LBB2_1-.Ltmp2, $4  }
0x6f: {  	[hbm:s18], [sflag:s7] =	dma.local [spmem:s20], $0x4F0  }
0x70: {  	_ =	swait.ge [sflag:s21], $0x4F0  }
0x71: {  	[sflag:s21] =	ssyncset.done $0x0  }
0x72: {  	[sflag:s21] =	ssyncadd.s32 $0xFFFFFB10  }
0x73: {  	_ =	sfence.sel $0x180000  }
0x74: {  	[bflag:$0x0] =	sbarrier.arrive $0xFFFF  }
0x75: {  	_ =	strace $0x9000004D  }
0x76: {  	s0 =	stileid.u32;
	[bflag:$0x2] =	sbarrier.arrive $0xFFFF  }
0x77: {  	p0 =	sne.s32 s0, $0x0;
	s0 =	rddreg [dreg:$0x3]  }
0x78: {  	s0 =	sadd.s32 @!p0 $0x100000, s0  }
0x79: {  	[sflag:s0] =	ssyncadd.tile.s32 @!p0 $0x1;
	_ =	shalt  }
.Lfunc_end2:
_tile_overlayer_lowered:
.L_overlay_start_2:
0x7a: {  	(tag) =	ssettag $0x2  }
0x7b: {  	s0 =	rddreg [dreg:$0x0];
	s2 =	stileid.u32  }
0x7c: {  	s1 =	rddreg [dreg:$0x1];
	p0 =	sne.s32 s2, $0x0  }
0x7d: {  	s3 =	rddreg [dreg:$0x2];
	[bflag:$0x3] =	sbarrier.arrive $0xFFFF;
	s2 =	simm.s32 @!p0 $0x1C19  }
0x7e: {  	[timem:s3], [sflag:s2] =	dma.local @!p0 [hbm:s0], s1  }
0x7f: {  	s0 =	simm.s32 @!p0 $0x19  }
0x80: {  	_ =	swait.ge @!p0 [sflag:s0], s1  }
0x81: {  	s1 =	ssub.s32 @!p0 $0x0, s1;
	[sflag:s0] =	ssyncset.done @!p0 $0x0  }
0x82: {  	[sflag:s0] =	ssyncadd.s32 @!p0 s1  }
0x83: {  	[bflag:$0x3] =	sbarrier.arrive $0xFFFF  }
0x84: {  	_ =	shalt  }

</sc_bundles>
